<compile_context>
chip_gen: v7x
topology: tpu7x:2x2x1
jax: 0.10.2.dev20260603
libtpu: 0.0.44.dev20260713+nightly
codegen_flags: <defaults>
</compile_context>

<pallas_src>
import functools

import jax
import jax.numpy as jnp
from jax import lax
from jax.experimental import pallas as pl
from jax.experimental.pallas import tpu as pltpu
from jax.experimental.pallas import tpu_sc as plsc

B = 32
LATENT = 256
N_ATOMS = 1024
T = 128
KSIZE = 7
FLAT = LATENT * T
KCOL = LATENT * KSIZE
LANES = 16
NVEC = FLAT // LANES


BB = 8
NT = BB * T


def _conv_argmax_body(x_ref, w_ref, bias_ref, ip_ref):
    xcat = jnp.concatenate([x_ref[i] for i in range(BB)], axis=1)
    tmod = lax.bitwise_and(
        lax.broadcasted_iota(jnp.int32, (LATENT, NT), 1), T - 1
    )
    cols = [xcat]
    for k in range(1, KSIZE):
        sh = jnp.concatenate(
            [xcat[:, k:], jnp.zeros((LATENT, k), jnp.float32)], axis=1
        )
        cols.append(jnp.where(tmod < T - k, sh, 0.0))
    xcol = jnp.concatenate(cols, axis=0)
    conv = lax.dot_general(
        w_ref[...], xcol, (((1,), (0,)), ((), ())),
        preferred_element_type=jnp.float32,
    )
    conv = conv + bias_ref[...]
    ids = (
        lax.broadcasted_iota(jnp.int32, (N_ATOMS, T), 0) * T
        + lax.broadcasted_iota(jnp.int32, (N_ATOMS, T), 1)
    )
    outs = []
    for i in range(BB):
        ci = lax.slice(conv, (0, i * T), (N_ATOMS, (i + 1) * T))
        m = jnp.max(ci)
        idx = jnp.min(jnp.where(ci == m, ids, jnp.int32(N_ATOMS * T)))
        outs.append(
            jnp.concatenate(
                [jnp.full((1, 1, T), idx // T, jnp.int32),
                 jnp.full((1, 1, T), idx % T, jnp.int32)],
                axis=1,
            )
        )
    ip_ref[...] = jnp.concatenate(outs, axis=0)


def _conv_argmax(x, wflat, bias2d):
    return pl.pallas_call(
        _conv_argmax_body,
        grid=(B // BB,),
        in_specs=[
            pl.BlockSpec((BB, LATENT, T), lambda b: (b, 0, 0)),
            pl.BlockSpec((N_ATOMS, KCOL), lambda b: (0, 0)),
            pl.BlockSpec((N_ATOMS, NT), lambda b: (0, 0)),
        ],
        out_specs=pl.BlockSpec((BB, 2, T), lambda b: (b, 0, 0)),
        out_shape=jax.ShapeDtypeStruct((B, 2, T), jnp.int32),
        compiler_params=pltpu.CompilerParams(
            dimension_semantics=("parallel",),
        ),
    )(x, wflat, bias2d)


def _sc_place_body(ip_hbm, x_hbm, atoms_hbm, scaled_hbm, resid_hbm,
                   ip_v, row_v, x_v, scl_v, sem, xsem):
    w = lax.axis_index("s") * 2 + lax.axis_index("c")
    VPC = T // LANES
    xdma = pltpu.async_copy(x_hbm.at[w], x_v, xsem)
    pltpu.sync_copy(ip_hbm.at[w], ip_v)
    rowdma = pltpu.async_copy(
        atoms_hbm.at[ip_v.at[0, pl.ds(0, 1)]], row_v, sem
    )
    xdma.wait()
    rowdma.wait()

    pv = ip_v[1, pl.ds(0, LANES)]
    thr = jnp.int32(T) - pv
    iota = lax.broadcasted_iota(jnp.int32, (LANES,), 0)
    zero16 = jnp.zeros((LANES,), jnp.int32)
    mA, idxA, mB, idxB = [], [], [], []
    for j in range(VPC):
        tv = iota + (j * LANES)
        mA.append(tv < thr)
        idxA.append(jnp.minimum(tv + pv, T - 1))
        mB.append(tv >= pv)
        idxB.append(jnp.maximum(tv - pv, 0))

    zz = tuple(jnp.zeros((LANES,), jnp.float32) for _ in range(VPC))

    @plsc.parallel_loop(0, LATENT, carry=(zz, zz))
    def pass_a(c, carry):
        n2s, crs = carry
        cs = jnp.full((LANES,), c, jnp.int32)
        n2o, cro = [], []
        for j in range(VPC):
            r = row_v[0, c, pl.ds(j * LANES, LANES)]
            xg = plsc.load_gather(x_v, [cs, idxA[j]], mask=mA[j])
            rm = jnp.where(mA[j], r, 0.0)
            n2o.append(n2s[j] + rm * rm)
            cro.append(crs[j] + rm * xg)
        return tuple(n2o), tuple(cro)

    n2s, crs = pass_a
    n2v = jnp.full((LANES,), jnp.sum(sum(n2s[1:], n2s[0])))
    crv = jnp.full((LANES,), jnp.sum(sum(crs[1:], crs[0])))
    y = plsc.bitcast(
        jnp.int32(0x5F3759DF) - (plsc.bitcast(n2v, jnp.int32) >> 1),
        jnp.float32,
    )
    half = 0.5 * n2v
    for _ in range(3):
        y = y * (1.5 - half * y * y)
    norm = n2v * y
    den = (norm + 1e-8) * (norm + 1e-8)
    s = crv / den

    def run_pass_b(c0, c1):
        @plsc.parallel_loop(c0, c1)
        def _pb(c):
            cs = jnp.full((LANES,), c, jnp.int32)
            for j in range(VPC):
                rg = plsc.load_gather(
                    row_v, [zero16, cs, idxB[j]], mask=mB[j]
                )
                sc = jnp.where(mB[j], rg, 0.0) * s
                xv = x_v[c, pl.ds(j * LANES, LANES)]
                scl_v[c, pl.ds(j * LANES, LANES)] = sc
                x_v[c, pl.ds(j * LANES, LANES)] = xv - sc

    HALF = LATENT // 2
    run_pass_b(0, HALF)
    d1 = pltpu.async_copy(
        scl_v.at[pl.ds(0, HALF)], scaled_hbm.at[w, pl.ds(0, HALF)], sem
    )
    d2 = pltpu.async_copy(
        x_v.at[pl.ds(0, HALF)], resid_hbm.at[w, pl.ds(0, HALF)], sem
    )
    run_pass_b(HALF, LATENT)
    d3 = pltpu.async_copy(
        scl_v.at[pl.ds(HALF, HALF)], scaled_hbm.at[w, pl.ds(HALF, HALF)], sem
    )
    d4 = pltpu.async_copy(
        x_v.at[pl.ds(HALF, HALF)], resid_hbm.at[w, pl.ds(HALF, HALF)], sem
    )
    d1.wait()
    d2.wait()
    d3.wait()
    d4.wait()


@functools.cache
def _make_sc_place():
    return pl.kernel(
        _sc_place_body,
        out_type=(
            jax.ShapeDtypeStruct((B, LATENT, T), jnp.float32),
            jax.ShapeDtypeStruct((B, LATENT, T), jnp.float32),
        ),
        mesh=plsc.VectorSubcoreMesh(
            core_axis_name="c", subcore_axis_name="s", num_cores=2,
            num_subcores=16,
        ),
        compiler_params=pltpu.CompilerParams(
            needs_layout_passes=False, use_tc_tiling_on_sc=True,
        ),
        scratch_types=[
            pltpu.VMEM((2, T), jnp.int32),
            pltpu.VMEM((1, LATENT, T), jnp.float32),
            pltpu.VMEM((LATENT, T), jnp.float32),
            pltpu.VMEM((LATENT, T), jnp.float32),
            pltpu.SemaphoreType.DMA,
            pltpu.SemaphoreType.DMA,
        ],
    )


@jax.jit
def kernel(x, W, b, atoms):
    wflat = jnp.concatenate([W[:, :, k] for k in range(KSIZE)], axis=1)
    bias2d = jnp.broadcast_to(b[:, None], (N_ATOMS, NT))
    ip_out = _conv_argmax(x, wflat, bias2d)
    scaled, resid = _make_sc_place()(ip_out, x, atoms)
    return scaled, resid

# --- scband reference (transcript-rebuilt; emitter-appended) ---
"""Pipeline reference for scband-matching-pursuit-block-12086037970984 (READ-ONLY COPY).

The authoritative reference and input builder live on the scoring server;
editing this copy changes nothing except your own understanding.
"""

import jax, jax.numpy as jnp
import numpy as np

B = 32
LATENT = 256      # latent_channels (must equal n_spec_coeffs)
N_ATOMS = 1024
N_SPEC = 256      # n_spec_coeffs
T = 128           # time dim, hard-coded by the module (indices // 128, atoms[..., 128])
KSIZE = 7


def setup_inputs(seed: int = 0) -> dict:
    key = jax.random.key(seed)
    k1, k2, k3, k4 = jax.random.split(key, 4)
    x = jax.random.normal(k1, (B, LATENT, T), dtype=jnp.float32)
    # Conv1d(latent_channels -> n_atoms, kernel=7) params, PyTorch default init
    fan_in = LATENT * KSIZE
    bound = 1.0 / np.sqrt(fan_in)
    W = jax.random.uniform(k2, (N_ATOMS, LATENT, KSIZE), minval=-bound, maxval=bound, dtype=jnp.float32)
    b = jax.random.uniform(k3, (N_ATOMS,), minval=-bound, maxval=bound, dtype=jnp.float32)
    # atoms parameter: uniform(-0.01, 0.01)
    atoms = jax.random.uniform(k4, (N_ATOMS, N_SPEC, T), minval=-0.01, maxval=0.01, dtype=jnp.float32)
    return {"x": x, "W": W, "b": b, "atoms": atoms}


def _unit_norm(x, eps=1e-8):
    n = jnp.sqrt(jnp.sum(x ** 2, axis=(-2, -1), keepdims=True))
    return x / (n + eps)


def reference(x, W, b, atoms):
    start_spec = x
    # F.pad(x, (0, 6)) then valid conv with kernel 7 -> output length == T
    xp = jnp.pad(x, ((0, 0), (0, 0), (0, 6)))
    conv = jax.lax.conv_general_dilated(
        xp, W, window_strides=(1,), padding="VALID",
        dimension_numbers=("NCH", "OIH", "NCH"))
    conv = conv + b[None, :, None]  # [B, N_ATOMS, T]
    # sparsify(x, n_to_keep=1, return_indices=True): top-1 over flattened (atoms x time)
    flat = conv.reshape(conv.shape[0], -1)
    values, indices = jax.lax.top_k(flat, 1)  # values unused downstream
    idx = indices[:, 0]                       # [B]
    atom_index = idx // T                     # which atom
    position = idx % T                        # placement position
    # pallette[i, :, pos:] += atoms[ai, :, :T-pos]  (vectorized)
    sel = atoms[atom_index]                   # [B, N_SPEC, T]
    t = jnp.arange(T)
    src = t[None, :] - position[:, None]      # [B, T]
    valid = (src >= 0).astype(x.dtype)        # [B, T]
    src_idx = jnp.broadcast_to(jnp.clip(src, 0, T - 1)[:, None, :], sel.shape)
    pallette = jnp.take_along_axis(sel, src_idx, axis=2) * valid[:, None, :]
    normed = _unit_norm(pallette)
    corr = jnp.sum(start_spec * normed, axis=(-2, -1), keepdims=True)
    scaled = normed * corr
    residual = start_spec - scaled
    return (scaled, residual)

if __name__ == "__main__":
    import jax
    _d = setup_inputs()
    print(jax.jit(kernel)(*tuple(_d.values())))

</pallas_src>

<mosaic_0001>
#map = affine_map<(d0, d1) -> (0, 0, 0)>
module attributes {stable_mosaic.version = 14 : i64} {
  func.func @_sc_place_body(%arg0: i32, %arg1: i32, %arg2: memref<32x2x128xi32, #tpu.memory_space<hbm>>, %arg3: memref<32x256x128xf32, #tpu.memory_space<hbm>>, %arg4: memref<1024x256x128xf32, #tpu.memory_space<hbm>>, %arg5: memref<32x256x128xf32, #tpu.memory_space<hbm>>, %arg6: memref<32x256x128xf32, #tpu.memory_space<hbm>>, %arg7: memref<2x128xi32, #tpu.memory_space<vmem>>, %arg8: memref<1x256x128xf32, #tpu.memory_space<vmem>>, %arg9: memref<256x128xf32, #tpu.memory_space<vmem>>, %arg10: memref<256x128xf32, #tpu.memory_space<vmem>>, %arg11: memref<!tpu.dma_semaphore, #tpu.memory_space<semaphore_mem>>, %arg12: memref<!tpu.dma_semaphore, #tpu.memory_space<semaphore_mem>>) attributes {dimension_semantics = [#tpu.dimension_semantics<core_parallel>, #tpu.dimension_semantics<subcore_parallel>], iteration_bounds = array<i64: 2, 16>, scalar_prefetch = 0 : i64, scratch_operands = 6 : i64, tpu.core_type = #tpu.core_type<sc_vector_subcore>, window_params = [{transform_indices = #map}, {transform_indices = #map}, {transform_indices = #map}, {transform_indices = #map}, {transform_indices = #map}]} {
    %mul3A = arith.constant 2 : i32
    %mul3A_0 = arith.muli %arg1, %mul3A : i32
    %add3A = arith.addi %mul3A_0, %arg0 : i32
    %dma_start3A = arith.constant 0 : i32
    %dma_start3A_1 = arith.constant 0 : i32
    %dma_start3A_2 = tpu.memref_slice %arg3[%add3A, %dma_start3A, %dma_start3A_1] : memref<32x256x128xf32, #tpu.memory_space<hbm>> -> memref<1x256x128xf32, #tpu.memory_space<hbm>>
    %dma_start3A_3 = tpu.memref_squeeze %dma_start3A_2 : memref<1x256x128xf32, #tpu.memory_space<hbm>> -> memref<256x128xf32, #tpu.memory_space<hbm>>
    %dma_start3A_4 = arith.constant 0 : i32
    %dma_start3A_5 = arith.constant 0 : i32
    %dma_start3A_6 = tpu.memref_slice %arg3[%add3A, %dma_start3A_4, %dma_start3A_5] : memref<32x256x128xf32, #tpu.memory_space<hbm>> -> memref<1x256x128xf32, #tpu.memory_space<hbm>>
    %dma_start3A_7 = tpu.memref_squeeze %dma_start3A_6 : memref<1x256x128xf32, #tpu.memory_space<hbm>> -> memref<256x128xf32, #tpu.memory_space<hbm>>
    tpu.enqueue_dma source(%dma_start3A_7 : memref<256x128xf32, #tpu.memory_space<hbm>>) target(%arg9 : memref<256x128xf32, #tpu.memory_space<vmem>>) target_semaphore(%arg12 : memref<!tpu.dma_semaphore, #tpu.memory_space<semaphore_mem>>)
    "tpu.region"() ({
      %run_scoped3A = tpu.sem_alloc : memref<!tpu.dma_semaphore, #tpu.memory_space<semaphore_mem>>
      %dma_start3A_332 = arith.constant 0 : i32
      %dma_start3A_333 = arith.constant 0 : i32
      %dma_start3A_334 = tpu.memref_slice %arg2[%add3A, %dma_start3A_332, %dma_start3A_333] : memref<32x2x128xi32, #tpu.memory_space<hbm>> -> memref<1x2x128xi32, #tpu.memory_space<hbm>>
      %dma_start3A_335 = tpu.memref_squeeze %dma_start3A_334 : memref<1x2x128xi32, #tpu.memory_space<hbm>> -> memref<2x128xi32, #tpu.memory_space<hbm>>
      %dma_start3A_336 = arith.constant 0 : i32
      %dma_start3A_337 = arith.constant 0 : i32
      %dma_start3A_338 = tpu.memref_slice %arg2[%add3A, %dma_start3A_336, %dma_start3A_337] : memref<32x2x128xi32, #tpu.memory_space<hbm>> -> memref<1x2x128xi32, #tpu.memory_space<hbm>>
      %dma_start3A_339 = tpu.memref_squeeze %dma_start3A_338 : memref<1x2x128xi32, #tpu.memory_space<hbm>> -> memref<2x128xi32, #tpu.memory_space<hbm>>
      tpu.enqueue_dma source(%dma_start3A_339 : memref<2x128xi32, #tpu.memory_space<hbm>>) target(%arg7 : memref<2x128xi32, #tpu.memory_space<vmem>>) target_semaphore(%run_scoped3A : memref<!tpu.dma_semaphore, #tpu.memory_space<semaphore_mem>>)
      %dma_wait3A_340 = arith.constant 0 : i32
      %dma_wait3A_341 = arith.constant 0 : i32
      %dma_wait3A_342 = tpu.memref_slice %arg2[%add3A, %dma_wait3A_340, %dma_wait3A_341] : memref<32x2x128xi32, #tpu.memory_space<hbm>> -> memref<1x2x128xi32, #tpu.memory_space<hbm>>
      %dma_wait3A_343 = tpu.memref_squeeze %dma_wait3A_342 : memref<1x2x128xi32, #tpu.memory_space<hbm>> -> memref<2x128xi32, #tpu.memory_space<hbm>>
      %dma_wait3A_344 = arith.constant 0 : i32
      %dma_wait3A_345 = arith.constant 0 : i32
      %dma_wait3A_346 = tpu.memref_slice %arg2[%add3A, %dma_wait3A_344, %dma_wait3A_345] : memref<32x2x128xi32, #tpu.memory_space<hbm>> -> memref<1x2x128xi32, #tpu.memory_space<hbm>>
      %dma_wait3A_347 = tpu.memref_squeeze %dma_wait3A_346 : memref<1x2x128xi32, #tpu.memory_space<hbm>> -> memref<2x128xi32, #tpu.memory_space<hbm>>
      tpu.wait_dma2 semaphore(%run_scoped3A : memref<!tpu.dma_semaphore, #tpu.memory_space<semaphore_mem>>) src(%dma_wait3A_347 : memref<2x128xi32, #tpu.memory_space<hbm>>) dst(%arg7 : memref<2x128xi32, #tpu.memory_space<vmem>>)
      tpu.yield
    }) : () -> ()
    %dma_start3A_8 = arith.constant 0 : i32
    %dma_start3A_9 = arith.constant 0 : i32
    %dma_start3A_10 = tpu.memref_slice %arg7[%dma_start3A_8, %dma_start3A_9] : memref<2x128xi32, #tpu.memory_space<vmem>> -> memref<1x1xi32, #tpu.memory_space<vmem>>
    %dma_start3A_11 = tpu.memref_squeeze %dma_start3A_10 : memref<1x1xi32, #tpu.memory_space<vmem>> -> memref<1xi32, #tpu.memory_space<vmem>>
    %dma_start3A_12 = arith.constant 0 : i32
    %dma_start3A_13 = arith.constant 0 : i32
    %dma_start3A_14 = arith.constant 0 : i32
    %dma_start3A_15 = tpu.memref_slice %arg4[%dma_start3A_12, %dma_start3A_13, %dma_start3A_14] : memref<1024x256x128xf32, #tpu.memory_space<hbm>> -> memref<1024x256x128xf32, #tpu.memory_space<hbm>>
    tpu.enqueue_indirect_dma source(%dma_start3A_15 : memref<1024x256x128xf32, #tpu.memory_space<hbm>>) target(%arg8 : memref<1x256x128xf32, #tpu.memory_space<vmem>>) offsets(%dma_start3A_11 : memref<1xi32, #tpu.memory_space<vmem>>) semaphore(%arg11 : memref<!tpu.dma_semaphore, #tpu.memory_space<semaphore_mem>>)
    %dma_wait3A = arith.constant 0 : i32
    %dma_wait3A_16 = arith.constant 0 : i32
    %dma_wait3A_17 = tpu.memref_slice %arg3[%add3A, %dma_wait3A, %dma_wait3A_16] : memref<32x256x128xf32, #tpu.memory_space<hbm>> -> memref<1x256x128xf32, #tpu.memory_space<hbm>>
    %dma_wait3A_18 = tpu.memref_squeeze %dma_wait3A_17 : memref<1x256x128xf32, #tpu.memory_space<hbm>> -> memref<256x128xf32, #tpu.memory_space<hbm>>
    %dma_wait3A_19 = arith.constant 0 : i32
    %dma_wait3A_20 = arith.constant 0 : i32
    %dma_wait3A_21 = tpu.memref_slice %arg3[%add3A, %dma_wait3A_19, %dma_wait3A_20] : memref<32x256x128xf32, #tpu.memory_space<hbm>> -> memref<1x256x128xf32, #tpu.memory_space<hbm>>
    %dma_wait3A_22 = tpu.memref_squeeze %dma_wait3A_21 : memref<1x256x128xf32, #tpu.memory_space<hbm>> -> memref<256x128xf32, #tpu.memory_space<hbm>>
    tpu.wait_dma2 semaphore(%arg12 : memref<!tpu.dma_semaphore, #tpu.memory_space<semaphore_mem>>) src(%dma_wait3A_22 : memref<256x128xf32, #tpu.memory_space<hbm>>) dst(%arg9 : memref<256x128xf32, #tpu.memory_space<vmem>>)
    %dma_wait3A_23 = arith.constant 0 : i32
    %dma_wait3A_24 = arith.constant 0 : i32
    %dma_wait3A_25 = tpu.memref_slice %arg7[%dma_wait3A_23, %dma_wait3A_24] : memref<2x128xi32, #tpu.memory_space<vmem>> -> memref<1x1xi32, #tpu.memory_space<vmem>>
    %dma_wait3A_26 = tpu.memref_squeeze %dma_wait3A_25 : memref<1x1xi32, #tpu.memory_space<vmem>> -> memref<1xi32, #tpu.memory_space<vmem>>
    %dma_wait3A_27 = arith.constant 0 : i32
    %dma_wait3A_28 = arith.constant 0 : i32
    %dma_wait3A_29 = arith.constant 0 : i32
    %dma_wait3A_30 = tpu.memref_slice %arg4[%dma_wait3A_27, %dma_wait3A_28, %dma_wait3A_29] : memref<1024x256x128xf32, #tpu.memory_space<hbm>> -> memref<1024x256x128xf32, #tpu.memory_space<hbm>>
    tpu.wait_indirect_dma semaphore(%arg11 : memref<!tpu.dma_semaphore, #tpu.memory_space<semaphore_mem>>) src(%dma_wait3A_30 : memref<1024x256x128xf32, #tpu.memory_space<hbm>>) dst(%arg8 : memref<1x256x128xf32, #tpu.memory_space<vmem>>)
    %get3A = arith.constant 1 : i32
    %get3A_31 = arith.index_cast %get3A : i32 to index
    %get3A_32 = arith.constant 0 : index
    %get3A_33 = tpu.vector_load %arg7[%get3A_31, %get3A_32] {strides = array<i32>} : memref<2x128xi32, #tpu.memory_space<vmem>>, vector<16xi32>,
    %sub3A = arith.constant 128 : i32
    %sub3A_34 = vector.broadcast %sub3A : i32 to vector<16xi32>
    %sub3A_35 = arith.subi %sub3A_34, %get3A_33 : vector<16xi32>
    %iota3A = tpu.iota {dimensions = array<i32: 0>} : vector<16xi32>
    %broadcast_in_dim3A = arith.constant 0 : i32
    %broadcast_in_dim3A_36 = vector.broadcast %broadcast_in_dim3A : i32 to vector<16xi32>
    %add3A_37 = arith.constant 0 : i32
    %add3A_38 = vector.broadcast %add3A_37 : i32 to vector<16xi32>
    %add3A_39 = arith.addi %iota3A, %add3A_38 : vector<16xi32>
    %lt3A = arith.cmpi slt, %add3A_39, %sub3A_35 : vector<16xi32>
    %add3A_40 = arith.addi %add3A_39, %get3A_33 : vector<16xi32>
    %min3A = arith.constant 127 : i32
    %min3A_41 = vector.broadcast %min3A : i32 to vector<16xi32>
    %min3A_42 = arith.minsi %add3A_40, %min3A_41 : vector<16xi32>
    %ge3A = arith.cmpi sge, %add3A_39, %get3A_33 : vector<16xi32>
    %sub3A_43 = arith.subi %add3A_39, %get3A_33 : vector<16xi32>
    %max3A = arith.constant 0 : i32
    %max3A_44 = vector.broadcast %max3A : i32 to vector<16xi32>
    %max3A_45 = arith.maxsi %sub3A_43, %max3A_44 : vector<16xi32>
    %add3A_46 = arith.constant 16 : i32
    %add3A_47 = vector.broadcast %add3A_46 : i32 to vector<16xi32>
    %add3A_48 = arith.addi %iota3A, %add3A_47 : vector<16xi32>
    %lt3A_49 = arith.cmpi slt, %add3A_48, %sub3A_35 : vector<16xi32>
    %add3A_50 = arith.addi %add3A_48, %get3A_33 : vector<16xi32>
    %min3A_51 = arith.constant 127 : i32
    %min3A_52 = vector.broadcast %min3A_51 : i32 to vector<16xi32>
    %min3A_53 = arith.minsi %add3A_50, %min3A_52 : vector<16xi32>
    %ge3A_54 = arith.cmpi sge, %add3A_48, %get3A_33 : vector<16xi32>
    %sub3A_55 = arith.subi %add3A_48, %get3A_33 : vector<16xi32>
    %max3A_56 = arith.constant 0 : i32
    %max3A_57 = vector.broadcast %max3A_56 : i32 to vector<16xi32>
    %max3A_58 = arith.maxsi %sub3A_55, %max3A_57 : vector<16xi32>
    %add3A_59 = arith.constant 32 : i32
    %add3A_60 = vector.broadcast %add3A_59 : i32 to vector<16xi32>
    %add3A_61 = arith.addi %iota3A, %add3A_60 : vector<16xi32>
    %lt3A_62 = arith.cmpi slt, %add3A_61, %sub3A_35 : vector<16xi32>
    %add3A_63 = arith.addi %add3A_61, %get3A_33 : vector<16xi32>
    %min3A_64 = arith.constant 127 : i32
    %min3A_65 = vector.broadcast %min3A_64 : i32 to vector<16xi32>
    %min3A_66 = arith.minsi %add3A_63, %min3A_65 : vector<16xi32>
    %ge3A_67 = arith.cmpi sge, %add3A_61, %get3A_33 : vector<16xi32>
    %sub3A_68 = arith.subi %add3A_61, %get3A_33 : vector<16xi32>
    %max3A_69 = arith.constant 0 : i32
    %max3A_70 = vector.broadcast %max3A_69 : i32 to vector<16xi32>
    %max3A_71 = arith.maxsi %sub3A_68, %max3A_70 : vector<16xi32>
    %add3A_72 = arith.constant 48 : i32
    %add3A_73 = vector.broadcast %add3A_72 : i32 to vector<16xi32>
    %add3A_74 = arith.addi %iota3A, %add3A_73 : vector<16xi32>
    %lt3A_75 = arith.cmpi slt, %add3A_74, %sub3A_35 : vector<16xi32>
    %add3A_76 = arith.addi %add3A_74, %get3A_33 : vector<16xi32>
    %min3A_77 = arith.constant 127 : i32
    %min3A_78 = vector.broadcast %min3A_77 : i32 to vector<16xi32>
    %min3A_79 = arith.minsi %add3A_76, %min3A_78 : vector<16xi32>
    %ge3A_80 = arith.cmpi sge, %add3A_74, %get3A_33 : vector<16xi32>
    %sub3A_81 = arith.subi %add3A_74, %get3A_33 : vector<16xi32>
    %max3A_82 = arith.constant 0 : i32
    %max3A_83 = vector.broadcast %max3A_82 : i32 to vector<16xi32>
    %max3A_84 = arith.maxsi %sub3A_81, %max3A_83 : vector<16xi32>
    %add3A_85 = arith.constant 64 : i32
    %add3A_86 = vector.broadcast %add3A_85 : i32 to vector<16xi32>
    %add3A_87 = arith.addi %iota3A, %add3A_86 : vector<16xi32>
    %lt3A_88 = arith.cmpi slt, %add3A_87, %sub3A_35 : vector<16xi32>
    %add3A_89 = arith.addi %add3A_87, %get3A_33 : vector<16xi32>
    %min3A_90 = arith.constant 127 : i32
    %min3A_91 = vector.broadcast %min3A_90 : i32 to vector<16xi32>
    %min3A_92 = arith.minsi %add3A_89, %min3A_91 : vector<16xi32>
    %ge3A_93 = arith.cmpi sge, %add3A_87, %get3A_33 : vector<16xi32>
    %sub3A_94 = arith.subi %add3A_87, %get3A_33 : vector<16xi32>
    %max3A_95 = arith.constant 0 : i32
    %max3A_96 = vector.broadcast %max3A_95 : i32 to vector<16xi32>
    %max3A_97 = arith.maxsi %sub3A_94, %max3A_96 : vector<16xi32>
    %add3A_98 = arith.constant 80 : i32
    %add3A_99 = vector.broadcast %add3A_98 : i32 to vector<16xi32>
    %add3A_100 = arith.addi %iota3A, %add3A_99 : vector<16xi32>
    %lt3A_101 = arith.cmpi slt, %add3A_100, %sub3A_35 : vector<16xi32>
    %add3A_102 = arith.addi %add3A_100, %get3A_33 : vector<16xi32>
    %min3A_103 = arith.constant 127 : i32
    %min3A_104 = vector.broadcast %min3A_103 : i32 to vector<16xi32>
    %min3A_105 = arith.minsi %add3A_102, %min3A_104 : vector<16xi32>
    %ge3A_106 = arith.cmpi sge, %add3A_100, %get3A_33 : vector<16xi32>
    %sub3A_107 = arith.subi %add3A_100, %get3A_33 : vector<16xi32>
    %max3A_108 = arith.constant 0 : i32
    %max3A_109 = vector.broadcast %max3A_108 : i32 to vector<16xi32>
    %max3A_110 = arith.maxsi %sub3A_107, %max3A_109 : vector<16xi32>
    %add3A_111 = arith.constant 96 : i32
    %add3A_112 = vector.broadcast %add3A_111 : i32 to vector<16xi32>
    %add3A_113 = arith.addi %iota3A, %add3A_112 : vector<16xi32>
    %lt3A_114 = arith.cmpi slt, %add3A_113, %sub3A_35 : vector<16xi32>
    %add3A_115 = arith.addi %add3A_113, %get3A_33 : vector<16xi32>
    %min3A_116 = arith.constant 127 : i32
    %min3A_117 = vector.broadcast %min3A_116 : i32 to vector<16xi32>
    %min3A_118 = arith.minsi %add3A_115, %min3A_117 : vector<16xi32>
    %ge3A_119 = arith.cmpi sge, %add3A_113, %get3A_33 : vector<16xi32>
    %sub3A_120 = arith.subi %add3A_113, %get3A_33 : vector<16xi32>
    %max3A_121 = arith.constant 0 : i32
    %max3A_122 = vector.broadcast %max3A_121 : i32 to vector<16xi32>
    %max3A_123 = arith.maxsi %sub3A_120, %max3A_122 : vector<16xi32>
    %add3A_124 = arith.constant 112 : i32
    %add3A_125 = vector.broadcast %add3A_124 : i32 to vector<16xi32>
    %add3A_126 = arith.addi %iota3A, %add3A_125 : vector<16xi32>
    %lt3A_127 = arith.cmpi slt, %add3A_126, %sub3A_35 : vector<16xi32>
    %add3A_128 = arith.addi %add3A_126, %get3A_33 : vector<16xi32>
    %min3A_129 = arith.constant 127 : i32
    %min3A_130 = vector.broadcast %min3A_129 : i32 to vector<16xi32>
    %min3A_131 = arith.minsi %add3A_128, %min3A_130 : vector<16xi32>
    %ge3A_132 = arith.cmpi sge, %add3A_126, %get3A_33 : vector<16xi32>
    %sub3A_133 = arith.subi %add3A_126, %get3A_33 : vector<16xi32>
    %max3A_134 = arith.constant 0 : i32
    %max3A_135 = vector.broadcast %max3A_134 : i32 to vector<16xi32>
    %max3A_136 = arith.maxsi %sub3A_133, %max3A_135 : vector<16xi32>
    %broadcast_in_dim3A_137 = arith.constant 0.000000e+00 : f32
    %broadcast_in_dim3A_138 = vector.broadcast %broadcast_in_dim3A_137 : f32 to vector<16xf32>
    %broadcast_in_dim3A_139 = arith.constant 0.000000e+00 : f32
    %broadcast_in_dim3A_140 = vector.broadcast %broadcast_in_dim3A_139 : f32 to vector<16xf32>
    %broadcast_in_dim3A_141 = arith.constant 0.000000e+00 : f32
    %broadcast_in_dim3A_142 = vector.broadcast %broadcast_in_dim3A_141 : f32 to vector<16xf32>
    %broadcast_in_dim3A_143 = arith.constant 0.000000e+00 : f32
    %broadcast_in_dim3A_144 = vector.broadcast %broadcast_in_dim3A_143 : f32 to vector<16xf32>
    %broadcast_in_dim3A_145 = arith.constant 0.000000e+00 : f32
    %broadcast_in_dim3A_146 = vector.broadcast %broadcast_in_dim3A_145 : f32 to vector<16xf32>
    %broadcast_in_dim3A_147 = arith.constant 0.000000e+00 : f32
    %broadcast_in_dim3A_148 = vector.broadcast %broadcast_in_dim3A_147 : f32 to vector<16xf32>
    %broadcast_in_dim3A_149 = arith.constant 0.000000e+00 : f32
    %broadcast_in_dim3A_150 = vector.broadcast %broadcast_in_dim3A_149 : f32 to vector<16xf32>
    %broadcast_in_dim3A_151 = arith.constant 0.000000e+00 : f32
    %broadcast_in_dim3A_152 = vector.broadcast %broadcast_in_dim3A_151 : f32 to vector<16xf32>
    %parallel_loop3A = arith.constant 0 : i32
    %parallel_loop3A_153 = arith.constant 256 : i32
    %parallel_loop3A_154 = arith.constant 1 : i32
    %parallel_loop3A_155:16 = scf.for %parallel_loop3A_332 = %parallel_loop3A to %parallel_loop3A_153 step %parallel_loop3A_154 iter_args(%parallel_loop3A_333 = %broadcast_in_dim3A_138, %parallel_loop3A_334 = %broadcast_in_dim3A_140, %parallel_loop3A_335 = %broadcast_in_dim3A_142, %parallel_loop3A_336 = %broadcast_in_dim3A_144, %parallel_loop3A_337 = %broadcast_in_dim3A_146, %parallel_loop3A_338 = %broadcast_in_dim3A_148, %parallel_loop3A_339 = %broadcast_in_dim3A_150, %parallel_loop3A_340 = %broadcast_in_dim3A_152, %parallel_loop3A_341 = %broadcast_in_dim3A_138, %parallel_loop3A_342 = %broadcast_in_dim3A_140, %parallel_loop3A_343 = %broadcast_in_dim3A_142, %parallel_loop3A_344 = %broadcast_in_dim3A_144, %parallel_loop3A_345 = %broadcast_in_dim3A_146, %parallel_loop3A_346 = %broadcast_in_dim3A_148, %parallel_loop3A_347 = %broadcast_in_dim3A_150, %parallel_loop3A_348 = %broadcast_in_dim3A_152) -> (vector<16xf32>, vector<16xf32>, vector<16xf32>, vector<16xf32>, vector<16xf32>, vector<16xf32>, vector<16xf32>, vector<16xf32>, vector<16xf32>, vector<16xf32>, vector<16xf32>, vector<16xf32>, vector<16xf32>, vector<16xf32>, vector<16xf32>, vector<16xf32>)  : i32 {
      %parallel_loop3A_349 = vector.broadcast %parallel_loop3A_332 : i32 to vector<16xi32>
      %parallel_loop3A_350 = arith.constant 0 : i32
      %parallel_loop3A_351 = arith.index_cast %parallel_loop3A_350 : i32 to index
      %parallel_loop3A_352 = arith.index_cast %parallel_loop3A_332 : i32 to index
      %parallel_loop3A_353 = arith.constant 0 : index
      %parallel_loop3A_354 = tpu.vector_load %arg8[%parallel_loop3A_351, %parallel_loop3A_352, %parallel_loop3A_353] {strides = array<i32>} : memref<1x256x128xf32, #tpu.memory_space<vmem>>, vector<16xf32>,
      %parallel_loop3A_355 = tpu.vector_load_idx %arg9[%parallel_loop3A_349, %min3A_42] masked %lt3A : memref<256x128xf32, #tpu.memory_space<vmem>>[vector<16xi32>, vector<16xi32>], vector<16xf32>, vector<16xi1>
      %parallel_loop3A_356 = arith.constant 0.000000e+00 : f32
      %parallel_loop3A_357 = vector.broadcast %parallel_loop3A_356 : f32 to vector<16xf32>
      %parallel_loop3A_358 = arith.select %lt3A, %parallel_loop3A_354, %parallel_loop3A_357 : vector<16xi1>, vector<16xf32>
      %parallel_loop3A_359 = arith.mulf %parallel_loop3A_358, %parallel_loop3A_358 : vector<16xf32>
      %parallel_loop3A_360 = arith.addf %parallel_loop3A_333, %parallel_loop3A_359 : vector<16xf32>
      %parallel_loop3A_361 = arith.mulf %parallel_loop3A_358, %parallel_loop3A_355 : vector<16xf32>
      %parallel_loop3A_362 = arith.addf %parallel_loop3A_341, %parallel_loop3A_361 : vector<16xf32>
      %parallel_loop3A_363 = arith.constant 0 : i32
      %parallel_loop3A_364 = arith.index_cast %parallel_loop3A_363 : i32 to index
      %parallel_loop3A_365 = arith.index_cast %parallel_loop3A_332 : i32 to index
      %parallel_loop3A_366 = arith.constant 16 : index
      %parallel_loop3A_367 = tpu.vector_load %arg8[%parallel_loop3A_364, %parallel_loop3A_365, %parallel_loop3A_366] {strides = array<i32>} : memref<1x256x128xf32, #tpu.memory_space<vmem>>, vector<16xf32>,
      %parallel_loop3A_368 = tpu.vector_load_idx %arg9[%parallel_loop3A_349, %min3A_53] masked %lt3A_49 : memref<256x128xf32, #tpu.memory_space<vmem>>[vector<16xi32>, vector<16xi32>], vector<16xf32>, vector<16xi1>
      %parallel_loop3A_369 = arith.constant 0.000000e+00 : f32
      %parallel_loop3A_370 = vector.broadcast %parallel_loop3A_369 : f32 to vector<16xf32>
      %parallel_loop3A_371 = arith.select %lt3A_49, %parallel_loop3A_367, %parallel_loop3A_370 : vector<16xi1>, vector<16xf32>
      %parallel_loop3A_372 = arith.mulf %parallel_loop3A_371, %parallel_loop3A_371 : vector<16xf32>
      %parallel_loop3A_373 = arith.addf %parallel_loop3A_334, %parallel_loop3A_372 : vector<16xf32>
      %parallel_loop3A_374 = arith.mulf %parallel_loop3A_371, %parallel_loop3A_368 : vector<16xf32>
      %parallel_loop3A_375 = arith.addf %parallel_loop3A_342, %parallel_loop3A_374 : vector<16xf32>
      %parallel_loop3A_376 = arith.constant 0 : i32
      %parallel_loop3A_377 = arith.index_cast %parallel_loop3A_376 : i32 to index
      %parallel_loop3A_378 = arith.index_cast %parallel_loop3A_332 : i32 to index
      %parallel_loop3A_379 = arith.constant 32 : index
      %parallel_loop3A_380 = tpu.vector_load %arg8[%parallel_loop3A_377, %parallel_loop3A_378, %parallel_loop3A_379] {strides = array<i32>} : memref<1x256x128xf32, #tpu.memory_space<vmem>>, vector<16xf32>,
      %parallel_loop3A_381 = tpu.vector_load_idx %arg9[%parallel_loop3A_349, %min3A_66] masked %lt3A_62 : memref<256x128xf32, #tpu.memory_space<vmem>>[vector<16xi32>, vector<16xi32>], vector<16xf32>, vector<16xi1>
      %parallel_loop3A_382 = arith.constant 0.000000e+00 : f32
      %parallel_loop3A_383 = vector.broadcast %parallel_loop3A_382 : f32 to vector<16xf32>
      %parallel_loop3A_384 = arith.select %lt3A_62, %parallel_loop3A_380, %parallel_loop3A_383 : vector<16xi1>, vector<16xf32>
      %parallel_loop3A_385 = arith.mulf %parallel_loop3A_384, %parallel_loop3A_384 : vector<16xf32>
      %parallel_loop3A_386 = arith.addf %parallel_loop3A_335, %parallel_loop3A_385 : vector<16xf32>
      %parallel_loop3A_387 = arith.mulf %parallel_loop3A_384, %parallel_loop3A_381 : vector<16xf32>
      %parallel_loop3A_388 = arith.addf %parallel_loop3A_343, %parallel_loop3A_387 : vector<16xf32>
      %parallel_loop3A_389 = arith.constant 0 : i32
      %parallel_loop3A_390 = arith.index_cast %parallel_loop3A_389 : i32 to index
      %parallel_loop3A_391 = arith.index_cast %parallel_loop3A_332 : i32 to index
      %parallel_loop3A_392 = arith.constant 48 : index
      %parallel_loop3A_393 = tpu.vector_load %arg8[%parallel_loop3A_390, %parallel_loop3A_391, %parallel_loop3A_392] {strides = array<i32>} : memref<1x256x128xf32, #tpu.memory_space<vmem>>, vector<16xf32>,
      %parallel_loop3A_394 = tpu.vector_load_idx %arg9[%parallel_loop3A_349, %min3A_79] masked %lt3A_75 : memref<256x128xf32, #tpu.memory_space<vmem>>[vector<16xi32>, vector<16xi32>], vector<16xf32>, vector<16xi1>
      %parallel_loop3A_395 = arith.constant 0.000000e+00 : f32
      %parallel_loop3A_396 = vector.broadcast %parallel_loop3A_395 : f32 to vector<16xf32>
      %parallel_loop3A_397 = arith.select %lt3A_75, %parallel_loop3A_393, %parallel_loop3A_396 : vector<16xi1>, vector<16xf32>
      %parallel_loop3A_398 = arith.mulf %parallel_loop3A_397, %parallel_loop3A_397 : vector<16xf32>
      %parallel_loop3A_399 = arith.addf %parallel_loop3A_336, %parallel_loop3A_398 : vector<16xf32>
      %parallel_loop3A_400 = arith.mulf %parallel_loop3A_397, %parallel_loop3A_394 : vector<16xf32>
      %parallel_loop3A_401 = arith.addf %parallel_loop3A_344, %parallel_loop3A_400 : vector<16xf32>
      %parallel_loop3A_402 = arith.constant 0 : i32
      %parallel_loop3A_403 = arith.index_cast %parallel_loop3A_402 : i32 to index
      %parallel_loop3A_404 = arith.index_cast %parallel_loop3A_332 : i32 to index
      %parallel_loop3A_405 = arith.constant 64 : index
      %parallel_loop3A_406 = tpu.vector_load %arg8[%parallel_loop3A_403, %parallel_loop3A_404, %parallel_loop3A_405] {strides = array<i32>} : memref<1x256x128xf32, #tpu.memory_space<vmem>>, vector<16xf32>,
      %parallel_loop3A_407 = tpu.vector_load_idx %arg9[%parallel_loop3A_349, %min3A_92] masked %lt3A_88 : memref<256x128xf32, #tpu.memory_space<vmem>>[vector<16xi32>, vector<16xi32>], vector<16xf32>, vector<16xi1>
      %parallel_loop3A_408 = arith.constant 0.000000e+00 : f32
      %parallel_loop3A_409 = vector.broadcast %parallel_loop3A_408 : f32 to vector<16xf32>
      %parallel_loop3A_410 = arith.select %lt3A_88, %parallel_loop3A_406, %parallel_loop3A_409 : vector<16xi1>, vector<16xf32>
      %parallel_loop3A_411 = arith.mulf %parallel_loop3A_410, %parallel_loop3A_410 : vector<16xf32>
      %parallel_loop3A_412 = arith.addf %parallel_loop3A_337, %parallel_loop3A_411 : vector<16xf32>
      %parallel_loop3A_413 = arith.mulf %parallel_loop3A_410, %parallel_loop3A_407 : vector<16xf32>
      %parallel_loop3A_414 = arith.addf %parallel_loop3A_345, %parallel_loop3A_413 : vector<16xf32>
      %parallel_loop3A_415 = arith.constant 0 : i32
      %parallel_loop3A_416 = arith.index_cast %parallel_loop3A_415 : i32 to index
      %parallel_loop3A_417 = arith.index_cast %parallel_loop3A_332 : i32 to index
      %parallel_loop3A_418 = arith.constant 80 : index
      %parallel_loop3A_419 = tpu.vector_load %arg8[%parallel_loop3A_416, %parallel_loop3A_417, %parallel_loop3A_418] {strides = array<i32>} : memref<1x256x128xf32, #tpu.memory_space<vmem>>, vector<16xf32>,
      %parallel_loop3A_420 = tpu.vector_load_idx %arg9[%parallel_loop3A_349, %min3A_105] masked %lt3A_101 : memref<256x128xf32, #tpu.memory_space<vmem>>[vector<16xi32>, vector<16xi32>], vector<16xf32>, vector<16xi1>
      %parallel_loop3A_421 = arith.constant 0.000000e+00 : f32
      %parallel_loop3A_422 = vector.broadcast %parallel_loop3A_421 : f32 to vector<16xf32>
      %parallel_loop3A_423 = arith.select %lt3A_101, %parallel_loop3A_419, %parallel_loop3A_422 : vector<16xi1>, vector<16xf32>
      %parallel_loop3A_424 = arith.mulf %parallel_loop3A_423, %parallel_loop3A_423 : vector<16xf32>
      %parallel_loop3A_425 = arith.addf %parallel_loop3A_338, %parallel_loop3A_424 : vector<16xf32>
      %parallel_loop3A_426 = arith.mulf %parallel_loop3A_423, %parallel_loop3A_420 : vector<16xf32>
      %parallel_loop3A_427 = arith.addf %parallel_loop3A_346, %parallel_loop3A_426 : vector<16xf32>
      %parallel_loop3A_428 = arith.constant 0 : i32
      %parallel_loop3A_429 = arith.index_cast %parallel_loop3A_428 : i32 to index
      %parallel_loop3A_430 = arith.index_cast %parallel_loop3A_332 : i32 to index
      %parallel_loop3A_431 = arith.constant 96 : index
      %parallel_loop3A_432 = tpu.vector_load %arg8[%parallel_loop3A_429, %parallel_loop3A_430, %parallel_loop3A_431] {strides = array<i32>} : memref<1x256x128xf32, #tpu.memory_space<vmem>>, vector<16xf32>,
      %parallel_loop3A_433 = tpu.vector_load_idx %arg9[%parallel_loop3A_349, %min3A_118] masked %lt3A_114 : memref<256x128xf32, #tpu.memory_space<vmem>>[vector<16xi32>, vector<16xi32>], vector<16xf32>, vector<16xi1>
      %parallel_loop3A_434 = arith.constant 0.000000e+00 : f32
      %parallel_loop3A_435 = vector.broadcast %parallel_loop3A_434 : f32 to vector<16xf32>
      %parallel_loop3A_436 = arith.select %lt3A_114, %parallel_loop3A_432, %parallel_loop3A_435 : vector<16xi1>, vector<16xf32>
      %parallel_loop3A_437 = arith.mulf %parallel_loop3A_436, %parallel_loop3A_436 : vector<16xf32>
      %parallel_loop3A_438 = arith.addf %parallel_loop3A_339, %parallel_loop3A_437 : vector<16xf32>
      %parallel_loop3A_439 = arith.mulf %parallel_loop3A_436, %parallel_loop3A_433 : vector<16xf32>
      %parallel_loop3A_440 = arith.addf %parallel_loop3A_347, %parallel_loop3A_439 : vector<16xf32>
      %parallel_loop3A_441 = arith.constant 0 : i32
      %parallel_loop3A_442 = arith.index_cast %parallel_loop3A_441 : i32 to index
      %parallel_loop3A_443 = arith.index_cast %parallel_loop3A_332 : i32 to index
      %parallel_loop3A_444 = arith.constant 112 : index
      %parallel_loop3A_445 = tpu.vector_load %arg8[%parallel_loop3A_442, %parallel_loop3A_443, %parallel_loop3A_444] {strides = array<i32>} : memref<1x256x128xf32, #tpu.memory_space<vmem>>, vector<16xf32>,
      %parallel_loop3A_446 = tpu.vector_load_idx %arg9[%parallel_loop3A_349, %min3A_131] masked %lt3A_127 : memref<256x128xf32, #tpu.memory_space<vmem>>[vector<16xi32>, vector<16xi32>], vector<16xf32>, vector<16xi1>
      %parallel_loop3A_447 = arith.constant 0.000000e+00 : f32
      %parallel_loop3A_448 = vector.broadcast %parallel_loop3A_447 : f32 to vector<16xf32>
      %parallel_loop3A_449 = arith.select %lt3A_127, %parallel_loop3A_445, %parallel_loop3A_448 : vector<16xi1>, vector<16xf32>
      %parallel_loop3A_450 = arith.mulf %parallel_loop3A_449, %parallel_loop3A_449 : vector<16xf32>
      %parallel_loop3A_451 = arith.addf %parallel_loop3A_340, %parallel_loop3A_450 : vector<16xf32>
      %parallel_loop3A_452 = arith.mulf %parallel_loop3A_449, %parallel_loop3A_446 : vector<16xf32>
      %parallel_loop3A_453 = arith.addf %parallel_loop3A_348, %parallel_loop3A_452 : vector<16xf32>
      scf.yield %parallel_loop3A_360, %parallel_loop3A_373, %parallel_loop3A_386, %parallel_loop3A_399, %parallel_loop3A_412, %parallel_loop3A_425, %parallel_loop3A_438, %parallel_loop3A_451, %parallel_loop3A_362, %parallel_loop3A_375, %parallel_loop3A_388, %parallel_loop3A_401, %parallel_loop3A_414, %parallel_loop3A_427, %parallel_loop3A_440, %parallel_loop3A_453 : vector<16xf32>, vector<16xf32>, vector<16xf32>, vector<16xf32>, vector<16xf32>, vector<16xf32>, vector<16xf32>, vector<16xf32>, vector<16xf32>, vector<16xf32>, vector<16xf32>, vector<16xf32>, vector<16xf32>, vector<16xf32>, vector<16xf32>, vector<16xf32>
    } {sc.loop_unroll_factor = 1 : i64, sc.parallel_access}
    %add3A_156 = arith.addf %parallel_loop3A_155#0, %parallel_loop3A_155#1 : vector<16xf32>
    %add3A_157 = arith.addf %add3A_156, %parallel_loop3A_155#2 : vector<16xf32>
    %add3A_158 = arith.addf %add3A_157, %parallel_loop3A_155#3 : vector<16xf32>
    %add3A_159 = arith.addf %add3A_158, %parallel_loop3A_155#4 : vector<16xf32>
    %add3A_160 = arith.addf %add3A_159, %parallel_loop3A_155#5 : vector<16xf32>
    %add3A_161 = arith.addf %add3A_160, %parallel_loop3A_155#6 : vector<16xf32>
    %add3A_162 = arith.addf %add3A_161, %parallel_loop3A_155#7 : vector<16xf32>
    %reduce_sum3A = arith.constant true
    %reduce_sum3A_163 = vector.broadcast %reduce_sum3A : i1 to vector<16xi1>
    %reduce_sum3A_164 = tpu.scan <sum>, %add3A_162 masked %reduce_sum3A_163 : vector<16xf32>, vector<16xi1> -> vector<16xf32>
    %reduce_sum3A_165 = vector.extract %reduce_sum3A_164[15] : f32 from vector<16xf32>
    %broadcast_in_dim3A_166 = vector.broadcast %reduce_sum3A_165 : f32 to vector<16xf32>
    %add3A_167 = arith.addf %parallel_loop3A_155#8, %parallel_loop3A_155#9 : vector<16xf32>
    %add3A_168 = arith.addf %add3A_167, %parallel_loop3A_155#10 : vector<16xf32>
    %add3A_169 = arith.addf %add3A_168, %parallel_loop3A_155#11 : vector<16xf32>
    %add3A_170 = arith.addf %add3A_169, %parallel_loop3A_155#12 : vector<16xf32>
    %add3A_171 = arith.addf %add3A_170, %parallel_loop3A_155#13 : vector<16xf32>
    %add3A_172 = arith.addf %add3A_171, %parallel_loop3A_155#14 : vector<16xf32>
    %add3A_173 = arith.addf %add3A_172, %parallel_loop3A_155#15 : vector<16xf32>
    %reduce_sum3A_174 = arith.constant true
    %reduce_sum3A_175 = vector.broadcast %reduce_sum3A_174 : i1 to vector<16xi1>
    %reduce_sum3A_176 = tpu.scan <sum>, %add3A_173 masked %reduce_sum3A_175 : vector<16xf32>, vector<16xi1> -> vector<16xf32>
    %reduce_sum3A_177 = vector.extract %reduce_sum3A_176[15] : f32 from vector<16xf32>
    %broadcast_in_dim3A_178 = vector.broadcast %reduce_sum3A_177 : f32 to vector<16xf32>
    %bitcast3A = vector.bitcast %broadcast_in_dim3A_166 : vector<16xf32> to vector<16xi32>
    %shift_right_arithmetic3A = arith.constant 1 : i32
    %shift_right_arithmetic3A_179 = vector.broadcast %shift_right_arithmetic3A : i32 to vector<16xi32>
    %shift_right_arithmetic3A_180 = arith.shrsi %bitcast3A, %shift_right_arithmetic3A_179 : vector<16xi32>
    %sub3A_181 = arith.constant 1597463007 : i32
    %sub3A_182 = vector.broadcast %sub3A_181 : i32 to vector<16xi32>
    %sub3A_183 = arith.subi %sub3A_182, %shift_right_arithmetic3A_180 : vector<16xi32>
    %bitcast3A_184 = vector.bitcast %sub3A_183 : vector<16xi32> to vector<16xf32>
    %mul3A_185 = arith.constant 5.000000e-01 : f32
    %mul3A_186 = vector.broadcast %mul3A_185 : f32 to vector<16xf32>
    %mul3A_187 = arith.mulf %mul3A_186, %broadcast_in_dim3A_166 : vector<16xf32>
    %mul3A_188 = arith.mulf %mul3A_187, %bitcast3A_184 : vector<16xf32>
    %mul3A_189 = arith.mulf %mul3A_188, %bitcast3A_184 : vector<16xf32>
    %sub3A_190 = arith.constant 1.500000e+00 : f32
    %sub3A_191 = vector.broadcast %sub3A_190 : f32 to vector<16xf32>
    %sub3A_192 = arith.subf %sub3A_191, %mul3A_189 : vector<16xf32>
    %mul3A_193 = arith.mulf %bitcast3A_184, %sub3A_192 : vector<16xf32>
    %mul3A_194 = arith.mulf %mul3A_187, %mul3A_193 : vector<16xf32>
    %mul3A_195 = arith.mulf %mul3A_194, %mul3A_193 : vector<16xf32>
    %sub3A_196 = arith.constant 1.500000e+00 : f32
    %sub3A_197 = vector.broadcast %sub3A_196 : f32 to vector<16xf32>
    %sub3A_198 = arith.subf %sub3A_197, %mul3A_195 : vector<16xf32>
    %mul3A_199 = arith.mulf %mul3A_193, %sub3A_198 : vector<16xf32>
    %mul3A_200 = arith.mulf %mul3A_187, %mul3A_199 : vector<16xf32>
    %mul3A_201 = arith.mulf %mul3A_200, %mul3A_199 : vector<16xf32>
    %sub3A_202 = arith.constant 1.500000e+00 : f32
    %sub3A_203 = vector.broadcast %sub3A_202 : f32 to vector<16xf32>
    %sub3A_204 = arith.subf %sub3A_203, %mul3A_201 : vector<16xf32>
    %mul3A_205 = arith.mulf %mul3A_199, %sub3A_204 : vector<16xf32>
    %mul3A_206 = arith.mulf %broadcast_in_dim3A_166, %mul3A_205 : vector<16xf32>
    %add3A_207 = arith.constant 9.99999993E-9 : f32
    %add3A_208 = vector.broadcast %add3A_207 : f32 to vector<16xf32>
    %add3A_209 = arith.addf %mul3A_206, %add3A_208 : vector<16xf32>
    %add3A_210 = arith.constant 9.99999993E-9 : f32
    %add3A_211 = vector.broadcast %add3A_210 : f32 to vector<16xf32>
    %add3A_212 = arith.addf %mul3A_206, %add3A_211 : vector<16xf32>
    %mul3A_213 = arith.mulf %add3A_209, %add3A_212 : vector<16xf32>
    %div3A = arith.divf %broadcast_in_dim3A_178, %mul3A_213 : vector<16xf32>
    %parallel_loop3A_214 = arith.constant 0 : i32
    %parallel_loop3A_215 = arith.constant 128 : i32
    %parallel_loop3A_216 = arith.constant 1 : i32
    scf.for %parallel_loop3A_332 = %parallel_loop3A_214 to %parallel_loop3A_215 step %parallel_loop3A_216  : i32 {
      %parallel_loop3A_333 = vector.broadcast %parallel_loop3A_332 : i32 to vector<16xi32>
      %parallel_loop3A_334 = tpu.vector_load_idx %arg8[%broadcast_in_dim3A_36, %parallel_loop3A_333, %max3A_45] masked %ge3A : memref<1x256x128xf32, #tpu.memory_space<vmem>>[vector<16xi32>, vector<16xi32>, vector<16xi32>], vector<16xf32>, vector<16xi1>
      %parallel_loop3A_335 = arith.constant 0.000000e+00 : f32
      %parallel_loop3A_336 = vector.broadcast %parallel_loop3A_335 : f32 to vector<16xf32>
      %parallel_loop3A_337 = arith.select %ge3A, %parallel_loop3A_334, %parallel_loop3A_336 : vector<16xi1>, vector<16xf32>
      %parallel_loop3A_338 = arith.mulf %parallel_loop3A_337, %div3A : vector<16xf32>
      %parallel_loop3A_339 = arith.index_cast %parallel_loop3A_332 : i32 to index
      %parallel_loop3A_340 = arith.constant 0 : index
      %parallel_loop3A_341 = tpu.vector_load %arg9[%parallel_loop3A_339, %parallel_loop3A_340] {strides = array<i32>} : memref<256x128xf32, #tpu.memory_space<vmem>>, vector<16xf32>,
      %parallel_loop3A_342 = arith.index_cast %parallel_loop3A_332 : i32 to index
      %parallel_loop3A_343 = arith.constant 0 : index
      %parallel_loop3A_344 = tpu.vector_load %arg10[%parallel_loop3A_342, %parallel_loop3A_343] {strides = array<i32>} : memref<256x128xf32, #tpu.memory_space<vmem>>, vector<16xf32>,
      tpu.vector_store %arg10[%parallel_loop3A_342, %parallel_loop3A_343], %parallel_loop3A_338 {strides = array<i32>} : memref<256x128xf32, #tpu.memory_space<vmem>>, vector<16xf32>,
      %parallel_loop3A_345 = arith.subf %parallel_loop3A_341, %parallel_loop3A_338 : vector<16xf32>
      %parallel_loop3A_346 = arith.index_cast %parallel_loop3A_332 : i32 to index
      %parallel_loop3A_347 = arith.constant 0 : index
      %parallel_loop3A_348 = tpu.vector_load %arg9[%parallel_loop3A_346, %parallel_loop3A_347] {strides = array<i32>} : memref<256x128xf32, #tpu.memory_space<vmem>>, vector<16xf32>,
      tpu.vector_store %arg9[%parallel_loop3A_346, %parallel_loop3A_347], %parallel_loop3A_345 {strides = array<i32>} : memref<256x128xf32, #tpu.memory_space<vmem>>, vector<16xf32>,
      %parallel_loop3A_349 = tpu.vector_load_idx %arg8[%broadcast_in_dim3A_36, %parallel_loop3A_333, %max3A_58] masked %ge3A_54 : memref<1x256x128xf32, #tpu.memory_space<vmem>>[vector<16xi32>, vector<16xi32>, vector<16xi32>], vector<16xf32>, vector<16xi1>
      %parallel_loop3A_350 = arith.constant 0.000000e+00 : f32
      %parallel_loop3A_351 = vector.broadcast %parallel_loop3A_350 : f32 to vector<16xf32>
      %parallel_loop3A_352 = arith.select %ge3A_54, %parallel_loop3A_349, %parallel_loop3A_351 : vector<16xi1>, vector<16xf32>
      %parallel_loop3A_353 = arith.mulf %parallel_loop3A_352, %div3A : vector<16xf32>
      %parallel_loop3A_354 = arith.index_cast %parallel_loop3A_332 : i32 to index
      %parallel_loop3A_355 = arith.constant 16 : index
      %parallel_loop3A_356 = tpu.vector_load %arg9[%parallel_loop3A_354, %parallel_loop3A_355] {strides = array<i32>} : memref<256x128xf32, #tpu.memory_space<vmem>>, vector<16xf32>,
      %parallel_loop3A_357 = arith.index_cast %parallel_loop3A_332 : i32 to index
      %parallel_loop3A_358 = arith.constant 16 : index
      %parallel_loop3A_359 = tpu.vector_load %arg10[%parallel_loop3A_357, %parallel_loop3A_358] {strides = array<i32>} : memref<256x128xf32, #tpu.memory_space<vmem>>, vector<16xf32>,
      tpu.vector_store %arg10[%parallel_loop3A_357, %parallel_loop3A_358], %parallel_loop3A_353 {strides = array<i32>} : memref<256x128xf32, #tpu.memory_space<vmem>>, vector<16xf32>,
      %parallel_loop3A_360 = arith.subf %parallel_loop3A_356, %parallel_loop3A_353 : vector<16xf32>
      %parallel_loop3A_361 = arith.index_cast %parallel_loop3A_332 : i32 to index
      %parallel_loop3A_362 = arith.constant 16 : index
      %parallel_loop3A_363 = tpu.vector_load %arg9[%parallel_loop3A_361, %parallel_loop3A_362] {strides = array<i32>} : memref<256x128xf32, #tpu.memory_space<vmem>>, vector<16xf32>,
      tpu.vector_store %arg9[%parallel_loop3A_361, %parallel_loop3A_362], %parallel_loop3A_360 {strides = array<i32>} : memref<256x128xf32, #tpu.memory_space<vmem>>, vector<16xf32>,
      %parallel_loop3A_364 = tpu.vector_load_idx %arg8[%broadcast_in_dim3A_36, %parallel_loop3A_333, %max3A_71] masked %ge3A_67 : memref<1x256x128xf32, #tpu.memory_space<vmem>>[vector<16xi32>, vector<16xi32>, vector<16xi32>], vector<16xf32>, vector<16xi1>
      %parallel_loop3A_365 = arith.constant 0.000000e+00 : f32
      %parallel_loop3A_366 = vector.broadcast %parallel_loop3A_365 : f32 to vector<16xf32>
      %parallel_loop3A_367 = arith.select %ge3A_67, %parallel_loop3A_364, %parallel_loop3A_366 : vector<16xi1>, vector<16xf32>
      %parallel_loop3A_368 = arith.mulf %parallel_loop3A_367, %div3A : vector<16xf32>
      %parallel_loop3A_369 = arith.index_cast %parallel_loop3A_332 : i32 to index
      %parallel_loop3A_370 = arith.constant 32 : index
      %parallel_loop3A_371 = tpu.vector_load %arg9[%parallel_loop3A_369, %parallel_loop3A_370] {strides = array<i32>} : memref<256x128xf32, #tpu.memory_space<vmem>>, vector<16xf32>,
      %parallel_loop3A_372 = arith.index_cast %parallel_loop3A_332 : i32 to index
      %parallel_loop3A_373 = arith.constant 32 : index
      %parallel_loop3A_374 = tpu.vector_load %arg10[%parallel_loop3A_372, %parallel_loop3A_373] {strides = array<i32>} : memref<256x128xf32, #tpu.memory_space<vmem>>, vector<16xf32>,
      tpu.vector_store %arg10[%parallel_loop3A_372, %parallel_loop3A_373], %parallel_loop3A_368 {strides = array<i32>} : memref<256x128xf32, #tpu.memory_space<vmem>>, vector<16xf32>,
      %parallel_loop3A_375 = arith.subf %parallel_loop3A_371, %parallel_loop3A_368 : vector<16xf32>
      %parallel_loop3A_376 = arith.index_cast %parallel_loop3A_332 : i32 to index
      %parallel_loop3A_377 = arith.constant 32 : index
      %parallel_loop3A_378 = tpu.vector_load %arg9[%parallel_loop3A_376, %parallel_loop3A_377] {strides = array<i32>} : memref<256x128xf32, #tpu.memory_space<vmem>>, vector<16xf32>,
      tpu.vector_store %arg9[%parallel_loop3A_376, %parallel_loop3A_377], %parallel_loop3A_375 {strides = array<i32>} : memref<256x128xf32, #tpu.memory_space<vmem>>, vector<16xf32>,
      %parallel_loop3A_379 = tpu.vector_load_idx %arg8[%broadcast_in_dim3A_36, %parallel_loop3A_333, %max3A_84] masked %ge3A_80 : memref<1x256x128xf32, #tpu.memory_space<vmem>>[vector<16xi32>, vector<16xi32>, vector<16xi32>], vector<16xf32>, vector<16xi1>
      %parallel_loop3A_380 = arith.constant 0.000000e+00 : f32
      %parallel_loop3A_381 = vector.broadcast %parallel_loop3A_380 : f32 to vector<16xf32>
      %parallel_loop3A_382 = arith.select %ge3A_80, %parallel_loop3A_379, %parallel_loop3A_381 : vector<16xi1>, vector<16xf32>
      %parallel_loop3A_383 = arith.mulf %parallel_loop3A_382, %div3A : vector<16xf32>
      %parallel_loop3A_384 = arith.index_cast %parallel_loop3A_332 : i32 to index
      %parallel_loop3A_385 = arith.constant 48 : index
      %parallel_loop3A_386 = tpu.vector_load %arg9[%parallel_loop3A_384, %parallel_loop3A_385] {strides = array<i32>} : memref<256x128xf32, #tpu.memory_space<vmem>>, vector<16xf32>,
      %parallel_loop3A_387 = arith.index_cast %parallel_loop3A_332 : i32 to index
      %parallel_loop3A_388 = arith.constant 48 : index
      %parallel_loop3A_389 = tpu.vector_load %arg10[%parallel_loop3A_387, %parallel_loop3A_388] {strides = array<i32>} : memref<256x128xf32, #tpu.memory_space<vmem>>, vector<16xf32>,
      tpu.vector_store %arg10[%parallel_loop3A_387, %parallel_loop3A_388], %parallel_loop3A_383 {strides = array<i32>} : memref<256x128xf32, #tpu.memory_space<vmem>>, vector<16xf32>,
      %parallel_loop3A_390 = arith.subf %parallel_loop3A_386, %parallel_loop3A_383 : vector<16xf32>
      %parallel_loop3A_391 = arith.index_cast %parallel_loop3A_332 : i32 to index
      %parallel_loop3A_392 = arith.constant 48 : index
      %parallel_loop3A_393 = tpu.vector_load %arg9[%parallel_loop3A_391, %parallel_loop3A_392] {strides = array<i32>} : memref<256x128xf32, #tpu.memory_space<vmem>>, vector<16xf32>,
      tpu.vector_store %arg9[%parallel_loop3A_391, %parallel_loop3A_392], %parallel_loop3A_390 {strides = array<i32>} : memref<256x128xf32, #tpu.memory_space<vmem>>, vector<16xf32>,
      %parallel_loop3A_394 = tpu.vector_load_idx %arg8[%broadcast_in_dim3A_36, %parallel_loop3A_333, %max3A_97] masked %ge3A_93 : memref<1x256x128xf32, #tpu.memory_space<vmem>>[vector<16xi32>, vector<16xi32>, vector<16xi32>], vector<16xf32>, vector<16xi1>
      %parallel_loop3A_395 = arith.constant 0.000000e+00 : f32
      %parallel_loop3A_396 = vector.broadcast %parallel_loop3A_395 : f32 to vector<16xf32>
      %parallel_loop3A_397 = arith.select %ge3A_93, %parallel_loop3A_394, %parallel_loop3A_396 : vector<16xi1>, vector<16xf32>
      %parallel_loop3A_398 = arith.mulf %parallel_loop3A_397, %div3A : vector<16xf32>
      %parallel_loop3A_399 = arith.index_cast %parallel_loop3A_332 : i32 to index
      %parallel_loop3A_400 = arith.constant 64 : index
      %parallel_loop3A_401 = tpu.vector_load %arg9[%parallel_loop3A_399, %parallel_loop3A_400] {strides = array<i32>} : memref<256x128xf32, #tpu.memory_space<vmem>>, vector<16xf32>,
      %parallel_loop3A_402 = arith.index_cast %parallel_loop3A_332 : i32 to index
      %parallel_loop3A_403 = arith.constant 64 : index
      %parallel_loop3A_404 = tpu.vector_load %arg10[%parallel_loop3A_402, %parallel_loop3A_403] {strides = array<i32>} : memref<256x128xf32, #tpu.memory_space<vmem>>, vector<16xf32>,
      tpu.vector_store %arg10[%parallel_loop3A_402, %parallel_loop3A_403], %parallel_loop3A_398 {strides = array<i32>} : memref<256x128xf32, #tpu.memory_space<vmem>>, vector<16xf32>,
      %parallel_loop3A_405 = arith.subf %parallel_loop3A_401, %parallel_loop3A_398 : vector<16xf32>
      %parallel_loop3A_406 = arith.index_cast %parallel_loop3A_332 : i32 to index
      %parallel_loop3A_407 = arith.constant 64 : index
      %parallel_loop3A_408 = tpu.vector_load %arg9[%parallel_loop3A_406, %parallel_loop3A_407] {strides = array<i32>} : memref<256x128xf32, #tpu.memory_space<vmem>>, vector<16xf32>,
      tpu.vector_store %arg9[%parallel_loop3A_406, %parallel_loop3A_407], %parallel_loop3A_405 {strides = array<i32>} : memref<256x128xf32, #tpu.memory_space<vmem>>, vector<16xf32>,
      %parallel_loop3A_409 = tpu.vector_load_idx %arg8[%broadcast_in_dim3A_36, %parallel_loop3A_333, %max3A_110] masked %ge3A_106 : memref<1x256x128xf32, #tpu.memory_space<vmem>>[vector<16xi32>, vector<16xi32>, vector<16xi32>], vector<16xf32>, vector<16xi1>
      %parallel_loop3A_410 = arith.constant 0.000000e+00 : f32
      %parallel_loop3A_411 = vector.broadcast %parallel_loop3A_410 : f32 to vector<16xf32>
      %parallel_loop3A_412 = arith.select %ge3A_106, %parallel_loop3A_409, %parallel_loop3A_411 : vector<16xi1>, vector<16xf32>
      %parallel_loop3A_413 = arith.mulf %parallel_loop3A_412, %div3A : vector<16xf32>
      %parallel_loop3A_414 = arith.index_cast %parallel_loop3A_332 : i32 to index
      %parallel_loop3A_415 = arith.constant 80 : index
      %parallel_loop3A_416 = tpu.vector_load %arg9[%parallel_loop3A_414, %parallel_loop3A_415] {strides = array<i32>} : memref<256x128xf32, #tpu.memory_space<vmem>>, vector<16xf32>,
      %parallel_loop3A_417 = arith.index_cast %parallel_loop3A_332 : i32 to index
      %parallel_loop3A_418 = arith.constant 80 : index
      %parallel_loop3A_419 = tpu.vector_load %arg10[%parallel_loop3A_417, %parallel_loop3A_418] {strides = array<i32>} : memref<256x128xf32, #tpu.memory_space<vmem>>, vector<16xf32>,
      tpu.vector_store %arg10[%parallel_loop3A_417, %parallel_loop3A_418], %parallel_loop3A_413 {strides = array<i32>} : memref<256x128xf32, #tpu.memory_space<vmem>>, vector<16xf32>,
      %parallel_loop3A_420 = arith.subf %parallel_loop3A_416, %parallel_loop3A_413 : vector<16xf32>
      %parallel_loop3A_421 = arith.index_cast %parallel_loop3A_332 : i32 to index
      %parallel_loop3A_422 = arith.constant 80 : index
      %parallel_loop3A_423 = tpu.vector_load %arg9[%parallel_loop3A_421, %parallel_loop3A_422] {strides = array<i32>} : memref<256x128xf32, #tpu.memory_space<vmem>>, vector<16xf32>,
      tpu.vector_store %arg9[%parallel_loop3A_421, %parallel_loop3A_422], %parallel_loop3A_420 {strides = array<i32>} : memref<256x128xf32, #tpu.memory_space<vmem>>, vector<16xf32>,
      %parallel_loop3A_424 = tpu.vector_load_idx %arg8[%broadcast_in_dim3A_36, %parallel_loop3A_333, %max3A_123] masked %ge3A_119 : memref<1x256x128xf32, #tpu.memory_space<vmem>>[vector<16xi32>, vector<16xi32>, vector<16xi32>], vector<16xf32>, vector<16xi1>
      %parallel_loop3A_425 = arith.constant 0.000000e+00 : f32
      %parallel_loop3A_426 = vector.broadcast %parallel_loop3A_425 : f32 to vector<16xf32>
      %parallel_loop3A_427 = arith.select %ge3A_119, %parallel_loop3A_424, %parallel_loop3A_426 : vector<16xi1>, vector<16xf32>
      %parallel_loop3A_428 = arith.mulf %parallel_loop3A_427, %div3A : vector<16xf32>
      %parallel_loop3A_429 = arith.index_cast %parallel_loop3A_332 : i32 to index
      %parallel_loop3A_430 = arith.constant 96 : index
      %parallel_loop3A_431 = tpu.vector_load %arg9[%parallel_loop3A_429, %parallel_loop3A_430] {strides = array<i32>} : memref<256x128xf32, #tpu.memory_space<vmem>>, vector<16xf32>,
      %parallel_loop3A_432 = arith.index_cast %parallel_loop3A_332 : i32 to index
      %parallel_loop3A_433 = arith.constant 96 : index
      %parallel_loop3A_434 = tpu.vector_load %arg10[%parallel_loop3A_432, %parallel_loop3A_433] {strides = array<i32>} : memref<256x128xf32, #tpu.memory_space<vmem>>, vector<16xf32>,
      tpu.vector_store %arg10[%parallel_loop3A_432, %parallel_loop3A_433], %parallel_loop3A_428 {strides = array<i32>} : memref<256x128xf32, #tpu.memory_space<vmem>>, vector<16xf32>,
      %parallel_loop3A_435 = arith.subf %parallel_loop3A_431, %parallel_loop3A_428 : vector<16xf32>
      %parallel_loop3A_436 = arith.index_cast %parallel_loop3A_332 : i32 to index
      %parallel_loop3A_437 = arith.constant 96 : index
      %parallel_loop3A_438 = tpu.vector_load %arg9[%parallel_loop3A_436, %parallel_loop3A_437] {strides = array<i32>} : memref<256x128xf32, #tpu.memory_space<vmem>>, vector<16xf32>,
      tpu.vector_store %arg9[%parallel_loop3A_436, %parallel_loop3A_437], %parallel_loop3A_435 {strides = array<i32>} : memref<256x128xf32, #tpu.memory_space<vmem>>, vector<16xf32>,
      %parallel_loop3A_439 = tpu.vector_load_idx %arg8[%broadcast_in_dim3A_36, %parallel_loop3A_333, %max3A_136] masked %ge3A_132 : memref<1x256x128xf32, #tpu.memory_space<vmem>>[vector<16xi32>, vector<16xi32>, vector<16xi32>], vector<16xf32>, vector<16xi1>
      %parallel_loop3A_440 = arith.constant 0.000000e+00 : f32
      %parallel_loop3A_441 = vector.broadcast %parallel_loop3A_440 : f32 to vector<16xf32>
      %parallel_loop3A_442 = arith.select %ge3A_132, %parallel_loop3A_439, %parallel_loop3A_441 : vector<16xi1>, vector<16xf32>
      %parallel_loop3A_443 = arith.mulf %parallel_loop3A_442, %div3A : vector<16xf32>
      %parallel_loop3A_444 = arith.index_cast %parallel_loop3A_332 : i32 to index
      %parallel_loop3A_445 = arith.constant 112 : index
      %parallel_loop3A_446 = tpu.vector_load %arg9[%parallel_loop3A_444, %parallel_loop3A_445] {strides = array<i32>} : memref<256x128xf32, #tpu.memory_space<vmem>>, vector<16xf32>,
      %parallel_loop3A_447 = arith.index_cast %parallel_loop3A_332 : i32 to index
      %parallel_loop3A_448 = arith.constant 112 : index
      %parallel_loop3A_449 = tpu.vector_load %arg10[%parallel_loop3A_447, %parallel_loop3A_448] {strides = array<i32>} : memref<256x128xf32, #tpu.memory_space<vmem>>, vector<16xf32>,
      tpu.vector_store %arg10[%parallel_loop3A_447, %parallel_loop3A_448], %parallel_loop3A_443 {strides = array<i32>} : memref<256x128xf32, #tpu.memory_space<vmem>>, vector<16xf32>,
      %parallel_loop3A_450 = arith.subf %parallel_loop3A_446, %parallel_loop3A_443 : vector<16xf32>
      %parallel_loop3A_451 = arith.index_cast %parallel_loop3A_332 : i32 to index
      %parallel_loop3A_452 = arith.constant 112 : index
      %parallel_loop3A_453 = tpu.vector_load %arg9[%parallel_loop3A_451, %parallel_loop3A_452] {strides = array<i32>} : memref<256x128xf32, #tpu.memory_space<vmem>>, vector<16xf32>,
      tpu.vector_store %arg9[%parallel_loop3A_451, %parallel_loop3A_452], %parallel_loop3A_450 {strides = array<i32>} : memref<256x128xf32, #tpu.memory_space<vmem>>, vector<16xf32>,
    } {sc.loop_unroll_factor = 1 : i64, sc.parallel_access}
    %dma_start3A_217 = arith.constant 0 : i32
    %dma_start3A_218 = arith.constant 0 : i32
    %dma_start3A_219 = tpu.memref_slice %arg10[%dma_start3A_217, %dma_start3A_218] : memref<256x128xf32, #tpu.memory_space<vmem>> -> memref<128x128xf32, #tpu.memory_space<vmem>>
    %dma_start3A_220 = arith.constant 0 : i32
    %dma_start3A_221 = arith.constant 0 : i32
    %dma_start3A_222 = tpu.memref_slice %arg5[%add3A, %dma_start3A_220, %dma_start3A_221] : memref<32x256x128xf32, #tpu.memory_space<hbm>> -> memref<1x128x128xf32, #tpu.memory_space<hbm>>
    %dma_start3A_223 = tpu.memref_squeeze %dma_start3A_222 : memref<1x128x128xf32, #tpu.memory_space<hbm>> -> memref<128x128xf32, #tpu.memory_space<hbm>>
    %dma_start3A_224 = arith.constant 0 : i32
    %dma_start3A_225 = arith.constant 0 : i32
    %dma_start3A_226 = tpu.memref_slice %arg5[%add3A, %dma_start3A_224, %dma_start3A_225] : memref<32x256x128xf32, #tpu.memory_space<hbm>> -> memref<1x128x128xf32, #tpu.memory_space<hbm>>
    %dma_start3A_227 = tpu.memref_squeeze %dma_start3A_226 : memref<1x128x128xf32, #tpu.memory_space<hbm>> -> memref<128x128xf32, #tpu.memory_space<hbm>>
    %dma_start3A_228 = arith.constant 0 : i32
    %dma_start3A_229 = arith.constant 0 : i32
    %dma_start3A_230 = tpu.memref_slice %arg10[%dma_start3A_228, %dma_start3A_229] : memref<256x128xf32, #tpu.memory_space<vmem>> -> memref<128x128xf32, #tpu.memory_space<vmem>>
    tpu.enqueue_dma source(%dma_start3A_230 : memref<128x128xf32, #tpu.memory_space<vmem>>) target(%dma_start3A_227 : memref<128x128xf32, #tpu.memory_space<hbm>>) target_semaphore(%arg11 : memref<!tpu.dma_semaphore, #tpu.memory_space<semaphore_mem>>)
    %dma_start3A_231 = arith.constant 0 : i32
    %dma_start3A_232 = arith.constant 0 : i32
    %dma_start3A_233 = tpu.memref_slice %arg9[%dma_start3A_231, %dma_start3A_232] : memref<256x128xf32, #tpu.memory_space<vmem>> -> memref<128x128xf32, #tpu.memory_space<vmem>>
    %dma_start3A_234 = arith.constant 0 : i32
    %dma_start3A_235 = arith.constant 0 : i32
    %dma_start3A_236 = tpu.memref_slice %arg6[%add3A, %dma_start3A_234, %dma_start3A_235] : memref<32x256x128xf32, #tpu.memory_space<hbm>> -> memref<1x128x128xf32, #tpu.memory_space<hbm>>
    %dma_start3A_237 = tpu.memref_squeeze %dma_start3A_236 : memref<1x128x128xf32, #tpu.memory_space<hbm>> -> memref<128x128xf32, #tpu.memory_space<hbm>>
    %dma_start3A_238 = arith.constant 0 : i32
    %dma_start3A_239 = arith.constant 0 : i32
    %dma_start3A_240 = tpu.memref_slice %arg6[%add3A, %dma_start3A_238, %dma_start3A_239] : memref<32x256x128xf32, #tpu.memory_space<hbm>> -> memref<1x128x128xf32, #tpu.memory_space<hbm>>
    %dma_start3A_241 = tpu.memref_squeeze %dma_start3A_240 : memref<1x128x128xf32, #tpu.memory_space<hbm>> -> memref<128x128xf32, #tpu.memory_space<hbm>>
    %dma_start3A_242 = arith.constant 0 : i32
    %dma_start3A_243 = arith.constant 0 : i32
    %dma_start3A_244 = tpu.memref_slice %arg9[%dma_start3A_242, %dma_start3A_243] : memref<256x128xf32, #tpu.memory_space<vmem>> -> memref<128x128xf32, #tpu.memory_space<vmem>>
    tpu.enqueue_dma source(%dma_start3A_244 : memref<128x128xf32, #tpu.memory_space<vmem>>) target(%dma_start3A_241 : memref<128x128xf32, #tpu.memory_space<hbm>>) target_semaphore(%arg11 : memref<!tpu.dma_semaphore, #tpu.memory_space<semaphore_mem>>)
    %parallel_loop3A_245 = arith.constant 128 : i32
    %parallel_loop3A_246 = arith.constant 256 : i32
    %parallel_loop3A_247 = arith.constant 1 : i32
    scf.for %parallel_loop3A_332 = %parallel_loop3A_245 to %parallel_loop3A_246 step %parallel_loop3A_247  : i32 {
      %parallel_loop3A_333 = vector.broadcast %parallel_loop3A_332 : i32 to vector<16xi32>
      %parallel_loop3A_334 = tpu.vector_load_idx %arg8[%broadcast_in_dim3A_36, %parallel_loop3A_333, %max3A_45] masked %ge3A : memref<1x256x128xf32, #tpu.memory_space<vmem>>[vector<16xi32>, vector<16xi32>, vector<16xi32>], vector<16xf32>, vector<16xi1>
      %parallel_loop3A_335 = arith.constant 0.000000e+00 : f32
      %parallel_loop3A_336 = vector.broadcast %parallel_loop3A_335 : f32 to vector<16xf32>
      %parallel_loop3A_337 = arith.select %ge3A, %parallel_loop3A_334, %parallel_loop3A_336 : vector<16xi1>, vector<16xf32>
      %parallel_loop3A_338 = arith.mulf %parallel_loop3A_337, %div3A : vector<16xf32>
      %parallel_loop3A_339 = arith.index_cast %parallel_loop3A_332 : i32 to index
      %parallel_loop3A_340 = arith.constant 0 : index
      %parallel_loop3A_341 = tpu.vector_load %arg9[%parallel_loop3A_339, %parallel_loop3A_340] {strides = array<i32>} : memref<256x128xf32, #tpu.memory_space<vmem>>, vector<16xf32>,
      %parallel_loop3A_342 = arith.index_cast %parallel_loop3A_332 : i32 to index
      %parallel_loop3A_343 = arith.constant 0 : index
      %parallel_loop3A_344 = tpu.vector_load %arg10[%parallel_loop3A_342, %parallel_loop3A_343] {strides = array<i32>} : memref<256x128xf32, #tpu.memory_space<vmem>>, vector<16xf32>,
      tpu.vector_store %arg10[%parallel_loop3A_342, %parallel_loop3A_343], %parallel_loop3A_338 {strides = array<i32>} : memref<256x128xf32, #tpu.memory_space<vmem>>, vector<16xf32>,
      %parallel_loop3A_345 = arith.subf %parallel_loop3A_341, %parallel_loop3A_338 : vector<16xf32>
      %parallel_loop3A_346 = arith.index_cast %parallel_loop3A_332 : i32 to index
      %parallel_loop3A_347 = arith.constant 0 : index
      %parallel_loop3A_348 = tpu.vector_load %arg9[%parallel_loop3A_346, %parallel_loop3A_347] {strides = array<i32>} : memref<256x128xf32, #tpu.memory_space<vmem>>, vector<16xf32>,
      tpu.vector_store %arg9[%parallel_loop3A_346, %parallel_loop3A_347], %parallel_loop3A_345 {strides = array<i32>} : memref<256x128xf32, #tpu.memory_space<vmem>>, vector<16xf32>,
      %parallel_loop3A_349 = tpu.vector_load_idx %arg8[%broadcast_in_dim3A_36, %parallel_loop3A_333, %max3A_58] masked %ge3A_54 : memref<1x256x128xf32, #tpu.memory_space<vmem>>[vector<16xi32>, vector<16xi32>, vector<16xi32>], vector<16xf32>, vector<16xi1>
      %parallel_loop3A_350 = arith.constant 0.000000e+00 : f32
      %parallel_loop3A_351 = vector.broadcast %parallel_loop3A_350 : f32 to vector<16xf32>
      %parallel_loop3A_352 = arith.select %ge3A_54, %parallel_loop3A_349, %parallel_loop3A_351 : vector<16xi1>, vector<16xf32>
      %parallel_loop3A_353 = arith.mulf %parallel_loop3A_352, %div3A : vector<16xf32>
      %parallel_loop3A_354 = arith.index_cast %parallel_loop3A_332 : i32 to index
      %parallel_loop3A_355 = arith.constant 16 : index
      %parallel_loop3A_356 = tpu.vector_load %arg9[%parallel_loop3A_354, %parallel_loop3A_355] {strides = array<i32>} : memref<256x128xf32, #tpu.memory_space<vmem>>, vector<16xf32>,
      %parallel_loop3A_357 = arith.index_cast %parallel_loop3A_332 : i32 to index
      %parallel_loop3A_358 = arith.constant 16 : index
      %parallel_loop3A_359 = tpu.vector_load %arg10[%parallel_loop3A_357, %parallel_loop3A_358] {strides = array<i32>} : memref<256x128xf32, #tpu.memory_space<vmem>>, vector<16xf32>,
      tpu.vector_store %arg10[%parallel_loop3A_357, %parallel_loop3A_358], %parallel_loop3A_353 {strides = array<i32>} : memref<256x128xf32, #tpu.memory_space<vmem>>, vector<16xf32>,
      %parallel_loop3A_360 = arith.subf %parallel_loop3A_356, %parallel_loop3A_353 : vector<16xf32>
      %parallel_loop3A_361 = arith.index_cast %parallel_loop3A_332 : i32 to index
      %parallel_loop3A_362 = arith.constant 16 : index
      %parallel_loop3A_363 = tpu.vector_load %arg9[%parallel_loop3A_361, %parallel_loop3A_362] {strides = array<i32>} : memref<256x128xf32, #tpu.memory_space<vmem>>, vector<16xf32>,
      tpu.vector_store %arg9[%parallel_loop3A_361, %parallel_loop3A_362], %parallel_loop3A_360 {strides = array<i32>} : memref<256x128xf32, #tpu.memory_space<vmem>>, vector<16xf32>,
      %parallel_loop3A_364 = tpu.vector_load_idx %arg8[%broadcast_in_dim3A_36, %parallel_loop3A_333, %max3A_71] masked %ge3A_67 : memref<1x256x128xf32, #tpu.memory_space<vmem>>[vector<16xi32>, vector<16xi32>, vector<16xi32>], vector<16xf32>, vector<16xi1>
      %parallel_loop3A_365 = arith.constant 0.000000e+00 : f32
      %parallel_loop3A_366 = vector.broadcast %parallel_loop3A_365 : f32 to vector<16xf32>
      %parallel_loop3A_367 = arith.select %ge3A_67, %parallel_loop3A_364, %parallel_loop3A_366 : vector<16xi1>, vector<16xf32>
      %parallel_loop3A_368 = arith.mulf %parallel_loop3A_367, %div3A : vector<16xf32>
      %parallel_loop3A_369 = arith.index_cast %parallel_loop3A_332 : i32 to index
      %parallel_loop3A_370 = arith.constant 32 : index
      %parallel_loop3A_371 = tpu.vector_load %arg9[%parallel_loop3A_369, %parallel_loop3A_370] {strides = array<i32>} : memref<256x128xf32, #tpu.memory_space<vmem>>, vector<16xf32>,
      %parallel_loop3A_372 = arith.index_cast %parallel_loop3A_332 : i32 to index
      %parallel_loop3A_373 = arith.constant 32 : index
      %parallel_loop3A_374 = tpu.vector_load %arg10[%parallel_loop3A_372, %parallel_loop3A_373] {strides = array<i32>} : memref<256x128xf32, #tpu.memory_space<vmem>>, vector<16xf32>,
      tpu.vector_store %arg10[%parallel_loop3A_372, %parallel_loop3A_373], %parallel_loop3A_368 {strides = array<i32>} : memref<256x128xf32, #tpu.memory_space<vmem>>, vector<16xf32>,
      %parallel_loop3A_375 = arith.subf %parallel_loop3A_371, %parallel_loop3A_368 : vector<16xf32>
      %parallel_loop3A_376 = arith.index_cast %parallel_loop3A_332 : i32 to index
      %parallel_loop3A_377 = arith.constant 32 : index
      %parallel_loop3A_378 = tpu.vector_load %arg9[%parallel_loop3A_376, %parallel_loop3A_377] {strides = array<i32>} : memref<256x128xf32, #tpu.memory_space<vmem>>, vector<16xf32>,
      tpu.vector_store %arg9[%parallel_loop3A_376, %parallel_loop3A_377], %parallel_loop3A_375 {strides = array<i32>} : memref<256x128xf32, #tpu.memory_space<vmem>>, vector<16xf32>,
      %parallel_loop3A_379 = tpu.vector_load_idx %arg8[%broadcast_in_dim3A_36, %parallel_loop3A_333, %max3A_84] masked %ge3A_80 : memref<1x256x128xf32, #tpu.memory_space<vmem>>[vector<16xi32>, vector<16xi32>, vector<16xi32>], vector<16xf32>, vector<16xi1>
      %parallel_loop3A_380 = arith.constant 0.000000e+00 : f32
      %parallel_loop3A_381 = vector.broadcast %parallel_loop3A_380 : f32 to vector<16xf32>
      %parallel_loop3A_382 = arith.select %ge3A_80, %parallel_loop3A_379, %parallel_loop3A_381 : vector<16xi1>, vector<16xf32>
      %parallel_loop3A_383 = arith.mulf %parallel_loop3A_382, %div3A : vector<16xf32>
      %parallel_loop3A_384 = arith.index_cast %parallel_loop3A_332 : i32 to index
      %parallel_loop3A_385 = arith.constant 48 : index
      %parallel_loop3A_386 = tpu.vector_load %arg9[%parallel_loop3A_384, %parallel_loop3A_385] {strides = array<i32>} : memref<256x128xf32, #tpu.memory_space<vmem>>, vector<16xf32>,
      %parallel_loop3A_387 = arith.index_cast %parallel_loop3A_332 : i32 to index
      %parallel_loop3A_388 = arith.constant 48 : index
      %parallel_loop3A_389 = tpu.vector_load %arg10[%parallel_loop3A_387, %parallel_loop3A_388] {strides = array<i32>} : memref<256x128xf32, #tpu.memory_space<vmem>>, vector<16xf32>,
      tpu.vector_store %arg10[%parallel_loop3A_387, %parallel_loop3A_388], %parallel_loop3A_383 {strides = array<i32>} : memref<256x128xf32, #tpu.memory_space<vmem>>, vector<16xf32>,
      %parallel_loop3A_390 = arith.subf %parallel_loop3A_386, %parallel_loop3A_383 : vector<16xf32>
      %parallel_loop3A_391 = arith.index_cast %parallel_loop3A_332 : i32 to index
      %parallel_loop3A_392 = arith.constant 48 : index
      %parallel_loop3A_393 = tpu.vector_load %arg9[%parallel_loop3A_391, %parallel_loop3A_392] {strides = array<i32>} : memref<256x128xf32, #tpu.memory_space<vmem>>, vector<16xf32>,
      tpu.vector_store %arg9[%parallel_loop3A_391, %parallel_loop3A_392], %parallel_loop3A_390 {strides = array<i32>} : memref<256x128xf32, #tpu.memory_space<vmem>>, vector<16xf32>,
      %parallel_loop3A_394 = tpu.vector_load_idx %arg8[%broadcast_in_dim3A_36, %parallel_loop3A_333, %max3A_97] masked %ge3A_93 : memref<1x256x128xf32, #tpu.memory_space<vmem>>[vector<16xi32>, vector<16xi32>, vector<16xi32>], vector<16xf32>, vector<16xi1>
      %parallel_loop3A_395 = arith.constant 0.000000e+00 : f32
      %parallel_loop3A_396 = vector.broadcast %parallel_loop3A_395 : f32 to vector<16xf32>
      %parallel_loop3A_397 = arith.select %ge3A_93, %parallel_loop3A_394, %parallel_loop3A_396 : vector<16xi1>, vector<16xf32>
      %parallel_loop3A_398 = arith.mulf %parallel_loop3A_397, %div3A : vector<16xf32>
      %parallel_loop3A_399 = arith.index_cast %parallel_loop3A_332 : i32 to index
      %parallel_loop3A_400 = arith.constant 64 : index
      %parallel_loop3A_401 = tpu.vector_load %arg9[%parallel_loop3A_399, %parallel_loop3A_400] {strides = array<i32>} : memref<256x128xf32, #tpu.memory_space<vmem>>, vector<16xf32>,
      %parallel_loop3A_402 = arith.index_cast %parallel_loop3A_332 : i32 to index
      %parallel_loop3A_403 = arith.constant 64 : index
      %parallel_loop3A_404 = tpu.vector_load %arg10[%parallel_loop3A_402, %parallel_loop3A_403] {strides = array<i32>} : memref<256x128xf32, #tpu.memory_space<vmem>>, vector<16xf32>,
      tpu.vector_store %arg10[%parallel_loop3A_402, %parallel_loop3A_403], %parallel_loop3A_398 {strides = array<i32>} : memref<256x128xf32, #tpu.memory_space<vmem>>, vector<16xf32>,
      %parallel_loop3A_405 = arith.subf %parallel_loop3A_401, %parallel_loop3A_398 : vector<16xf32>
      %parallel_loop3A_406 = arith.index_cast %parallel_loop3A_332 : i32 to index
      %parallel_loop3A_407 = arith.constant 64 : index
      %parallel_loop3A_408 = tpu.vector_load %arg9[%parallel_loop3A_406, %parallel_loop3A_407] {strides = array<i32>} : memref<256x128xf32, #tpu.memory_space<vmem>>, vector<16xf32>,
      tpu.vector_store %arg9[%parallel_loop3A_406, %parallel_loop3A_407], %parallel_loop3A_405 {strides = array<i32>} : memref<256x128xf32, #tpu.memory_space<vmem>>, vector<16xf32>,
      %parallel_loop3A_409 = tpu.vector_load_idx %arg8[%broadcast_in_dim3A_36, %parallel_loop3A_333, %max3A_110] masked %ge3A_106 : memref<1x256x128xf32, #tpu.memory_space<vmem>>[vector<16xi32>, vector<16xi32>, vector<16xi32>], vector<16xf32>, vector<16xi1>
      %parallel_loop3A_410 = arith.constant 0.000000e+00 : f32
      %parallel_loop3A_411 = vector.broadcast %parallel_loop3A_410 : f32 to vector<16xf32>
      %parallel_loop3A_412 = arith.select %ge3A_106, %parallel_loop3A_409, %parallel_loop3A_411 : vector<16xi1>, vector<16xf32>
      %parallel_loop3A_413 = arith.mulf %parallel_loop3A_412, %div3A : vector<16xf32>
      %parallel_loop3A_414 = arith.index_cast %parallel_loop3A_332 : i32 to index
      %parallel_loop3A_415 = arith.constant 80 : index
      %parallel_loop3A_416 = tpu.vector_load %arg9[%parallel_loop3A_414, %parallel_loop3A_415] {strides = array<i32>} : memref<256x128xf32, #tpu.memory_space<vmem>>, vector<16xf32>,
      %parallel_loop3A_417 = arith.index_cast %parallel_loop3A_332 : i32 to index
      %parallel_loop3A_418 = arith.constant 80 : index
      %parallel_loop3A_419 = tpu.vector_load %arg10[%parallel_loop3A_417, %parallel_loop3A_418] {strides = array<i32>} : memref<256x128xf32, #tpu.memory_space<vmem>>, vector<16xf32>,
      tpu.vector_store %arg10[%parallel_loop3A_417, %parallel_loop3A_418], %parallel_loop3A_413 {strides = array<i32>} : memref<256x128xf32, #tpu.memory_space<vmem>>, vector<16xf32>,
      %parallel_loop3A_420 = arith.subf %parallel_loop3A_416, %parallel_loop3A_413 : vector<16xf32>
      %parallel_loop3A_421 = arith.index_cast %parallel_loop3A_332 : i32 to index
      %parallel_loop3A_422 = arith.constant 80 : index
      %parallel_loop3A_423 = tpu.vector_load %arg9[%parallel_loop3A_421, %parallel_loop3A_422] {strides = array<i32>} : memref<256x128xf32, #tpu.memory_space<vmem>>, vector<16xf32>,
      tpu.vector_store %arg9[%parallel_loop3A_421, %parallel_loop3A_422], %parallel_loop3A_420 {strides = array<i32>} : memref<256x128xf32, #tpu.memory_space<vmem>>, vector<16xf32>,
      %parallel_loop3A_424 = tpu.vector_load_idx %arg8[%broadcast_in_dim3A_36, %parallel_loop3A_333, %max3A_123] masked %ge3A_119 : memref<1x256x128xf32, #tpu.memory_space<vmem>>[vector<16xi32>, vector<16xi32>, vector<16xi32>], vector<16xf32>, vector<16xi1>
      %parallel_loop3A_425 = arith.constant 0.000000e+00 : f32
      %parallel_loop3A_426 = vector.broadcast %parallel_loop3A_425 : f32 to vector<16xf32>
      %parallel_loop3A_427 = arith.select %ge3A_119, %parallel_loop3A_424, %parallel_loop3A_426 : vector<16xi1>, vector<16xf32>
      %parallel_loop3A_428 = arith.mulf %parallel_loop3A_427, %div3A : vector<16xf32>
      %parallel_loop3A_429 = arith.index_cast %parallel_loop3A_332 : i32 to index
      %parallel_loop3A_430 = arith.constant 96 : index
      %parallel_loop3A_431 = tpu.vector_load %arg9[%parallel_loop3A_429, %parallel_loop3A_430] {strides = array<i32>} : memref<256x128xf32, #tpu.memory_space<vmem>>, vector<16xf32>,
      %parallel_loop3A_432 = arith.index_cast %parallel_loop3A_332 : i32 to index
      %parallel_loop3A_433 = arith.constant 96 : index
      %parallel_loop3A_434 = tpu.vector_load %arg10[%parallel_loop3A_432, %parallel_loop3A_433] {strides = array<i32>} : memref<256x128xf32, #tpu.memory_space<vmem>>, vector<16xf32>,
      tpu.vector_store %arg10[%parallel_loop3A_432, %parallel_loop3A_433], %parallel_loop3A_428 {strides = array<i32>} : memref<256x128xf32, #tpu.memory_space<vmem>>, vector<16xf32>,
      %parallel_loop3A_435 = arith.subf %parallel_loop3A_431, %parallel_loop3A_428 : vector<16xf32>
      %parallel_loop3A_436 = arith.index_cast %parallel_loop3A_332 : i32 to index
      %parallel_loop3A_437 = arith.constant 96 : index
      %parallel_loop3A_438 = tpu.vector_load %arg9[%parallel_loop3A_436, %parallel_loop3A_437] {strides = array<i32>} : memref<256x128xf32, #tpu.memory_space<vmem>>, vector<16xf32>,
      tpu.vector_store %arg9[%parallel_loop3A_436, %parallel_loop3A_437], %parallel_loop3A_435 {strides = array<i32>} : memref<256x128xf32, #tpu.memory_space<vmem>>, vector<16xf32>,
      %parallel_loop3A_439 = tpu.vector_load_idx %arg8[%broadcast_in_dim3A_36, %parallel_loop3A_333, %max3A_136] masked %ge3A_132 : memref<1x256x128xf32, #tpu.memory_space<vmem>>[vector<16xi32>, vector<16xi32>, vector<16xi32>], vector<16xf32>, vector<16xi1>
      %parallel_loop3A_440 = arith.constant 0.000000e+00 : f32
      %parallel_loop3A_441 = vector.broadcast %parallel_loop3A_440 : f32 to vector<16xf32>
      %parallel_loop3A_442 = arith.select %ge3A_132, %parallel_loop3A_439, %parallel_loop3A_441 : vector<16xi1>, vector<16xf32>
      %parallel_loop3A_443 = arith.mulf %parallel_loop3A_442, %div3A : vector<16xf32>
      %parallel_loop3A_444 = arith.index_cast %parallel_loop3A_332 : i32 to index
      %parallel_loop3A_445 = arith.constant 112 : index
      %parallel_loop3A_446 = tpu.vector_load %arg9[%parallel_loop3A_444, %parallel_loop3A_445] {strides = array<i32>} : memref<256x128xf32, #tpu.memory_space<vmem>>, vector<16xf32>,
      %parallel_loop3A_447 = arith.index_cast %parallel_loop3A_332 : i32 to index
      %parallel_loop3A_448 = arith.constant 112 : index
      %parallel_loop3A_449 = tpu.vector_load %arg10[%parallel_loop3A_447, %parallel_loop3A_448] {strides = array<i32>} : memref<256x128xf32, #tpu.memory_space<vmem>>, vector<16xf32>,
      tpu.vector_store %arg10[%parallel_loop3A_447, %parallel_loop3A_448], %parallel_loop3A_443 {strides = array<i32>} : memref<256x128xf32, #tpu.memory_space<vmem>>, vector<16xf32>,
      %parallel_loop3A_450 = arith.subf %parallel_loop3A_446, %parallel_loop3A_443 : vector<16xf32>
      %parallel_loop3A_451 = arith.index_cast %parallel_loop3A_332 : i32 to index
      %parallel_loop3A_452 = arith.constant 112 : index
      %parallel_loop3A_453 = tpu.vector_load %arg9[%parallel_loop3A_451, %parallel_loop3A_452] {strides = array<i32>} : memref<256x128xf32, #tpu.memory_space<vmem>>, vector<16xf32>,
      tpu.vector_store %arg9[%parallel_loop3A_451, %parallel_loop3A_452], %parallel_loop3A_450 {strides = array<i32>} : memref<256x128xf32, #tpu.memory_space<vmem>>, vector<16xf32>,
    } {sc.loop_unroll_factor = 1 : i64, sc.parallel_access}
    %dma_start3A_248 = arith.constant 128 : i32
    %dma_start3A_249 = arith.constant 0 : i32
    %dma_start3A_250 = tpu.memref_slice %arg10[%dma_start3A_248, %dma_start3A_249] : memref<256x128xf32, #tpu.memory_space<vmem>> -> memref<128x128xf32, #tpu.memory_space<vmem>>
    %dma_start3A_251 = arith.constant 128 : i32
    %dma_start3A_252 = arith.constant 0 : i32
    %dma_start3A_253 = tpu.memref_slice %arg5[%add3A, %dma_start3A_251, %dma_start3A_252] : memref<32x256x128xf32, #tpu.memory_space<hbm>> -> memref<1x128x128xf32, #tpu.memory_space<hbm>>
    %dma_start3A_254 = tpu.memref_squeeze %dma_start3A_253 : memref<1x128x128xf32, #tpu.memory_space<hbm>> -> memref<128x128xf32, #tpu.memory_space<hbm>>
    %dma_start3A_255 = arith.constant 128 : i32
    %dma_start3A_256 = arith.constant 0 : i32
    %dma_start3A_257 = tpu.memref_slice %arg5[%add3A, %dma_start3A_255, %dma_start3A_256] : memref<32x256x128xf32, #tpu.memory_space<hbm>> -> memref<1x128x128xf32, #tpu.memory_space<hbm>>
    %dma_start3A_258 = tpu.memref_squeeze %dma_start3A_257 : memref<1x128x128xf32, #tpu.memory_space<hbm>> -> memref<128x128xf32, #tpu.memory_space<hbm>>
    %dma_start3A_259 = arith.constant 128 : i32
    %dma_start3A_260 = arith.constant 0 : i32
    %dma_start3A_261 = tpu.memref_slice %arg10[%dma_start3A_259, %dma_start3A_260] : memref<256x128xf32, #tpu.memory_space<vmem>> -> memref<128x128xf32, #tpu.memory_space<vmem>>
    tpu.enqueue_dma source(%dma_start3A_261 : memref<128x128xf32, #tpu.memory_space<vmem>>) target(%dma_start3A_258 : memref<128x128xf32, #tpu.memory_space<hbm>>) target_semaphore(%arg11 : memref<!tpu.dma_semaphore, #tpu.memory_space<semaphore_mem>>)
    %dma_start3A_262 = arith.constant 128 : i32
    %dma_start3A_263 = arith.constant 0 : i32
    %dma_start3A_264 = tpu.memref_slice %arg9[%dma_start3A_262, %dma_start3A_263] : memref<256x128xf32, #tpu.memory_space<vmem>> -> memref<128x128xf32, #tpu.memory_space<vmem>>
    %dma_start3A_265 = arith.constant 128 : i32
    %dma_start3A_266 = arith.constant 0 : i32
    %dma_start3A_267 = tpu.memref_slice %arg6[%add3A, %dma_start3A_265, %dma_start3A_266] : memref<32x256x128xf32, #tpu.memory_space<hbm>> -> memref<1x128x128xf32, #tpu.memory_space<hbm>>
    %dma_start3A_268 = tpu.memref_squeeze %dma_start3A_267 : memref<1x128x128xf32, #tpu.memory_space<hbm>> -> memref<128x128xf32, #tpu.memory_space<hbm>>
    %dma_start3A_269 = arith.constant 128 : i32
    %dma_start3A_270 = arith.constant 0 : i32
    %dma_start3A_271 = tpu.memref_slice %arg6[%add3A, %dma_start3A_269, %dma_start3A_270] : memref<32x256x128xf32, #tpu.memory_space<hbm>> -> memref<1x128x128xf32, #tpu.memory_space<hbm>>
    %dma_start3A_272 = tpu.memref_squeeze %dma_start3A_271 : memref<1x128x128xf32, #tpu.memory_space<hbm>> -> memref<128x128xf32, #tpu.memory_space<hbm>>
    %dma_start3A_273 = arith.constant 128 : i32
    %dma_start3A_274 = arith.constant 0 : i32
    %dma_start3A_275 = tpu.memref_slice %arg9[%dma_start3A_273, %dma_start3A_274] : memref<256x128xf32, #tpu.memory_space<vmem>> -> memref<128x128xf32, #tpu.memory_space<vmem>>
    tpu.enqueue_dma source(%dma_start3A_275 : memref<128x128xf32, #tpu.memory_space<vmem>>) target(%dma_start3A_272 : memref<128x128xf32, #tpu.memory_space<hbm>>) target_semaphore(%arg11 : memref<!tpu.dma_semaphore, #tpu.memory_space<semaphore_mem>>)
    %dma_wait3A_276 = arith.constant 0 : i32
    %dma_wait3A_277 = arith.constant 0 : i32
    %dma_wait3A_278 = tpu.memref_slice %arg10[%dma_wait3A_276, %dma_wait3A_277] : memref<256x128xf32, #tpu.memory_space<vmem>> -> memref<128x128xf32, #tpu.memory_space<vmem>>
    %dma_wait3A_279 = arith.constant 0 : i32
    %dma_wait3A_280 = arith.constant 0 : i32
    %dma_wait3A_281 = tpu.memref_slice %arg5[%add3A, %dma_wait3A_279, %dma_wait3A_280] : memref<32x256x128xf32, #tpu.memory_space<hbm>> -> memref<1x128x128xf32, #tpu.memory_space<hbm>>
    %dma_wait3A_282 = tpu.memref_squeeze %dma_wait3A_281 : memref<1x128x128xf32, #tpu.memory_space<hbm>> -> memref<128x128xf32, #tpu.memory_space<hbm>>
    %dma_wait3A_283 = arith.constant 0 : i32
    %dma_wait3A_284 = arith.constant 0 : i32
    %dma_wait3A_285 = tpu.memref_slice %arg5[%add3A, %dma_wait3A_283, %dma_wait3A_284] : memref<32x256x128xf32, #tpu.memory_space<hbm>> -> memref<1x128x128xf32, #tpu.memory_space<hbm>>
    %dma_wait3A_286 = tpu.memref_squeeze %dma_wait3A_285 : memref<1x128x128xf32, #tpu.memory_space<hbm>> -> memref<128x128xf32, #tpu.memory_space<hbm>>
    %dma_wait3A_287 = arith.constant 0 : i32
    %dma_wait3A_288 = arith.constant 0 : i32
    %dma_wait3A_289 = tpu.memref_slice %arg10[%dma_wait3A_287, %dma_wait3A_288] : memref<256x128xf32, #tpu.memory_space<vmem>> -> memref<128x128xf32, #tpu.memory_space<vmem>>
    tpu.wait_dma2 semaphore(%arg11 : memref<!tpu.dma_semaphore, #tpu.memory_space<semaphore_mem>>) src(%dma_wait3A_289 : memref<128x128xf32, #tpu.memory_space<vmem>>) dst(%dma_wait3A_286 : memref<128x128xf32, #tpu.memory_space<hbm>>)
    %dma_wait3A_290 = arith.constant 0 : i32
    %dma_wait3A_291 = arith.constant 0 : i32
    %dma_wait3A_292 = tpu.memref_slice %arg9[%dma_wait3A_290, %dma_wait3A_291] : memref<256x128xf32, #tpu.memory_space<vmem>> -> memref<128x128xf32, #tpu.memory_space<vmem>>
    %dma_wait3A_293 = arith.constant 0 : i32
    %dma_wait3A_294 = arith.constant 0 : i32
    %dma_wait3A_295 = tpu.memref_slice %arg6[%add3A, %dma_wait3A_293, %dma_wait3A_294] : memref<32x256x128xf32, #tpu.memory_space<hbm>> -> memref<1x128x128xf32, #tpu.memory_space<hbm>>
    %dma_wait3A_296 = tpu.memref_squeeze %dma_wait3A_295 : memref<1x128x128xf32, #tpu.memory_space<hbm>> -> memref<128x128xf32, #tpu.memory_space<hbm>>
    %dma_wait3A_297 = arith.constant 0 : i32
    %dma_wait3A_298 = arith.constant 0 : i32
    %dma_wait3A_299 = tpu.memref_slice %arg6[%add3A, %dma_wait3A_297, %dma_wait3A_298] : memref<32x256x128xf32, #tpu.memory_space<hbm>> -> memref<1x128x128xf32, #tpu.memory_space<hbm>>
    %dma_wait3A_300 = tpu.memref_squeeze %dma_wait3A_299 : memref<1x128x128xf32, #tpu.memory_space<hbm>> -> memref<128x128xf32, #tpu.memory_space<hbm>>
    %dma_wait3A_301 = arith.constant 0 : i32
    %dma_wait3A_302 = arith.constant 0 : i32
    %dma_wait3A_303 = tpu.memref_slice %arg9[%dma_wait3A_301, %dma_wait3A_302] : memref<256x128xf32, #tpu.memory_space<vmem>> -> memref<128x128xf32, #tpu.memory_space<vmem>>
    tpu.wait_dma2 semaphore(%arg11 : memref<!tpu.dma_semaphore, #tpu.memory_space<semaphore_mem>>) src(%dma_wait3A_303 : memref<128x128xf32, #tpu.memory_space<vmem>>) dst(%dma_wait3A_300 : memref<128x128xf32, #tpu.memory_space<hbm>>)
    %dma_wait3A_304 = arith.constant 128 : i32
    %dma_wait3A_305 = arith.constant 0 : i32
    %dma_wait3A_306 = tpu.memref_slice %arg10[%dma_wait3A_304, %dma_wait3A_305] : memref<256x128xf32, #tpu.memory_space<vmem>> -> memref<128x128xf32, #tpu.memory_space<vmem>>
    %dma_wait3A_307 = arith.constant 128 : i32
    %dma_wait3A_308 = arith.constant 0 : i32
    %dma_wait3A_309 = tpu.memref_slice %arg5[%add3A, %dma_wait3A_307, %dma_wait3A_308] : memref<32x256x128xf32, #tpu.memory_space<hbm>> -> memref<1x128x128xf32, #tpu.memory_space<hbm>>
    %dma_wait3A_310 = tpu.memref_squeeze %dma_wait3A_309 : memref<1x128x128xf32, #tpu.memory_space<hbm>> -> memref<128x128xf32, #tpu.memory_space<hbm>>
    %dma_wait3A_311 = arith.constant 128 : i32
    %dma_wait3A_312 = arith.constant 0 : i32
    %dma_wait3A_313 = tpu.memref_slice %arg5[%add3A, %dma_wait3A_311, %dma_wait3A_312] : memref<32x256x128xf32, #tpu.memory_space<hbm>> -> memref<1x128x128xf32, #tpu.memory_space<hbm>>
    %dma_wait3A_314 = tpu.memref_squeeze %dma_wait3A_313 : memref<1x128x128xf32, #tpu.memory_space<hbm>> -> memref<128x128xf32, #tpu.memory_space<hbm>>
    %dma_wait3A_315 = arith.constant 128 : i32
    %dma_wait3A_316 = arith.constant 0 : i32
    %dma_wait3A_317 = tpu.memref_slice %arg10[%dma_wait3A_315, %dma_wait3A_316] : memref<256x128xf32, #tpu.memory_space<vmem>> -> memref<128x128xf32, #tpu.memory_space<vmem>>
    tpu.wait_dma2 semaphore(%arg11 : memref<!tpu.dma_semaphore, #tpu.memory_space<semaphore_mem>>) src(%dma_wait3A_317 : memref<128x128xf32, #tpu.memory_space<vmem>>) dst(%dma_wait3A_314 : memref<128x128xf32, #tpu.memory_space<hbm>>)
    %dma_wait3A_318 = arith.constant 128 : i32
    %dma_wait3A_319 = arith.constant 0 : i32
    %dma_wait3A_320 = tpu.memref_slice %arg9[%dma_wait3A_318, %dma_wait3A_319] : memref<256x128xf32, #tpu.memory_space<vmem>> -> memref<128x128xf32, #tpu.memory_space<vmem>>
    %dma_wait3A_321 = arith.constant 128 : i32
    %dma_wait3A_322 = arith.constant 0 : i32
    %dma_wait3A_323 = tpu.memref_slice %arg6[%add3A, %dma_wait3A_321, %dma_wait3A_322] : memref<32x256x128xf32, #tpu.memory_space<hbm>> -> memref<1x128x128xf32, #tpu.memory_space<hbm>>
    %dma_wait3A_324 = tpu.memref_squeeze %dma_wait3A_323 : memref<1x128x128xf32, #tpu.memory_space<hbm>> -> memref<128x128xf32, #tpu.memory_space<hbm>>
    %dma_wait3A_325 = arith.constant 128 : i32
    %dma_wait3A_326 = arith.constant 0 : i32
    %dma_wait3A_327 = tpu.memref_slice %arg6[%add3A, %dma_wait3A_325, %dma_wait3A_326] : memref<32x256x128xf32, #tpu.memory_space<hbm>> -> memref<1x128x128xf32, #tpu.memory_space<hbm>>
    %dma_wait3A_328 = tpu.memref_squeeze %dma_wait3A_327 : memref<1x128x128xf32, #tpu.memory_space<hbm>> -> memref<128x128xf32, #tpu.memory_space<hbm>>
    %dma_wait3A_329 = arith.constant 128 : i32
    %dma_wait3A_330 = arith.constant 0 : i32
    %dma_wait3A_331 = tpu.memref_slice %arg9[%dma_wait3A_329, %dma_wait3A_330] : memref<256x128xf32, #tpu.memory_space<vmem>> -> memref<128x128xf32, #tpu.memory_space<vmem>>
    tpu.wait_dma2 semaphore(%arg11 : memref<!tpu.dma_semaphore, #tpu.memory_space<semaphore_mem>>) src(%dma_wait3A_331 : memref<128x128xf32, #tpu.memory_space<vmem>>) dst(%dma_wait3A_328 : memref<128x128xf32, #tpu.memory_space<hbm>>)
    return
  }
}

module attributes {stable_mosaic.version = 14 : i64} {
  func.func @_conv_argmax_body(%arg0: i32, %arg1: memref<8x256x128xf32, #tpu.memory_space<vmem>>, %arg2: memref<1024x1792xf32, #tpu.memory_space<vmem>>, %arg3: memref<1024x1024xf32, #tpu.memory_space<vmem>>, %arg4: memref<8x2x128xi32, #tpu.memory_space<vmem>>) attributes {dimension_semantics = [#tpu.dimension_semantics<parallel>], iteration_bounds = array<i64: 4>, scalar_prefetch = 0 : i64, scratch_operands = 0 : i64, tpu.core_type = #tpu.core_type<tc>, window_params = [{transform_indices = @transform_0, window_bounds = array<i64: 8, 256, 128>}, {pipeline_mode = #tpu.pipeline_mode<synchronous>, transform_indices = @transform_1, window_bounds = array<i64: 1024, 1792>}, {pipeline_mode = #tpu.pipeline_mode<synchronous>, transform_indices = @transform_2, window_bounds = array<i64: 1024, 1024>}, {transform_indices = @transform_3, window_bounds = array<i64: 8, 2, 128>}]} {
    %get3A = arith.constant 0 : index
    %get3A_0 = arith.constant 0 : index
    %get3A_1 = arith.constant 0 : index
    %get3A_2 = vector.load %arg1[%get3A, %get3A_0, %get3A_1] : memref<8x256x128xf32, #tpu.memory_space<vmem>>, vector<1x256x128xf32>
    %get3A_3 = vector.shape_cast %get3A_2 : vector<1x256x128xf32> to vector<256x128xf32>
    %get3A_4 = arith.constant 1 : index
    %get3A_5 = arith.constant 0 : index
    %get3A_6 = arith.constant 0 : index
    %get3A_7 = vector.load %arg1[%get3A_4, %get3A_5, %get3A_6] : memref<8x256x128xf32, #tpu.memory_space<vmem>>, vector<1x256x128xf32>
    %get3A_8 = vector.shape_cast %get3A_7 : vector<1x256x128xf32> to vector<256x128xf32>
    %get3A_9 = arith.constant 2 : index
    %get3A_10 = arith.constant 0 : index
    %get3A_11 = arith.constant 0 : index
    %get3A_12 = vector.load %arg1[%get3A_9, %get3A_10, %get3A_11] : memref<8x256x128xf32, #tpu.memory_space<vmem>>, vector<1x256x128xf32>
    %get3A_13 = vector.shape_cast %get3A_12 : vector<1x256x128xf32> to vector<256x128xf32>
    %get3A_14 = arith.constant 3 : index
    %get3A_15 = arith.constant 0 : index
    %get3A_16 = arith.constant 0 : index
    %get3A_17 = vector.load %arg1[%get3A_14, %get3A_15, %get3A_16] : memref<8x256x128xf32, #tpu.memory_space<vmem>>, vector<1x256x128xf32>
    %get3A_18 = vector.shape_cast %get3A_17 : vector<1x256x128xf32> to vector<256x128xf32>
    %get3A_19 = arith.constant 4 : index
    %get3A_20 = arith.constant 0 : index
    %get3A_21 = arith.constant 0 : index
    %get3A_22 = vector.load %arg1[%get3A_19, %get3A_20, %get3A_21] : memref<8x256x128xf32, #tpu.memory_space<vmem>>, vector<1x256x128xf32>
    %get3A_23 = vector.shape_cast %get3A_22 : vector<1x256x128xf32> to vector<256x128xf32>
    %get3A_24 = arith.constant 5 : index
    %get3A_25 = arith.constant 0 : index
    %get3A_26 = arith.constant 0 : index
    %get3A_27 = vector.load %arg1[%get3A_24, %get3A_25, %get3A_26] : memref<8x256x128xf32, #tpu.memory_space<vmem>>, vector<1x256x128xf32>
    %get3A_28 = vector.shape_cast %get3A_27 : vector<1x256x128xf32> to vector<256x128xf32>
    %get3A_29 = arith.constant 6 : index
    %get3A_30 = arith.constant 0 : index
    %get3A_31 = arith.constant 0 : index
    %get3A_32 = vector.load %arg1[%get3A_29, %get3A_30, %get3A_31] : memref<8x256x128xf32, #tpu.memory_space<vmem>>, vector<1x256x128xf32>
    %get3A_33 = vector.shape_cast %get3A_32 : vector<1x256x128xf32> to vector<256x128xf32>
    %get3A_34 = arith.constant 7 : index
    %get3A_35 = arith.constant 0 : index
    %get3A_36 = arith.constant 0 : index
    %get3A_37 = vector.load %arg1[%get3A_34, %get3A_35, %get3A_36] : memref<8x256x128xf32, #tpu.memory_space<vmem>>, vector<1x256x128xf32>
    %get3A_38 = vector.shape_cast %get3A_37 : vector<1x256x128xf32> to vector<256x128xf32>
    %concatenate3A = tpu.concatenate %get3A_3, %get3A_8, %get3A_13, %get3A_18, %get3A_23, %get3A_28, %get3A_33, %get3A_38 in 1 : vector<256x128xf32>, vector<256x128xf32>, vector<256x128xf32>, vector<256x128xf32>, vector<256x128xf32>, vector<256x128xf32>, vector<256x128xf32>, vector<256x128xf32> -> vector<256x1024xf32>
    %iota3A = tpu.iota {dimensions = array<i32: 1>} : vector<256x1024xi32>
    %and3A = arith.constant 127 : i32
    %and3A_39 = vector.broadcast %and3A : i32 to vector<256x1024xi32>
    %and3A_40 = arith.andi %iota3A, %and3A_39 : vector<256x1024xi32>
    %slice3A = vector.extract_strided_slice %concatenate3A {offsets = [0, 1], sizes = [256, 1023], strides = [1, 1]} : vector<256x1024xf32> to vector<256x1023xf32>
    %broadcast_in_dim3A = arith.constant 0.000000e+00 : f32
    %broadcast_in_dim3A_41 = vector.broadcast %broadcast_in_dim3A : f32 to vector<256x1xf32>
    %concatenate3A_42 = tpu.concatenate %slice3A, %broadcast_in_dim3A_41 in 1 : vector<256x1023xf32>, vector<256x1xf32> -> vector<256x1024xf32>
    %lt3A = arith.constant 127 : i32
    %lt3A_43 = vector.broadcast %lt3A : i32 to vector<256x1024xi32>
    %lt3A_44 = arith.cmpi slt, %and3A_40, %lt3A_43 : vector<256x1024xi32>
    %jit3A = arith.constant 0.000000e+00 : f32
    %broadcast_in_dim3A_45 = vector.broadcast %jit3A : f32 to vector<256x1024xf32>
    %select_n3A = arith.select %lt3A_44, %concatenate3A_42, %broadcast_in_dim3A_45 : vector<256x1024xi1>, vector<256x1024xf32>
    %slice3A_46 = vector.extract_strided_slice %concatenate3A {offsets = [0, 2], sizes = [256, 1022], strides = [1, 1]} : vector<256x1024xf32> to vector<256x1022xf32>
    %broadcast_in_dim3A_47 = arith.constant 0.000000e+00 : f32
    %broadcast_in_dim3A_48 = vector.broadcast %broadcast_in_dim3A_47 : f32 to vector<256x2xf32>
    %concatenate3A_49 = tpu.concatenate %slice3A_46, %broadcast_in_dim3A_48 in 1 : vector<256x1022xf32>, vector<256x2xf32> -> vector<256x1024xf32>
    %lt3A_50 = arith.constant 126 : i32
    %lt3A_51 = vector.broadcast %lt3A_50 : i32 to vector<256x1024xi32>
    %lt3A_52 = arith.cmpi slt, %and3A_40, %lt3A_51 : vector<256x1024xi32>
    %jit3A_53 = arith.constant 0.000000e+00 : f32
    %broadcast_in_dim3A_54 = vector.broadcast %jit3A_53 : f32 to vector<256x1024xf32>
    %select_n3A_55 = arith.select %lt3A_52, %concatenate3A_49, %broadcast_in_dim3A_54 : vector<256x1024xi1>, vector<256x1024xf32>
    %slice3A_56 = vector.extract_strided_slice %concatenate3A {offsets = [0, 3], sizes = [256, 1021], strides = [1, 1]} : vector<256x1024xf32> to vector<256x1021xf32>
    %broadcast_in_dim3A_57 = arith.constant 0.000000e+00 : f32
    %broadcast_in_dim3A_58 = vector.broadcast %broadcast_in_dim3A_57 : f32 to vector<256x3xf32>
    %concatenate3A_59 = tpu.concatenate %slice3A_56, %broadcast_in_dim3A_58 in 1 : vector<256x1021xf32>, vector<256x3xf32> -> vector<256x1024xf32>
    %lt3A_60 = arith.constant 125 : i32
    %lt3A_61 = vector.broadcast %lt3A_60 : i32 to vector<256x1024xi32>
    %lt3A_62 = arith.cmpi slt, %and3A_40, %lt3A_61 : vector<256x1024xi32>
    %jit3A_63 = arith.constant 0.000000e+00 : f32
    %broadcast_in_dim3A_64 = vector.broadcast %jit3A_63 : f32 to vector<256x1024xf32>
    %select_n3A_65 = arith.select %lt3A_62, %concatenate3A_59, %broadcast_in_dim3A_64 : vector<256x1024xi1>, vector<256x1024xf32>
    %slice3A_66 = vector.extract_strided_slice %concatenate3A {offsets = [0, 4], sizes = [256, 1020], strides = [1, 1]} : vector<256x1024xf32> to vector<256x1020xf32>
    %broadcast_in_dim3A_67 = arith.constant 0.000000e+00 : f32
    %broadcast_in_dim3A_68 = vector.broadcast %broadcast_in_dim3A_67 : f32 to vector<256x4xf32>
    %concatenate3A_69 = tpu.concatenate %slice3A_66, %broadcast_in_dim3A_68 in 1 : vector<256x1020xf32>, vector<256x4xf32> -> vector<256x1024xf32>
    %lt3A_70 = arith.constant 124 : i32
    %lt3A_71 = vector.broadcast %lt3A_70 : i32 to vector<256x1024xi32>
    %lt3A_72 = arith.cmpi slt, %and3A_40, %lt3A_71 : vector<256x1024xi32>
    %jit3A_73 = arith.constant 0.000000e+00 : f32
    %broadcast_in_dim3A_74 = vector.broadcast %jit3A_73 : f32 to vector<256x1024xf32>
    %select_n3A_75 = arith.select %lt3A_72, %concatenate3A_69, %broadcast_in_dim3A_74 : vector<256x1024xi1>, vector<256x1024xf32>
    %slice3A_76 = vector.extract_strided_slice %concatenate3A {offsets = [0, 5], sizes = [256, 1019], strides = [1, 1]} : vector<256x1024xf32> to vector<256x1019xf32>
    %broadcast_in_dim3A_77 = arith.constant 0.000000e+00 : f32
    %broadcast_in_dim3A_78 = vector.broadcast %broadcast_in_dim3A_77 : f32 to vector<256x5xf32>
    %concatenate3A_79 = tpu.concatenate %slice3A_76, %broadcast_in_dim3A_78 in 1 : vector<256x1019xf32>, vector<256x5xf32> -> vector<256x1024xf32>
    %lt3A_80 = arith.constant 123 : i32
    %lt3A_81 = vector.broadcast %lt3A_80 : i32 to vector<256x1024xi32>
    %lt3A_82 = arith.cmpi slt, %and3A_40, %lt3A_81 : vector<256x1024xi32>
    %jit3A_83 = arith.constant 0.000000e+00 : f32
    %broadcast_in_dim3A_84 = vector.broadcast %jit3A_83 : f32 to vector<256x1024xf32>
    %select_n3A_85 = arith.select %lt3A_82, %concatenate3A_79, %broadcast_in_dim3A_84 : vector<256x1024xi1>, vector<256x1024xf32>
    %slice3A_86 = vector.extract_strided_slice %concatenate3A {offsets = [0, 6], sizes = [256, 1018], strides = [1, 1]} : vector<256x1024xf32> to vector<256x1018xf32>
    %broadcast_in_dim3A_87 = arith.constant 0.000000e+00 : f32
    %broadcast_in_dim3A_88 = vector.broadcast %broadcast_in_dim3A_87 : f32 to vector<256x6xf32>
    %concatenate3A_89 = tpu.concatenate %slice3A_86, %broadcast_in_dim3A_88 in 1 : vector<256x1018xf32>, vector<256x6xf32> -> vector<256x1024xf32>
    %lt3A_90 = arith.constant 122 : i32
    %lt3A_91 = vector.broadcast %lt3A_90 : i32 to vector<256x1024xi32>
    %lt3A_92 = arith.cmpi slt, %and3A_40, %lt3A_91 : vector<256x1024xi32>
    %jit3A_93 = arith.constant 0.000000e+00 : f32
    %broadcast_in_dim3A_94 = vector.broadcast %jit3A_93 : f32 to vector<256x1024xf32>
    %select_n3A_95 = arith.select %lt3A_92, %concatenate3A_89, %broadcast_in_dim3A_94 : vector<256x1024xi1>, vector<256x1024xf32>
    %concatenate3A_96 = tpu.concatenate %concatenate3A, %select_n3A, %select_n3A_55, %select_n3A_65, %select_n3A_75, %select_n3A_85, %select_n3A_95 in 0 : vector<256x1024xf32>, vector<256x1024xf32>, vector<256x1024xf32>, vector<256x1024xf32>, vector<256x1024xf32>, vector<256x1024xf32>, vector<256x1024xf32> -> vector<1792x1024xf32>
    %get3A_97 = arith.constant 0 : index
    %get3A_98 = arith.constant 0 : index
    %get3A_99 = vector.load %arg2[%get3A_97, %get3A_98] : memref<1024x1792xf32, #tpu.memory_space<vmem>>, vector<1024x1792xf32>
    %dot_general3A = arith.constant dense<0.000000e+00> : vector<1024x1024xf32>
    %dot_general3A_100 = tpu.matmul %get3A_99, %concatenate3A_96, %dot_general3A {dimension_numbers = #tpu.dot_dimension_numbers<[1], [0], [0], [1], [0, 0, 1, 1], [], []>, transpose_lhs_hint = false} : vector<1024x1792xf32>, vector<1792x1024xf32>, vector<1024x1024xf32> -> vector<1024x1024xf32>
    %get3A_101 = arith.constant 0 : index
    %get3A_102 = arith.constant 0 : index
    %get3A_103 = vector.load %arg3[%get3A_101, %get3A_102] : memref<1024x1024xf32, #tpu.memory_space<vmem>>, vector<1024x1024xf32>
    %add3A = arith.addf %dot_general3A_100, %get3A_103 : vector<1024x1024xf32>
    %iota3A_104 = tpu.iota {dimensions = array<i32: 0>} : vector<1024x128xi32>
    %mul3A = arith.constant 128 : i32
    %mul3A_105 = vector.broadcast %mul3A : i32 to vector<1024x128xi32>
    %mul3A_106 = arith.muli %iota3A_104, %mul3A_105 : vector<1024x128xi32>
    %iota3A_107 = tpu.iota {dimensions = array<i32: 1>} : vector<1024x128xi32>
    %add3A_108 = arith.addi %mul3A_106, %iota3A_107 : vector<1024x128xi32>
    %slice3A_109 = vector.extract_strided_slice %add3A {offsets = [0, 0], sizes = [1024, 128], strides = [1, 1]} : vector<1024x1024xf32> to vector<1024x128xf32>
    %reduce_max3A = vector.shape_cast %slice3A_109 : vector<1024x128xf32> to vector<1x1024x128xf32>
    %reduce_max3A_110 = arith.constant dense<0xFF800000> : vector<1xf32>
    %reduce_max3A_111 = vector.multi_reduction <maximumf>, %reduce_max3A, %reduce_max3A_110 [1, 2] : vector<1x1024x128xf32> to vector<1xf32>
    %reduce_max3A_112 = vector.shape_cast %reduce_max3A_111 : vector<1xf32> to vector<1x1x1xf32>
    %reduce_max3A_113 = vector.extract %reduce_max3A_112[0, 0, 0] : f32 from vector<1x1x1xf32>
    %eq3A = vector.broadcast %reduce_max3A_113 : f32 to vector<1024x128xf32>
    %eq3A_114 = arith.cmpf oeq, %slice3A_109, %eq3A : vector<1024x128xf32>
    %jit3A_115 = arith.constant 131072 : i32
    %broadcast_in_dim3A_116 = vector.broadcast %jit3A_115 : i32 to vector<1024x128xi32>
    %select_n3A_117 = arith.select %eq3A_114, %add3A_108, %broadcast_in_dim3A_116 : vector<1024x128xi1>, vector<1024x128xi32>
    %reduce_min3A = vector.shape_cast %select_n3A_117 : vector<1024x128xi32> to vector<1x1024x128xi32>
    %reduce_min3A_118 = arith.constant dense<2147483647> : vector<1xi32>
    %reduce_min3A_119 = vector.multi_reduction <minsi>, %reduce_min3A, %reduce_min3A_118 [1, 2] : vector<1x1024x128xi32> to vector<1xi32>
    %reduce_min3A_120 = vector.shape_cast %reduce_min3A_119 : vector<1xi32> to vector<1x1x1xi32>
    %reduce_min3A_121 = vector.extract %reduce_min3A_120[0, 0, 0] : i32 from vector<1x1x1xi32>
    %jit3A_122 = arith.constant 128 : i32
    %div3A = arith.divsi %reduce_min3A_121, %jit3A_122 : i32
    %sign3A = arith.constant 0 : i32
    %sign3A_123 = arith.cmpi sgt, %reduce_min3A_121, %sign3A : i32
    %sign3A_124 = arith.extui %sign3A_123 : i1 to i32
    %sign3A_125 = arith.constant 0 : i32
    %sign3A_126 = arith.cmpi slt, %reduce_min3A_121, %sign3A_125 : i32
    %sign3A_127 = arith.extui %sign3A_126 : i1 to i32
    %sign3A_128 = arith.subi %sign3A_124, %sign3A_127 : i32
    %sign3A_129 = arith.constant 0 : i32
    %sign3A_130 = arith.cmpi sgt, %jit3A_122, %sign3A_129 : i32
    %sign3A_131 = arith.extui %sign3A_130 : i1 to i32
    %sign3A_132 = arith.constant 0 : i32
    %sign3A_133 = arith.cmpi slt, %jit3A_122, %sign3A_132 : i32
    %sign3A_134 = arith.extui %sign3A_133 : i1 to i32
    %sign3A_135 = arith.subi %sign3A_131, %sign3A_134 : i32
    %ne3A = arith.cmpi ne, %sign3A_128, %sign3A_135 : i32
    %rem3A = arith.remsi %reduce_min3A_121, %jit3A_122 : i32
    %ne3A_136 = arith.constant 0 : i32
    %ne3A_137 = arith.cmpi ne, %rem3A, %ne3A_136 : i32
    %and3A_138 = arith.andi %ne3A, %ne3A_137 : i1
    %sub3A = arith.constant 1 : i32
    %sub3A_139 = arith.subi %div3A, %sub3A : i32
    %select_n3A_140 = arith.select %and3A_138, %sub3A_139, %div3A : i32
    %broadcast_in_dim3A_141 = vector.broadcast %select_n3A_140 : i32 to vector<1x1x128xi32>
    %jit3A_142 = arith.constant 128 : i32
    %eq3A_143 = arith.constant 0 : i32
    %eq3A_144 = arith.cmpi eq, %jit3A_142, %eq3A_143 : i32
    %jit3A_145 = arith.constant 1 : i32
    %select_n3A_146 = arith.select %eq3A_144, %jit3A_145, %jit3A_142 : i32
    %rem3A_147 = arith.remsi %reduce_min3A_121, %select_n3A_146 : i32
    %ne3A_148 = arith.constant 0 : i32
    %ne3A_149 = arith.cmpi ne, %rem3A_147, %ne3A_148 : i32
    %lt3A_150 = arith.constant 0 : i32
    %lt3A_151 = arith.cmpi slt, %rem3A_147, %lt3A_150 : i32
    %lt3A_152 = arith.constant 0 : i32
    %lt3A_153 = arith.cmpi slt, %select_n3A_146, %lt3A_152 : i32
    %ne3A_154 = arith.xori %lt3A_151, %lt3A_153 : i1
    %and3A_155 = arith.andi %ne3A_154, %ne3A_149 : i1
    %add3A_156 = arith.addi %rem3A_147, %select_n3A_146 : i32
    %select_n3A_157 = arith.select %and3A_155, %add3A_156, %rem3A_147 : i32
    %broadcast_in_dim3A_158 = vector.broadcast %select_n3A_157 : i32 to vector<1x1x128xi32>
    %concatenate3A_159 = tpu.concatenate %broadcast_in_dim3A_141, %broadcast_in_dim3A_158 in 1 : vector<1x1x128xi32>, vector<1x1x128xi32> -> vector<1x2x128xi32>
    %slice3A_160 = vector.extract_strided_slice %add3A {offsets = [0, 128], sizes = [1024, 128], strides = [1, 1]} : vector<1024x1024xf32> to vector<1024x128xf32>
    %reduce_max3A_161 = vector.shape_cast %slice3A_160 : vector<1024x128xf32> to vector<1x1024x128xf32>
    %reduce_max3A_162 = arith.constant dense<0xFF800000> : vector<1xf32>
    %reduce_max3A_163 = vector.multi_reduction <maximumf>, %reduce_max3A_161, %reduce_max3A_162 [1, 2] : vector<1x1024x128xf32> to vector<1xf32>
    %reduce_max3A_164 = vector.shape_cast %reduce_max3A_163 : vector<1xf32> to vector<1x1x1xf32>
    %reduce_max3A_165 = vector.extract %reduce_max3A_164[0, 0, 0] : f32 from vector<1x1x1xf32>
    %eq3A_166 = vector.broadcast %reduce_max3A_165 : f32 to vector<1024x128xf32>
    %eq3A_167 = arith.cmpf oeq, %slice3A_160, %eq3A_166 : vector<1024x128xf32>
    %jit3A_168 = arith.constant 131072 : i32
    %broadcast_in_dim3A_169 = vector.broadcast %jit3A_168 : i32 to vector<1024x128xi32>
    %select_n3A_170 = arith.select %eq3A_167, %add3A_108, %broadcast_in_dim3A_169 : vector<1024x128xi1>, vector<1024x128xi32>
    %reduce_min3A_171 = vector.shape_cast %select_n3A_170 : vector<1024x128xi32> to vector<1x1024x128xi32>
    %reduce_min3A_172 = arith.constant dense<2147483647> : vector<1xi32>
    %reduce_min3A_173 = vector.multi_reduction <minsi>, %reduce_min3A_171, %reduce_min3A_172 [1, 2] : vector<1x1024x128xi32> to vector<1xi32>
    %reduce_min3A_174 = vector.shape_cast %reduce_min3A_173 : vector<1xi32> to vector<1x1x1xi32>
    %reduce_min3A_175 = vector.extract %reduce_min3A_174[0, 0, 0] : i32 from vector<1x1x1xi32>
    %jit3A_176 = arith.constant 128 : i32
    %div3A_177 = arith.divsi %reduce_min3A_175, %jit3A_176 : i32
    %sign3A_178 = arith.constant 0 : i32
    %sign3A_179 = arith.cmpi sgt, %reduce_min3A_175, %sign3A_178 : i32
    %sign3A_180 = arith.extui %sign3A_179 : i1 to i32
    %sign3A_181 = arith.constant 0 : i32
    %sign3A_182 = arith.cmpi slt, %reduce_min3A_175, %sign3A_181 : i32
    %sign3A_183 = arith.extui %sign3A_182 : i1 to i32
    %sign3A_184 = arith.subi %sign3A_180, %sign3A_183 : i32
    %sign3A_185 = arith.constant 0 : i32
    %sign3A_186 = arith.cmpi sgt, %jit3A_176, %sign3A_185 : i32
    %sign3A_187 = arith.extui %sign3A_186 : i1 to i32
    %sign3A_188 = arith.constant 0 : i32
    %sign3A_189 = arith.cmpi slt, %jit3A_176, %sign3A_188 : i32
    %sign3A_190 = arith.extui %sign3A_189 : i1 to i32
    %sign3A_191 = arith.subi %sign3A_187, %sign3A_190 : i32
    %ne3A_192 = arith.cmpi ne, %sign3A_184, %sign3A_191 : i32
    %rem3A_193 = arith.remsi %reduce_min3A_175, %jit3A_176 : i32
    %ne3A_194 = arith.constant 0 : i32
    %ne3A_195 = arith.cmpi ne, %rem3A_193, %ne3A_194 : i32
    %and3A_196 = arith.andi %ne3A_192, %ne3A_195 : i1
    %sub3A_197 = arith.constant 1 : i32
    %sub3A_198 = arith.subi %div3A_177, %sub3A_197 : i32
    %select_n3A_199 = arith.select %and3A_196, %sub3A_198, %div3A_177 : i32
    %broadcast_in_dim3A_200 = vector.broadcast %select_n3A_199 : i32 to vector<1x1x128xi32>
    %jit3A_201 = arith.constant 128 : i32
    %eq3A_202 = arith.constant 0 : i32
    %eq3A_203 = arith.cmpi eq, %jit3A_201, %eq3A_202 : i32
    %jit3A_204 = arith.constant 1 : i32
    %select_n3A_205 = arith.select %eq3A_203, %jit3A_204, %jit3A_201 : i32
    %rem3A_206 = arith.remsi %reduce_min3A_175, %select_n3A_205 : i32
    %ne3A_207 = arith.constant 0 : i32
    %ne3A_208 = arith.cmpi ne, %rem3A_206, %ne3A_207 : i32
    %lt3A_209 = arith.constant 0 : i32
    %lt3A_210 = arith.cmpi slt, %rem3A_206, %lt3A_209 : i32
    %lt3A_211 = arith.constant 0 : i32
    %lt3A_212 = arith.cmpi slt, %select_n3A_205, %lt3A_211 : i32
    %ne3A_213 = arith.xori %lt3A_210, %lt3A_212 : i1
    %and3A_214 = arith.andi %ne3A_213, %ne3A_208 : i1
    %add3A_215 = arith.addi %rem3A_206, %select_n3A_205 : i32
    %select_n3A_216 = arith.select %and3A_214, %add3A_215, %rem3A_206 : i32
    %broadcast_in_dim3A_217 = vector.broadcast %select_n3A_216 : i32 to vector<1x1x128xi32>
    %concatenate3A_218 = tpu.concatenate %broadcast_in_dim3A_200, %broadcast_in_dim3A_217 in 1 : vector<1x1x128xi32>, vector<1x1x128xi32> -> vector<1x2x128xi32>
    %slice3A_219 = vector.extract_strided_slice %add3A {offsets = [0, 256], sizes = [1024, 128], strides = [1, 1]} : vector<1024x1024xf32> to vector<1024x128xf32>
    %reduce_max3A_220 = vector.shape_cast %slice3A_219 : vector<1024x128xf32> to vector<1x1024x128xf32>
    %reduce_max3A_221 = arith.constant dense<0xFF800000> : vector<1xf32>
    %reduce_max3A_222 = vector.multi_reduction <maximumf>, %reduce_max3A_220, %reduce_max3A_221 [1, 2] : vector<1x1024x128xf32> to vector<1xf32>
    %reduce_max3A_223 = vector.shape_cast %reduce_max3A_222 : vector<1xf32> to vector<1x1x1xf32>
    %reduce_max3A_224 = vector.extract %reduce_max3A_223[0, 0, 0] : f32 from vector<1x1x1xf32>
    %eq3A_225 = vector.broadcast %reduce_max3A_224 : f32 to vector<1024x128xf32>
    %eq3A_226 = arith.cmpf oeq, %slice3A_219, %eq3A_225 : vector<1024x128xf32>
    %jit3A_227 = arith.constant 131072 : i32
    %broadcast_in_dim3A_228 = vector.broadcast %jit3A_227 : i32 to vector<1024x128xi32>
    %select_n3A_229 = arith.select %eq3A_226, %add3A_108, %broadcast_in_dim3A_228 : vector<1024x128xi1>, vector<1024x128xi32>
    %reduce_min3A_230 = vector.shape_cast %select_n3A_229 : vector<1024x128xi32> to vector<1x1024x128xi32>
    %reduce_min3A_231 = arith.constant dense<2147483647> : vector<1xi32>
    %reduce_min3A_232 = vector.multi_reduction <minsi>, %reduce_min3A_230, %reduce_min3A_231 [1, 2] : vector<1x1024x128xi32> to vector<1xi32>
    %reduce_min3A_233 = vector.shape_cast %reduce_min3A_232 : vector<1xi32> to vector<1x1x1xi32>
    %reduce_min3A_234 = vector.extract %reduce_min3A_233[0, 0, 0] : i32 from vector<1x1x1xi32>
    %jit3A_235 = arith.constant 128 : i32
    %div3A_236 = arith.divsi %reduce_min3A_234, %jit3A_235 : i32
    %sign3A_237 = arith.constant 0 : i32
    %sign3A_238 = arith.cmpi sgt, %reduce_min3A_234, %sign3A_237 : i32
    %sign3A_239 = arith.extui %sign3A_238 : i1 to i32
    %sign3A_240 = arith.constant 0 : i32
    %sign3A_241 = arith.cmpi slt, %reduce_min3A_234, %sign3A_240 : i32
    %sign3A_242 = arith.extui %sign3A_241 : i1 to i32
    %sign3A_243 = arith.subi %sign3A_239, %sign3A_242 : i32
    %sign3A_244 = arith.constant 0 : i32
    %sign3A_245 = arith.cmpi sgt, %jit3A_235, %sign3A_244 : i32
    %sign3A_246 = arith.extui %sign3A_245 : i1 to i32
    %sign3A_247 = arith.constant 0 : i32
    %sign3A_248 = arith.cmpi slt, %jit3A_235, %sign3A_247 : i32
    %sign3A_249 = arith.extui %sign3A_248 : i1 to i32
    %sign3A_250 = arith.subi %sign3A_246, %sign3A_249 : i32
    %ne3A_251 = arith.cmpi ne, %sign3A_243, %sign3A_250 : i32
    %rem3A_252 = arith.remsi %reduce_min3A_234, %jit3A_235 : i32
    %ne3A_253 = arith.constant 0 : i32
    %ne3A_254 = arith.cmpi ne, %rem3A_252, %ne3A_253 : i32
    %and3A_255 = arith.andi %ne3A_251, %ne3A_254 : i1
    %sub3A_256 = arith.constant 1 : i32
    %sub3A_257 = arith.subi %div3A_236, %sub3A_256 : i32
    %select_n3A_258 = arith.select %and3A_255, %sub3A_257, %div3A_236 : i32
    %broadcast_in_dim3A_259 = vector.broadcast %select_n3A_258 : i32 to vector<1x1x128xi32>
    %jit3A_260 = arith.constant 128 : i32
    %eq3A_261 = arith.constant 0 : i32
    %eq3A_262 = arith.cmpi eq, %jit3A_260, %eq3A_261 : i32
    %jit3A_263 = arith.constant 1 : i32
    %select_n3A_264 = arith.select %eq3A_262, %jit3A_263, %jit3A_260 : i32
    %rem3A_265 = arith.remsi %reduce_min3A_234, %select_n3A_264 : i32
    %ne3A_266 = arith.constant 0 : i32
    %ne3A_267 = arith.cmpi ne, %rem3A_265, %ne3A_266 : i32
    %lt3A_268 = arith.constant 0 : i32
    %lt3A_269 = arith.cmpi slt, %rem3A_265, %lt3A_268 : i32
    %lt3A_270 = arith.constant 0 : i32
    %lt3A_271 = arith.cmpi slt, %select_n3A_264, %lt3A_270 : i32
    %ne3A_272 = arith.xori %lt3A_269, %lt3A_271 : i1
    %and3A_273 = arith.andi %ne3A_272, %ne3A_267 : i1
    %add3A_274 = arith.addi %rem3A_265, %select_n3A_264 : i32
    %select_n3A_275 = arith.select %and3A_273, %add3A_274, %rem3A_265 : i32
    %broadcast_in_dim3A_276 = vector.broadcast %select_n3A_275 : i32 to vector<1x1x128xi32>
    %concatenate3A_277 = tpu.concatenate %broadcast_in_dim3A_259, %broadcast_in_dim3A_276 in 1 : vector<1x1x128xi32>, vector<1x1x128xi32> -> vector<1x2x128xi32>
    %slice3A_278 = vector.extract_strided_slice %add3A {offsets = [0, 384], sizes = [1024, 128], strides = [1, 1]} : vector<1024x1024xf32> to vector<1024x128xf32>
    %reduce_max3A_279 = vector.shape_cast %slice3A_278 : vector<1024x128xf32> to vector<1x1024x128xf32>
    %reduce_max3A_280 = arith.constant dense<0xFF800000> : vector<1xf32>
    %reduce_max3A_281 = vector.multi_reduction <maximumf>, %reduce_max3A_279, %reduce_max3A_280 [1, 2] : vector<1x1024x128xf32> to vector<1xf32>
    %reduce_max3A_282 = vector.shape_cast %reduce_max3A_281 : vector<1xf32> to vector<1x1x1xf32>
    %reduce_max3A_283 = vector.extract %reduce_max3A_282[0, 0, 0] : f32 from vector<1x1x1xf32>
    %eq3A_284 = vector.broadcast %reduce_max3A_283 : f32 to vector<1024x128xf32>
    %eq3A_285 = arith.cmpf oeq, %slice3A_278, %eq3A_284 : vector<1024x128xf32>
    %jit3A_286 = arith.constant 131072 : i32
    %broadcast_in_dim3A_287 = vector.broadcast %jit3A_286 : i32 to vector<1024x128xi32>
    %select_n3A_288 = arith.select %eq3A_285, %add3A_108, %broadcast_in_dim3A_287 : vector<1024x128xi1>, vector<1024x128xi32>
    %reduce_min3A_289 = vector.shape_cast %select_n3A_288 : vector<1024x128xi32> to vector<1x1024x128xi32>
    %reduce_min3A_290 = arith.constant dense<2147483647> : vector<1xi32>
    %reduce_min3A_291 = vector.multi_reduction <minsi>, %reduce_min3A_289, %reduce_min3A_290 [1, 2] : vector<1x1024x128xi32> to vector<1xi32>
    %reduce_min3A_292 = vector.shape_cast %reduce_min3A_291 : vector<1xi32> to vector<1x1x1xi32>
    %reduce_min3A_293 = vector.extract %reduce_min3A_292[0, 0, 0] : i32 from vector<1x1x1xi32>
    %jit3A_294 = arith.constant 128 : i32
    %div3A_295 = arith.divsi %reduce_min3A_293, %jit3A_294 : i32
    %sign3A_296 = arith.constant 0 : i32
    %sign3A_297 = arith.cmpi sgt, %reduce_min3A_293, %sign3A_296 : i32
    %sign3A_298 = arith.extui %sign3A_297 : i1 to i32
    %sign3A_299 = arith.constant 0 : i32
    %sign3A_300 = arith.cmpi slt, %reduce_min3A_293, %sign3A_299 : i32
    %sign3A_301 = arith.extui %sign3A_300 : i1 to i32
    %sign3A_302 = arith.subi %sign3A_298, %sign3A_301 : i32
    %sign3A_303 = arith.constant 0 : i32
    %sign3A_304 = arith.cmpi sgt, %jit3A_294, %sign3A_303 : i32
    %sign3A_305 = arith.extui %sign3A_304 : i1 to i32
    %sign3A_306 = arith.constant 0 : i32
    %sign3A_307 = arith.cmpi slt, %jit3A_294, %sign3A_306 : i32
    %sign3A_308 = arith.extui %sign3A_307 : i1 to i32
    %sign3A_309 = arith.subi %sign3A_305, %sign3A_308 : i32
    %ne3A_310 = arith.cmpi ne, %sign3A_302, %sign3A_309 : i32
    %rem3A_311 = arith.remsi %reduce_min3A_293, %jit3A_294 : i32
    %ne3A_312 = arith.constant 0 : i32
    %ne3A_313 = arith.cmpi ne, %rem3A_311, %ne3A_312 : i32
    %and3A_314 = arith.andi %ne3A_310, %ne3A_313 : i1
    %sub3A_315 = arith.constant 1 : i32
    %sub3A_316 = arith.subi %div3A_295, %sub3A_315 : i32
    %select_n3A_317 = arith.select %and3A_314, %sub3A_316, %div3A_295 : i32
    %broadcast_in_dim3A_318 = vector.broadcast %select_n3A_317 : i32 to vector<1x1x128xi32>
    %jit3A_319 = arith.constant 128 : i32
    %eq3A_320 = arith.constant 0 : i32
    %eq3A_321 = arith.cmpi eq, %jit3A_319, %eq3A_320 : i32
    %jit3A_322 = arith.constant 1 : i32
    %select_n3A_323 = arith.select %eq3A_321, %jit3A_322, %jit3A_319 : i32
    %rem3A_324 = arith.remsi %reduce_min3A_293, %select_n3A_323 : i32
    %ne3A_325 = arith.constant 0 : i32
    %ne3A_326 = arith.cmpi ne, %rem3A_324, %ne3A_325 : i32
    %lt3A_327 = arith.constant 0 : i32
    %lt3A_328 = arith.cmpi slt, %rem3A_324, %lt3A_327 : i32
    %lt3A_329 = arith.constant 0 : i32
    %lt3A_330 = arith.cmpi slt, %select_n3A_323, %lt3A_329 : i32
    %ne3A_331 = arith.xori %lt3A_328, %lt3A_330 : i1
    %and3A_332 = arith.andi %ne3A_331, %ne3A_326 : i1
    %add3A_333 = arith.addi %rem3A_324, %select_n3A_323 : i32
    %select_n3A_334 = arith.select %and3A_332, %add3A_333, %rem3A_324 : i32
    %broadcast_in_dim3A_335 = vector.broadcast %select_n3A_334 : i32 to vector<1x1x128xi32>
    %concatenate3A_336 = tpu.concatenate %broadcast_in_dim3A_318, %broadcast_in_dim3A_335 in 1 : vector<1x1x128xi32>, vector<1x1x128xi32> -> vector<1x2x128xi32>
    %slice3A_337 = vector.extract_strided_slice %add3A {offsets = [0, 512], sizes = [1024, 128], strides = [1, 1]} : vector<1024x1024xf32> to vector<1024x128xf32>
    %reduce_max3A_338 = vector.shape_cast %slice3A_337 : vector<1024x128xf32> to vector<1x1024x128xf32>
    %reduce_max3A_339 = arith.constant dense<0xFF800000> : vector<1xf32>
    %reduce_max3A_340 = vector.multi_reduction <maximumf>, %reduce_max3A_338, %reduce_max3A_339 [1, 2] : vector<1x1024x128xf32> to vector<1xf32>
    %reduce_max3A_341 = vector.shape_cast %reduce_max3A_340 : vector<1xf32> to vector<1x1x1xf32>
    %reduce_max3A_342 = vector.extract %reduce_max3A_341[0, 0, 0] : f32 from vector<1x1x1xf32>
    %eq3A_343 = vector.broadcast %reduce_max3A_342 : f32 to vector<1024x128xf32>
    %eq3A_344 = arith.cmpf oeq, %slice3A_337, %eq3A_343 : vector<1024x128xf32>
    %jit3A_345 = arith.constant 131072 : i32
    %broadcast_in_dim3A_346 = vector.broadcast %jit3A_345 : i32 to vector<1024x128xi32>
    %select_n3A_347 = arith.select %eq3A_344, %add3A_108, %broadcast_in_dim3A_346 : vector<1024x128xi1>, vector<1024x128xi32>
    %reduce_min3A_348 = vector.shape_cast %select_n3A_347 : vector<1024x128xi32> to vector<1x1024x128xi32>
    %reduce_min3A_349 = arith.constant dense<2147483647> : vector<1xi32>
    %reduce_min3A_350 = vector.multi_reduction <minsi>, %reduce_min3A_348, %reduce_min3A_349 [1, 2] : vector<1x1024x128xi32> to vector<1xi32>
    %reduce_min3A_351 = vector.shape_cast %reduce_min3A_350 : vector<1xi32> to vector<1x1x1xi32>
    %reduce_min3A_352 = vector.extract %reduce_min3A_351[0, 0, 0] : i32 from vector<1x1x1xi32>
    %jit3A_353 = arith.constant 128 : i32
    %div3A_354 = arith.divsi %reduce_min3A_352, %jit3A_353 : i32
    %sign3A_355 = arith.constant 0 : i32
    %sign3A_356 = arith.cmpi sgt, %reduce_min3A_352, %sign3A_355 : i32
    %sign3A_357 = arith.extui %sign3A_356 : i1 to i32
    %sign3A_358 = arith.constant 0 : i32
    %sign3A_359 = arith.cmpi slt, %reduce_min3A_352, %sign3A_358 : i32
    %sign3A_360 = arith.extui %sign3A_359 : i1 to i32
    %sign3A_361 = arith.subi %sign3A_357, %sign3A_360 : i32
    %sign3A_362 = arith.constant 0 : i32
    %sign3A_363 = arith.cmpi sgt, %jit3A_353, %sign3A_362 : i32
    %sign3A_364 = arith.extui %sign3A_363 : i1 to i32
    %sign3A_365 = arith.constant 0 : i32
    %sign3A_366 = arith.cmpi slt, %jit3A_353, %sign3A_365 : i32
    %sign3A_367 = arith.extui %sign3A_366 : i1 to i32
    %sign3A_368 = arith.subi %sign3A_364, %sign3A_367 : i32
    %ne3A_369 = arith.cmpi ne, %sign3A_361, %sign3A_368 : i32
    %rem3A_370 = arith.remsi %reduce_min3A_352, %jit3A_353 : i32
    %ne3A_371 = arith.constant 0 : i32
    %ne3A_372 = arith.cmpi ne, %rem3A_370, %ne3A_371 : i32
    %and3A_373 = arith.andi %ne3A_369, %ne3A_372 : i1
    %sub3A_374 = arith.constant 1 : i32
    %sub3A_375 = arith.subi %div3A_354, %sub3A_374 : i32
    %select_n3A_376 = arith.select %and3A_373, %sub3A_375, %div3A_354 : i32
    %broadcast_in_dim3A_377 = vector.broadcast %select_n3A_376 : i32 to vector<1x1x128xi32>
    %jit3A_378 = arith.constant 128 : i32
    %eq3A_379 = arith.constant 0 : i32
    %eq3A_380 = arith.cmpi eq, %jit3A_378, %eq3A_379 : i32
    %jit3A_381 = arith.constant 1 : i32
    %select_n3A_382 = arith.select %eq3A_380, %jit3A_381, %jit3A_378 : i32
    %rem3A_383 = arith.remsi %reduce_min3A_352, %select_n3A_382 : i32
    %ne3A_384 = arith.constant 0 : i32
    %ne3A_385 = arith.cmpi ne, %rem3A_383, %ne3A_384 : i32
    %lt3A_386 = arith.constant 0 : i32
    %lt3A_387 = arith.cmpi slt, %rem3A_383, %lt3A_386 : i32
    %lt3A_388 = arith.constant 0 : i32
    %lt3A_389 = arith.cmpi slt, %select_n3A_382, %lt3A_388 : i32
    %ne3A_390 = arith.xori %lt3A_387, %lt3A_389 : i1
    %and3A_391 = arith.andi %ne3A_390, %ne3A_385 : i1
    %add3A_392 = arith.addi %rem3A_383, %select_n3A_382 : i32
    %select_n3A_393 = arith.select %and3A_391, %add3A_392, %rem3A_383 : i32
    %broadcast_in_dim3A_394 = vector.broadcast %select_n3A_393 : i32 to vector<1x1x128xi32>
    %concatenate3A_395 = tpu.concatenate %broadcast_in_dim3A_377, %broadcast_in_dim3A_394 in 1 : vector<1x1x128xi32>, vector<1x1x128xi32> -> vector<1x2x128xi32>
    %slice3A_396 = vector.extract_strided_slice %add3A {offsets = [0, 640], sizes = [1024, 128], strides = [1, 1]} : vector<1024x1024xf32> to vector<1024x128xf32>
    %reduce_max3A_397 = vector.shape_cast %slice3A_396 : vector<1024x128xf32> to vector<1x1024x128xf32>
    %reduce_max3A_398 = arith.constant dense<0xFF800000> : vector<1xf32>
    %reduce_max3A_399 = vector.multi_reduction <maximumf>, %reduce_max3A_397, %reduce_max3A_398 [1, 2] : vector<1x1024x128xf32> to vector<1xf32>
    %reduce_max3A_400 = vector.shape_cast %reduce_max3A_399 : vector<1xf32> to vector<1x1x1xf32>
    %reduce_max3A_401 = vector.extract %reduce_max3A_400[0, 0, 0] : f32 from vector<1x1x1xf32>
    %eq3A_402 = vector.broadcast %reduce_max3A_401 : f32 to vector<1024x128xf32>
    %eq3A_403 = arith.cmpf oeq, %slice3A_396, %eq3A_402 : vector<1024x128xf32>
    %jit3A_404 = arith.constant 131072 : i32
    %broadcast_in_dim3A_405 = vector.broadcast %jit3A_404 : i32 to vector<1024x128xi32>
    %select_n3A_406 = arith.select %eq3A_403, %add3A_108, %broadcast_in_dim3A_405 : vector<1024x128xi1>, vector<1024x128xi32>
    %reduce_min3A_407 = vector.shape_cast %select_n3A_406 : vector<1024x128xi32> to vector<1x1024x128xi32>
    %reduce_min3A_408 = arith.constant dense<2147483647> : vector<1xi32>
    %reduce_min3A_409 = vector.multi_reduction <minsi>, %reduce_min3A_407, %reduce_min3A_408 [1, 2] : vector<1x1024x128xi32> to vector<1xi32>
    %reduce_min3A_410 = vector.shape_cast %reduce_min3A_409 : vector<1xi32> to vector<1x1x1xi32>
    %reduce_min3A_411 = vector.extract %reduce_min3A_410[0, 0, 0] : i32 from vector<1x1x1xi32>
    %jit3A_412 = arith.constant 128 : i32
    %div3A_413 = arith.divsi %reduce_min3A_411, %jit3A_412 : i32
    %sign3A_414 = arith.constant 0 : i32
    %sign3A_415 = arith.cmpi sgt, %reduce_min3A_411, %sign3A_414 : i32
    %sign3A_416 = arith.extui %sign3A_415 : i1 to i32
    %sign3A_417 = arith.constant 0 : i32
    %sign3A_418 = arith.cmpi slt, %reduce_min3A_411, %sign3A_417 : i32
    %sign3A_419 = arith.extui %sign3A_418 : i1 to i32
    %sign3A_420 = arith.subi %sign3A_416, %sign3A_419 : i32
    %sign3A_421 = arith.constant 0 : i32
    %sign3A_422 = arith.cmpi sgt, %jit3A_412, %sign3A_421 : i32
    %sign3A_423 = arith.extui %sign3A_422 : i1 to i32
    %sign3A_424 = arith.constant 0 : i32
    %sign3A_425 = arith.cmpi slt, %jit3A_412, %sign3A_424 : i32
    %sign3A_426 = arith.extui %sign3A_425 : i1 to i32
    %sign3A_427 = arith.subi %sign3A_423, %sign3A_426 : i32
    %ne3A_428 = arith.cmpi ne, %sign3A_420, %sign3A_427 : i32
    %rem3A_429 = arith.remsi %reduce_min3A_411, %jit3A_412 : i32
    %ne3A_430 = arith.constant 0 : i32
    %ne3A_431 = arith.cmpi ne, %rem3A_429, %ne3A_430 : i32
    %and3A_432 = arith.andi %ne3A_428, %ne3A_431 : i1
    %sub3A_433 = arith.constant 1 : i32
    %sub3A_434 = arith.subi %div3A_413, %sub3A_433 : i32
    %select_n3A_435 = arith.select %and3A_432, %sub3A_434, %div3A_413 : i32
    %broadcast_in_dim3A_436 = vector.broadcast %select_n3A_435 : i32 to vector<1x1x128xi32>
    %jit3A_437 = arith.constant 128 : i32
    %eq3A_438 = arith.constant 0 : i32
    %eq3A_439 = arith.cmpi eq, %jit3A_437, %eq3A_438 : i32
    %jit3A_440 = arith.constant 1 : i32
    %select_n3A_441 = arith.select %eq3A_439, %jit3A_440, %jit3A_437 : i32
    %rem3A_442 = arith.remsi %reduce_min3A_411, %select_n3A_441 : i32
    %ne3A_443 = arith.constant 0 : i32
    %ne3A_444 = arith.cmpi ne, %rem3A_442, %ne3A_443 : i32
    %lt3A_445 = arith.constant 0 : i32
    %lt3A_446 = arith.cmpi slt, %rem3A_442, %lt3A_445 : i32
    %lt3A_447 = arith.constant 0 : i32
    %lt3A_448 = arith.cmpi slt, %select_n3A_441, %lt3A_447 : i32
    %ne3A_449 = arith.xori %lt3A_446, %lt3A_448 : i1
    %and3A_450 = arith.andi %ne3A_449, %ne3A_444 : i1
    %add3A_451 = arith.addi %rem3A_442, %select_n3A_441 : i32
    %select_n3A_452 = arith.select %and3A_450, %add3A_451, %rem3A_442 : i32
    %broadcast_in_dim3A_453 = vector.broadcast %select_n3A_452 : i32 to vector<1x1x128xi32>
    %concatenate3A_454 = tpu.concatenate %broadcast_in_dim3A_436, %broadcast_in_dim3A_453 in 1 : vector<1x1x128xi32>, vector<1x1x128xi32> -> vector<1x2x128xi32>
    %slice3A_455 = vector.extract_strided_slice %add3A {offsets = [0, 768], sizes = [1024, 128], strides = [1, 1]} : vector<1024x1024xf32> to vector<1024x128xf32>
    %reduce_max3A_456 = vector.shape_cast %slice3A_455 : vector<1024x128xf32> to vector<1x1024x128xf32>
    %reduce_max3A_457 = arith.constant dense<0xFF800000> : vector<1xf32>
    %reduce_max3A_458 = vector.multi_reduction <maximumf>, %reduce_max3A_456, %reduce_max3A_457 [1, 2] : vector<1x1024x128xf32> to vector<1xf32>
    %reduce_max3A_459 = vector.shape_cast %reduce_max3A_458 : vector<1xf32> to vector<1x1x1xf32>
    %reduce_max3A_460 = vector.extract %reduce_max3A_459[0, 0, 0] : f32 from vector<1x1x1xf32>
    %eq3A_461 = vector.broadcast %reduce_max3A_460 : f32 to vector<1024x128xf32>
    %eq3A_462 = arith.cmpf oeq, %slice3A_455, %eq3A_461 : vector<1024x128xf32>
    %jit3A_463 = arith.constant 131072 : i32
    %broadcast_in_dim3A_464 = vector.broadcast %jit3A_463 : i32 to vector<1024x128xi32>
    %select_n3A_465 = arith.select %eq3A_462, %add3A_108, %broadcast_in_dim3A_464 : vector<1024x128xi1>, vector<1024x128xi32>
    %reduce_min3A_466 = vector.shape_cast %select_n3A_465 : vector<1024x128xi32> to vector<1x1024x128xi32>
    %reduce_min3A_467 = arith.constant dense<2147483647> : vector<1xi32>
    %reduce_min3A_468 = vector.multi_reduction <minsi>, %reduce_min3A_466, %reduce_min3A_467 [1, 2] : vector<1x1024x128xi32> to vector<1xi32>
    %reduce_min3A_469 = vector.shape_cast %reduce_min3A_468 : vector<1xi32> to vector<1x1x1xi32>
    %reduce_min3A_470 = vector.extract %reduce_min3A_469[0, 0, 0] : i32 from vector<1x1x1xi32>
    %jit3A_471 = arith.constant 128 : i32
    %div3A_472 = arith.divsi %reduce_min3A_470, %jit3A_471 : i32
    %sign3A_473 = arith.constant 0 : i32
    %sign3A_474 = arith.cmpi sgt, %reduce_min3A_470, %sign3A_473 : i32
    %sign3A_475 = arith.extui %sign3A_474 : i1 to i32
    %sign3A_476 = arith.constant 0 : i32
    %sign3A_477 = arith.cmpi slt, %reduce_min3A_470, %sign3A_476 : i32
    %sign3A_478 = arith.extui %sign3A_477 : i1 to i32
    %sign3A_479 = arith.subi %sign3A_475, %sign3A_478 : i32
    %sign3A_480 = arith.constant 0 : i32
    %sign3A_481 = arith.cmpi sgt, %jit3A_471, %sign3A_480 : i32
    %sign3A_482 = arith.extui %sign3A_481 : i1 to i32
    %sign3A_483 = arith.constant 0 : i32
    %sign3A_484 = arith.cmpi slt, %jit3A_471, %sign3A_483 : i32
    %sign3A_485 = arith.extui %sign3A_484 : i1 to i32
    %sign3A_486 = arith.subi %sign3A_482, %sign3A_485 : i32
    %ne3A_487 = arith.cmpi ne, %sign3A_479, %sign3A_486 : i32
    %rem3A_488 = arith.remsi %reduce_min3A_470, %jit3A_471 : i32
    %ne3A_489 = arith.constant 0 : i32
    %ne3A_490 = arith.cmpi ne, %rem3A_488, %ne3A_489 : i32
    %and3A_491 = arith.andi %ne3A_487, %ne3A_490 : i1
    %sub3A_492 = arith.constant 1 : i32
    %sub3A_493 = arith.subi %div3A_472, %sub3A_492 : i32
    %select_n3A_494 = arith.select %and3A_491, %sub3A_493, %div3A_472 : i32
    %broadcast_in_dim3A_495 = vector.broadcast %select_n3A_494 : i32 to vector<1x1x128xi32>
    %jit3A_496 = arith.constant 128 : i32
    %eq3A_497 = arith.constant 0 : i32
    %eq3A_498 = arith.cmpi eq, %jit3A_496, %eq3A_497 : i32
    %jit3A_499 = arith.constant 1 : i32
    %select_n3A_500 = arith.select %eq3A_498, %jit3A_499, %jit3A_496 : i32
    %rem3A_501 = arith.remsi %reduce_min3A_470, %select_n3A_500 : i32
    %ne3A_502 = arith.constant 0 : i32
    %ne3A_503 = arith.cmpi ne, %rem3A_501, %ne3A_502 : i32
    %lt3A_504 = arith.constant 0 : i32
    %lt3A_505 = arith.cmpi slt, %rem3A_501, %lt3A_504 : i32
    %lt3A_506 = arith.constant 0 : i32
    %lt3A_507 = arith.cmpi slt, %select_n3A_500, %lt3A_506 : i32
    %ne3A_508 = arith.xori %lt3A_505, %lt3A_507 : i1
    %and3A_509 = arith.andi %ne3A_508, %ne3A_503 : i1
    %add3A_510 = arith.addi %rem3A_501, %select_n3A_500 : i32
    %select_n3A_511 = arith.select %and3A_509, %add3A_510, %rem3A_501 : i32
    %broadcast_in_dim3A_512 = vector.broadcast %select_n3A_511 : i32 to vector<1x1x128xi32>
    %concatenate3A_513 = tpu.concatenate %broadcast_in_dim3A_495, %broadcast_in_dim3A_512 in 1 : vector<1x1x128xi32>, vector<1x1x128xi32> -> vector<1x2x128xi32>
    %slice3A_514 = vector.extract_strided_slice %add3A {offsets = [0, 896], sizes = [1024, 128], strides = [1, 1]} : vector<1024x1024xf32> to vector<1024x128xf32>
    %reduce_max3A_515 = vector.shape_cast %slice3A_514 : vector<1024x128xf32> to vector<1x1024x128xf32>
    %reduce_max3A_516 = arith.constant dense<0xFF800000> : vector<1xf32>
    %reduce_max3A_517 = vector.multi_reduction <maximumf>, %reduce_max3A_515, %reduce_max3A_516 [1, 2] : vector<1x1024x128xf32> to vector<1xf32>
    %reduce_max3A_518 = vector.shape_cast %reduce_max3A_517 : vector<1xf32> to vector<1x1x1xf32>
    %reduce_max3A_519 = vector.extract %reduce_max3A_518[0, 0, 0] : f32 from vector<1x1x1xf32>
    %eq3A_520 = vector.broadcast %reduce_max3A_519 : f32 to vector<1024x128xf32>
    %eq3A_521 = arith.cmpf oeq, %slice3A_514, %eq3A_520 : vector<1024x128xf32>
    %jit3A_522 = arith.constant 131072 : i32
    %broadcast_in_dim3A_523 = vector.broadcast %jit3A_522 : i32 to vector<1024x128xi32>
    %select_n3A_524 = arith.select %eq3A_521, %add3A_108, %broadcast_in_dim3A_523 : vector<1024x128xi1>, vector<1024x128xi32>
    %reduce_min3A_525 = vector.shape_cast %select_n3A_524 : vector<1024x128xi32> to vector<1x1024x128xi32>
    %reduce_min3A_526 = arith.constant dense<2147483647> : vector<1xi32>
    %reduce_min3A_527 = vector.multi_reduction <minsi>, %reduce_min3A_525, %reduce_min3A_526 [1, 2] : vector<1x1024x128xi32> to vector<1xi32>
    %reduce_min3A_528 = vector.shape_cast %reduce_min3A_527 : vector<1xi32> to vector<1x1x1xi32>
    %reduce_min3A_529 = vector.extract %reduce_min3A_528[0, 0, 0] : i32 from vector<1x1x1xi32>
    %jit3A_530 = arith.constant 128 : i32
    %div3A_531 = arith.divsi %reduce_min3A_529, %jit3A_530 : i32
    %sign3A_532 = arith.constant 0 : i32
    %sign3A_533 = arith.cmpi sgt, %reduce_min3A_529, %sign3A_532 : i32
    %sign3A_534 = arith.extui %sign3A_533 : i1 to i32
    %sign3A_535 = arith.constant 0 : i32
    %sign3A_536 = arith.cmpi slt, %reduce_min3A_529, %sign3A_535 : i32
    %sign3A_537 = arith.extui %sign3A_536 : i1 to i32
    %sign3A_538 = arith.subi %sign3A_534, %sign3A_537 : i32
    %sign3A_539 = arith.constant 0 : i32
    %sign3A_540 = arith.cmpi sgt, %jit3A_530, %sign3A_539 : i32
    %sign3A_541 = arith.extui %sign3A_540 : i1 to i32
    %sign3A_542 = arith.constant 0 : i32
    %sign3A_543 = arith.cmpi slt, %jit3A_530, %sign3A_542 : i32
    %sign3A_544 = arith.extui %sign3A_543 : i1 to i32
    %sign3A_545 = arith.subi %sign3A_541, %sign3A_544 : i32
    %ne3A_546 = arith.cmpi ne, %sign3A_538, %sign3A_545 : i32
    %rem3A_547 = arith.remsi %reduce_min3A_529, %jit3A_530 : i32
    %ne3A_548 = arith.constant 0 : i32
    %ne3A_549 = arith.cmpi ne, %rem3A_547, %ne3A_548 : i32
    %and3A_550 = arith.andi %ne3A_546, %ne3A_549 : i1
    %sub3A_551 = arith.constant 1 : i32
    %sub3A_552 = arith.subi %div3A_531, %sub3A_551 : i32
    %select_n3A_553 = arith.select %and3A_550, %sub3A_552, %div3A_531 : i32
    %broadcast_in_dim3A_554 = vector.broadcast %select_n3A_553 : i32 to vector<1x1x128xi32>
    %jit3A_555 = arith.constant 128 : i32
    %eq3A_556 = arith.constant 0 : i32
    %eq3A_557 = arith.cmpi eq, %jit3A_555, %eq3A_556 : i32
    %jit3A_558 = arith.constant 1 : i32
    %select_n3A_559 = arith.select %eq3A_557, %jit3A_558, %jit3A_555 : i32
    %rem3A_560 = arith.remsi %reduce_min3A_529, %select_n3A_559 : i32
    %ne3A_561 = arith.constant 0 : i32
    %ne3A_562 = arith.cmpi ne, %rem3A_560, %ne3A_561 : i32
    %lt3A_563 = arith.constant 0 : i32
    %lt3A_564 = arith.cmpi slt, %rem3A_560, %lt3A_563 : i32
    %lt3A_565 = arith.constant 0 : i32
    %lt3A_566 = arith.cmpi slt, %select_n3A_559, %lt3A_565 : i32
    %ne3A_567 = arith.xori %lt3A_564, %lt3A_566 : i1
    %and3A_568 = arith.andi %ne3A_567, %ne3A_562 : i1
    %add3A_569 = arith.addi %rem3A_560, %select_n3A_559 : i32
    %select_n3A_570 = arith.select %and3A_568, %add3A_569, %rem3A_560 : i32
    %broadcast_in_dim3A_571 = vector.broadcast %select_n3A_570 : i32 to vector<1x1x128xi32>
    %concatenate3A_572 = tpu.concatenate %broadcast_in_dim3A_554, %broadcast_in_dim3A_571 in 1 : vector<1x1x128xi32>, vector<1x1x128xi32> -> vector<1x2x128xi32>
    %concatenate3A_573 = tpu.concatenate %concatenate3A_159, %concatenate3A_218, %concatenate3A_277, %concatenate3A_336, %concatenate3A_395, %concatenate3A_454, %concatenate3A_513, %concatenate3A_572 in 0 : vector<1x2x128xi32>, vector<1x2x128xi32>, vector<1x2x128xi32>, vector<1x2x128xi32>, vector<1x2x128xi32>, vector<1x2x128xi32>, vector<1x2x128xi32>, vector<1x2x128xi32> -> vector<8x2x128xi32>
    %swap3A = arith.constant 0 : index
    %swap3A_574 = arith.constant 0 : index
    %swap3A_575 = arith.constant 0 : index
    %swap3A_576 = vector.load %arg4[%swap3A, %swap3A_574, %swap3A_575] : memref<8x2x128xi32, #tpu.memory_space<vmem>>, vector<8x2x128xi32>
    tpu.vector_store %arg4[%swap3A, %swap3A_574, %swap3A_575], %concatenate3A_573 {strides = array<i32>} : memref<8x2x128xi32, #tpu.memory_space<vmem>>, vector<8x2x128xi32>,
    return
  }
  func.func @transform_0(%arg0: i32) -> (i32, i32, i32) {
    %c0_i32 = arith.constant 0 : i32
    %c0_i32_0 = arith.constant 0 : i32
    %c0_i32_1 = arith.constant 0 : i32
    return %arg0, %c0_i32, %c0_i32_0 : i32, i32, i32
  }
  func.func @transform_1(%arg0: i32) -> (i32, i32) {
    %c0_i32 = arith.constant 0 : i32
    %c0_i32_0 = arith.constant 0 : i32
    %c0_i32_1 = arith.constant 0 : i32
    return %c0_i32, %c0_i32_0 : i32, i32
  }
  func.func @transform_2(%arg0: i32) -> (i32, i32) {
    %c0_i32 = arith.constant 0 : i32
    %c0_i32_0 = arith.constant 0 : i32
    %c0_i32_1 = arith.constant 0 : i32
    return %c0_i32, %c0_i32_0 : i32, i32
  }
  func.func @transform_3(%arg0: i32) -> (i32, i32, i32) {
    %c0_i32 = arith.constant 0 : i32
    %c0_i32_0 = arith.constant 0 : i32
    %c0_i32_1 = arith.constant 0 : i32
    return %arg0, %c0_i32, %c0_i32_0 : i32, i32, i32
  }
}

</mosaic_0001>

<sc_bundles>
// kernel: kernel.4.cloned.1.call-start
scs
__scs_entry_jumppad:
0x0: {  	(pc) =	sbr.rel $0x88, $3  }
0x1: {  	(tag) =	ssettag $0x0;
	lr =	simm.s32 $0x1  }
0x2: {  	[smem:$0x3F9D] =	sst lr;
	_ =	strace $0xD0000000  }
0x3: {  	_ = 	snop  }
0x4: {  	_ = 	snop  }
0x5: {  	_ = 	snop  }
0x6: {  	_ = 	snop  }
0x7: {  	_ = 	snop  }
__scs_overlays_trampoline_lowered:
0x8: {  	[smem:$0x3FAC] =	sst s0  }
0x9: {  	[smem:$0x3FAD] =	sst s1  }
0xa: {  	[smem:$0x3FAE] =	sst s2  }
0xb: {  	[smem:$0x3FAF] =	sst s3  }
0xc: {  	[smem:$0x3FB0] =	sst s4  }
0xd: {  	[smem:$0x3FB1] =	sst s5  }
0xe: {  	[smem:$0x3FB2] =	sst s6  }
0xf: {  	[smem:$0x3FB3] =	sst s7  }
0x10: {  	[smem:$0x3FB4] =	sst s8  }
0x11: {  	[smem:$0x3FB5] =	sst s9;
	s0 =	simm.s32 @!p0 $0x0  }
0x12: {  	s1 =	sld [smem:$0x3F9B];
	s0 =	simm.s32 @p0 $0x1  }
0x13: {  	[smem:$0x3FB6] =	sst s0;
	s0 =	simm.s32 @!p1 $0x0  }
0x14: {  	s2 =	sld [smem:$0x3F9A];
	s0 =	simm.s32 @p1 $0x1  }
0x15: {  	[smem:$0x3FB7] =	sst s0;
	s0 =	simm.s32 @!p2 $0x0  }
0x16: {  	s3 =	sld [smem:$0x3FDB];
	s0 =	simm.s32 @p2 $0x1  }
0x17: {  	s4 =	simm.s32 $0x1BF5;
	[smem:$0x3FB9] =	sst s0  }
0x18: {  	s0 =	sld [smem:$0x3F9C];
	_ =	swait.ge [sflag:s4], $0x0  }
0x19: {  	s7 =	sld [smem:$0x3F9D]  }
0x1a: {  	s8 =	sadd.s32 $0xFFFFE003, lr  }
0x1b: {  	s9 =	sadd.s32 $0xFFFFFEF7, lr;
	s5 =	simm.s32 $0xFFFFFFFF;
	p2 =	slt.u32 s8, $0xFFFFF086  }
0x1c: {  	p1 =	slt.u32 s9, $0xF7A;
	s5 =	simm.s32 @!p2 $0x0  }
0x1d: {  	s5 =	simm.s32 @p1 $0x1;
	p0 =	seq.s32 s7, s2  }
0x1e: {  	s7 =	smul.u32 @!p0 $0xF7A, s2;
	p2 =	seq.s32 @!p0 s5, $0x0  }
0x1f: {  	s9 =	smul.u32 $0xF7A, s1;
	s8 =	simm.s32 @!p0 $0x1BF5;
	p2 =	por !p2, p0  }
0x20: {  	[sflag:s8] =	ssyncset.s32 @!p0 $0xFFFFF086;
	s6 =	sadd.s32 @!p0 s3, s7;
	s7 =	simm.s32 @!p0 $0x108  }
0x21: {  	s3 =	sadd.s32 s3, s9;
	s6 =	sadd.s32 @!p0 $0x88, s6;
	s7 =	simm.s32 @p2 $0x1082  }
0x22: {  	[simem:s7], [sflag:s8] =	dma.local @!p0 [hbm:s6], $0xF7A  }
0x23: {  	s9 =	sor.u32 $0xD0000000, s2;
	s6 =	simm.s32 $0x108;
	_ =	swait.ge @!p0 [sflag:s8], $0x0  }
0x24: {  	s3 =	sadd.s32 $0x88, s3;
	s6 =	simm.s32 @!p1 $0x1082;
	[sflag:s4] =	ssyncset.s32 $0xFFFFF086  }
0x25: {  	[simem:s6], [sflag:s4] =	dma.local [hbm:s3], $0xF7A  }
0x26: {  	[smem:$0x3F9D] =	sst s1;
	(tag) =	ssettag s2;
	_ =	strace s9  }
0x27: {  	s1 =	sld [smem:$0x3FAD]  }
0x28: {  	s2 =	sld [smem:$0x3FAE]  }
0x29: {  	s4 =	sld [smem:$0x3FB0]  }
0x2a: {  	p0 =	seq.s32 s5, $0x0;
	s5 =	sld [smem:$0x3FB1]  }
0x2b: {  	s6 =	sld [smem:$0x3FB2]  }
0x2c: {  	s7 =	sld [smem:$0x3FB3]  }
0x2d: {  	s3 =	simm.s32 $0x108;
	s8 =	sld [smem:$0x3FB4]  }
0x2e: {  	s3 =	simm.s32 @!p0 $0x1082;
	s9 =	sld [smem:$0x3FB5]  }
0x2f: {  	lr =	sadd.s32 s0, s3;
	s0 =	sld [smem:$0x3FAC]  }
0x30: {  	s3 =	sld [smem:$0x3FAF]  }
0x31: {  	[smem:$0x3FB8] =	sst s10  }
0x32: {  	s10 =	sld [smem:$0x3FB6];
	_ =	sdelay $0x3  }
0x33: {  	p0 =	seq.s32 s10, $0x1;
	s10 =	sld [smem:$0x3FB8];
	_ =	sdelay $0x3  }
0x34: {  	[smem:$0x3FB8] =	sst s10  }
0x35: {  	s10 =	sld [smem:$0x3FB7];
	_ =	sdelay $0x3  }
0x36: {  	p1 =	seq.s32 s10, $0x1;
	s10 =	sld [smem:$0x3FB8];
	_ =	sdelay $0x3  }
0x37: {  	[smem:$0x3FB8] =	sst s10  }
0x38: {  	s10 =	sld [smem:$0x3FB9]  }
0x39: {  	_ = 	snop;
	(pc) =	sbr.ind lr, $3  }
0x3a: {  	_ = 	snop  }
0x3b: {  	_ = 	snop  }
0x3c: {  	p2 =	seq.s32 s10, $0x1;
	s10 =	sld [smem:$0x3FB8]  }
0x3d: {  	_ =	shalt  }
0x3e: {  	_ =	shalt  }
0x3f: {  	_ =	shalt  }
0x40: {  	_ =	shalt  }
0x41: {  	_ =	shalt  }
0x42: {  	_ =	shalt  }
0x43: {  	_ =	shalt  }
0x44: {  	_ =	shalt  }
0x45: {  	_ =	shalt  }
0x46: {  	_ =	shalt  }
0x47: {  	_ =	shalt  }
0x48: {  	_ =	shalt  }
0x49: {  	_ =	shalt  }
0x4a: {  	_ =	shalt  }
0x4b: {  	_ =	shalt  }
0x4c: {  	_ =	shalt  }
0x4d: {  	_ =	shalt  }
0x4e: {  	_ =	shalt  }
0x4f: {  	_ =	shalt  }
0x50: {  	_ =	shalt  }
0x51: {  	_ =	shalt  }
0x52: {  	_ =	shalt  }
0x53: {  	_ =	shalt  }
0x54: {  	_ =	shalt  }
0x55: {  	_ =	shalt  }
0x56: {  	_ =	shalt  }
0x57: {  	_ =	shalt  }
0x58: {  	_ =	shalt  }
0x59: {  	_ =	shalt  }
0x5a: {  	_ =	shalt  }
0x5b: {  	_ =	shalt  }
0x5c: {  	_ =	shalt  }
0x5d: {  	_ =	shalt  }
0x5e: {  	_ =	shalt  }
0x5f: {  	_ =	shalt  }
0x60: {  	_ =	shalt  }
0x61: {  	_ =	shalt  }
0x62: {  	_ =	shalt  }
0x63: {  	_ =	shalt  }
0x64: {  	_ =	shalt  }
0x65: {  	_ =	shalt  }
0x66: {  	_ =	shalt  }
0x67: {  	_ =	shalt  }
0x68: {  	_ =	shalt  }
0x69: {  	_ =	shalt  }
0x6a: {  	_ =	shalt  }
0x6b: {  	_ =	shalt  }
0x6c: {  	_ =	shalt  }
0x6d: {  	_ =	shalt  }
0x6e: {  	_ =	shalt  }
0x6f: {  	_ =	shalt  }
0x70: {  	_ =	shalt  }
0x71: {  	_ =	shalt  }
0x72: {  	_ =	shalt  }
0x73: {  	_ =	shalt  }
0x74: {  	_ =	shalt  }
0x75: {  	_ =	shalt  }
0x76: {  	_ =	shalt  }
0x77: {  	_ =	shalt  }
0x78: {  	_ =	shalt  }
0x79: {  	_ =	shalt  }
0x7a: {  	_ =	shalt  }
0x7b: {  	_ =	shalt  }
0x7c: {  	_ =	shalt  }
0x7d: {  	_ =	shalt  }
0x7e: {  	_ =	shalt  }
0x7f: {  	_ =	shalt  }
0x80: {  	_ =	shalt  }
0x81: {  	_ =	shalt  }
0x82: {  	_ =	shalt  }
0x83: {  	_ =	shalt  }
0x84: {  	_ =	shalt  }
0x85: {  	_ =	shalt  }
0x86: {  	_ =	shalt  }
0x87: {  	_ =	shalt  }
.Lfunc_end0:
.L_simem_size_0:
called_computation_lowered:
.L_overlay_start_0:
0x88: {  	s2 =	sld [smem:$0x3FD9]  }
0x89: {  	s3 =	sld [smem:$0x3FFE];
	_ =	sdelay $0x1  }
0x8a: {  	s1 =	srdreg.scid  }
0x8b: {  	s0 =	sand.u32 $0x1, s1  }
0x8c: {  	s14 =	sshll.u32 s0, $0xA;
	s2 =	sadd.s32 s3, s2  }
0x8d: {  	s2 =	sadd.s32 s2, s14  }
0x8e: {  	[smem:$0x3FC4] =	sst s2  }
0x8f: {  	_ = 	snop  }
0x90: {  	s2 =	sld [smem:$0x3FD0];
	_ =	sdelay $0x1  }
0x91: {  	s15 =	sld [smem:$0x3FC9]  }
0x92: {  	s5 =	simm.s32 $0xA;
	s6 =	simm.s32 $0x10;
	s4 =	sld [smem:$0x3FC6]  }
0x93: {  	[smem:s6], [sflag:s5] =	dma.local [hbm:s2], $0x1  }
0x94: {  	_ =	swait.eq [sflag:s5], $0x1  }
0x95: {  	[sflag:s5] =	ssyncset.done $0x0  }
0x96: {  	s16 =	sld [smem:$0x10];
	[sflag:s5] =	ssyncadd.s32 $0xFFFFFFFF  }
0x97: {  	s17 =	sld [smem:$0x11];
	(tm) =	ssettm $0x1  }
0x98: {  	s18 =	sld [smem:$0x3FFB];
	_ =	sdelay $0x3  }
0x99: {  	_ =	strace s18  }
0x9a: {  	s6 =	sld [smem:$0x3FFC];
	_ =	sdelay $0x3  }
0x9b: {  	_ =	strace s6  }
0x9c: {  	s6 =	sld [smem:$0x3FFD];
	_ =	sdelay $0x3  }
0x9d: {  	_ =	strace s6  }
0x9e: {  	_ =	strace $0x8FFFFFFF  }
0x9f: {  	s19 =	sld [smem:$0x3FDB];
	_ =	sdelay $0x1  }
0xa0: {  	s7 =	simm.s32 $_scs_section_size  }
0xa1: {  	s8 =	simm.s32 $_size__tile_overlayer_lowered;
	s9 =	simm.s32 $_tile_overlayer_lowered  }
0xa2: {  	s22 =	simm.s32 $0x1BFF;
	s21 =	sshll.u32 s9, $0x1;
	s6 =	sadd.s32 s7, s19  }
0xa3: {  	s10 =	simm.s32 $0x0;
	s20 =	sshll.u32 s8, $0x1;
	s8 =	sadd.s32 s21, s6  }
0xa4: {  	[timem:s10], [sflag:s22] =	dma.local [hbm:s8], s20  }
0xa5: {  	_ =	swait.ge [sflag:s22], s20  }
0xa6: {  	s7 =	ssub.s32 $0x0, s20;
	[sflag:s22] =	ssyncset.done $0x0  }
0xa7: {  	[sflag:s22] =	ssyncadd.s32 s7;
	_ =	sdelay $0x1  }
0xa8: {  	s23 =	simm.s32 $0x1B8B  }
0xa9: {  	_ =	swait.ge [sflag:s23], $0x1  }
0xaa: {  	[sflag:s23] =	ssyncset.done $0x0  }
0xab: {  	s25 =	simm.s32 $0x1B8E;
	s24 =	sld [smem:$0x3FFE];
	[sflag:s23] =	ssyncadd.s32 $0xFFFFFFFF  }
0xac: {  	s26 =	simm.s32 $execute0_lowered;
	[smem:$0x3FD2] =	sst s25  }
0xad: {  	s8 =	sshll.u32 s26, $0x1;
	_ =	strace $0x80000046;
	[dreg:$0x1] =	wrdreg $0xFFFFFFFF  }
0xae: {  	s28 =	simm.s32 $_size_execute0_lowered;
	s6 =	sadd.s32 s6, s8;
	[dreg:$0x0] =	wrdreg $0x0  }
0xaf: {  	s8 =	sshll.u32 s28, $0x1;
	[dreg:$0x2] =	wrdreg s6  }
0xb0: {  	[dreg:$0x3] =	wrdreg s8  }
0xb1: {  	[dreg:$0x4] =	wrdreg $0xC0  }
0xb2: {  	_ =	task [dreg:s10], $0x5FFFF  }
0xb3: {  	[dreg:$0x1] =	wrdreg $0xFFFFFFFF  }
0xb4: {  	[dreg:$0x0] =	wrdreg $0x60  }
0xb5: {  	[dreg:$0x2] =	wrdreg s24  }
0xb6: {  	[dreg:$0x3] =	wrdreg s15  }
0xb7: {  	[dreg:$0x4] =	wrdreg s4  }
0xb8: {  	[dreg:$0x5] =	wrdreg s16  }
0xb9: {  	[dreg:$0x6] =	wrdreg s17  }
0xba: {  	[dreg:$0x7] =	wrdreg $0x9  }
0xbb: {  	_ =	task.clear_ibuf [dreg:s10], $0x8FFFF;
	_ =	strace $0x90000046  }
0xbc: {  	s29 =	simm.s32 $0x9;
	_ =	strace $0x80000048  }
0xbd: {  	_ =	swait.ge [sflag:s29], $0x1  }
0xbe: {  	[sflag:s29] =	ssyncadd.s32 $0xFFFFFFFF  }
0xbf: {  	_ =	strace $0x90000048  }
0xc0: {  	_ =	sfence  }
0xc1: {  	s30 =	sld [smem:$0x0];
	_ =	sdelay $0x2  }
0xc2: {  	s31 =	sshll.u32 s1, $0xD;
	s1 =	sshrl.u32 s1, $0x2  }
0xc3: {  	s3 =	sand.u32 $0x4000, s31;
	s1 =	sadd.s32 s1, s30  }
0xc4: {  	s0 =	sor.u32 s3, s0;
	s1 =	sshll.u32 s1, $0x11  }
0xc5: {  	s0 =	sor.u32 s1, s0  }
0xc6: {  	s0 =	sadd.s32 $0x8F2B, s0  }
0xc7: {  	[sflag:s0] =	ssyncadd.remote.s32 $0x1  }
0xc8: {  	_ =	sfence.sel $0xFFFF  }
0xc9: {  	[dreg:$0x0] =	wrdreg $0xFFFFFFFF;
	(pc) =	sbr.abs _section_cstart, $3  }
0xca: {  	[dreg:$0x1] =	wrdreg $0xFFFFFFFF  }
0xcb: {  	_ =	task.clear_ibuf [dreg:s10], $0x2FFFF;
	_ =	strace $0x9FFFFFFF  }
0xcc: {  	(tm) =	ssettm $0x7FFFFFFF  }
0xcd: {  	_ =	shalt  }
tec
execute0_lowered:
.L_overlay_start_1:
0x0: {  	(tag) =	ssettag $0x1  }
0x1: {  	s0 =	rddreg [dreg:$0x0]  }
0x2: {  	s1 =	rddreg [dreg:$0x1]  }
0x3: {  	s2 =	rddreg [dreg:$0x3]  }
0x4: {  	s4 =	rddreg [dreg:$0x4]  }
0x5: {  	s5 =	srdreg.scid;
	s6 =	stileid.u32  }
0x6: {  	s3 =	simm.s32 $0x0;
	s11 =	simm.s32 $0x8100;
	s12 =	simm.s32 $0x3  }
0x7: {  	s13 =	simm.s32 $0x1;
	s14 =	simm.s32 $0x100;
	s15 =	simm.s32 $0x2  }
0x8: {  	s5 =	sand.u32 $0x1, s5;
	s6 =	sshll.u32 s6, $0x1;
	[smem:$0x7FF] =	sst s3  }
0x9: {  	s19 =	simm.s32 $0x0;
	s6 =	sor.u32 s5, s6;
	_ =	strace $0x80000047  }
0xa: {  	v0 =	vlaneseq.u32;
	s5 =	ssub.s32 $0x2, s5;
	s7 =	sshll.u32 s6, $0x5;
	s6 =	sshll.u32 s6, $0xC  }
0xb: {  	v1 =	vor.u32 $0x10, v0;
	v2 =	vor.u32 $0x20, v0;
	v3 =	vor.u32 $0x30, v0;
	s28 =	sshrl.u32 s5, $0x1;
	s0 =	sadd.s32 s7, s0;
	s1 =	sadd.s32 s1, s6  }
0xc: {  	v4 =	vor.u32 $0x40, v0;
	v5 =	vor.u32 $0x50, v0;
	v8 =	vadd.s32 $0x71, v0;
	s5 =	ssub.s32 s5, s28;
	s29 =	sadd.s32 s2, s6;
	[dreg:$0x6] =	wrdreg s1  }
0xd: {  	v6 =	vor.u32 $0x60, v0;
	v7 =	vor.u32 $0x70, v0;
	[tilespmem:$0x1FFD0] =	vst v8;
	v8 =	vadd.s32 $0x61, v0;
	s30 =	sadd.s32 s4, s6;
	s31 =	sor.u32 $0x800, s6;
	[dreg:$0x8] =	wrdreg s29  }
0xe: {  	v11 =	vadd.s32 $0x41, v0;
	v12 =	vadd.s32 $0x31, v0;
	[tilespmem:$0x1FFE0] =	vst v8;
	v8 =	vadd.s32 $0x51, v0;
	s0 =	sadd.s32 $0xC00, s0;
	[dreg:$0x9] =	wrdreg s30;
	s8 =	sadd.s32 s2, s31  }
0xf: {  	v13 =	vadd.s32 $0x21, v0;
	v14 =	vadd.s32 $0x11, v0;
	v15 =	vadd.s32 $0x1, v0;
	[tilespmem:$0x1FFF0] =	vst v8;
	s9 =	sadd.s32 s4, s31;
	s10 =	smax.u32 s5, $0x1;
	[dreg:$0x7] =	wrdreg s0  }
.LBB2_1:
0x10: {  	s0 =	rddreg [dreg:$0x6]  }
0x11: {  	[tilespmem:s11], [sflag:$0x2] =	stream.linear.gather [hbm4b:s0+s3], $0x8000, $0x38;
	[tilespmem:$0x18100] =	vst v63  }
0x12: {  	s30 =	rddreg [dreg:$0x7]  }
0x13: {  	[tilespmem:s3], [sflag:$0x3] =	stream.linear.gather [hbm4b:s30+s3], $0x100, $0x38;
	[tilespmem:$0x18100] =	vst v63  }
0x14: {  	_ =	swait.ge [sflag:s12], $0x100  }
0x15: {  	[sflag:s12] =	ssyncset.done $0x0  }
0x16: {  	[sflag:s12] =	ssyncadd.s32 $0xFFFFFF00  }
0x17: {  	s31 =	rddreg [dreg:$0x2]  }
0x18: {  	[tilespmem:s14], [sflag:$0x1] =	stream.indirect.gather [hbm4b:s31+s13], $0x8000, s3, s13, $0xb8;
	[tilespmem:$0x18100] =	vst v63  }
0x19: {  	_ =	swait.ge [sflag:s15], $0x8000  }
0x1a: {  	[sflag:s15] =	ssyncset.done $0x0  }
0x1b: {  	[sflag:s15] =	ssyncadd.s32 $0xFFFF8000  }
0x1c: {  	_ =	swait.ge [sflag:s13], $0x8000  }
0x1d: {  	[sflag:s13] =	ssyncset.done $0x0  }
0x1e: {  	[sflag:s13] =	ssyncadd.s32 $0xFFFF8000  }
0x1f: {  	v25 =	vld [tilespmem:$0x80];
	_ =	sdelay $0x3  }
0x20: {  	v41 =	vimm.f32 $0.0e+00;
	v53 =	vimm.f32 $0.0e+00;
	v49 =	vimm.f32 $0.0e+00;
	s0 =	simm.s32 $0x140  }
0x21: {  	v47 =	vimm.f32 $0.0e+00;
	v29 =	vld [tilespmem:s0+$0xFFFFFFD0];
	v16 =	vadd.s32 v0, v25;
	v17 =	vadd.s32 v7, v25  }
0x22: {  	v31 =	vld [tilespmem:s0+$0xFFFFFFE0];
	v26 =	vsub.s32 $0x80, v25;
	v19 =	vadd.s32 v2, v25;
	v20 =	vadd.s32 v3, v25  }
0x23: {  	v34 =	vld [tilespmem:s0+$0xFFFFFFF0];
	vm0 =	vlt.s32 v16, $0x7F;
	vm2 =	vlt.s32 v19, $0x7F;
	vm3 =	vlt.s32 v20, $0x7F  }
0x24: {  	vm4 =	vgt.s32 v26, v3;
	vm5 =	vgt.s32 v26, v2;
	vm6 =	vgt.s32 v26, v1  }
0x25: {  	vm7 =	vgt.s32 v26, v0;
	v18 =	vnsel vm0, $0x7F, v16;
	vm0 =	vlt.s32 v17, $0x7F  }
0x26: {  	v16 =	vadd.s32 v1, v25;
	v22 =	vnsel vm2, $0x7F, v19;
	v21 =	vnsel vm3, $0x7F, v20  }
0x27: {  	v19 =	vadd.s32 v5, v25;
	v20 =	vadd.s32 v6, v25;
	v40 =	vnsel vm6, $0x0, v29  }
0x28: {  	v42 =	vnsel vm5, $0x0, v31;
	v39 =	vnsel vm4, $0x0, v34;
	v34 =	vimm.f32 $0.0e+00  }
0x29: {  	s1 =	simm.s32 $0x0;
	v31 =	vimm.f32 $0.0e+00;
	v17 =	vnsel vm0, $0x7F, v17;
	vm0 =	vgt.s32 v26, v7  }
0x2a: {  	v28 =	vld [tilespmem:s0+$0x30];
	vm1 =	vlt.s32 v16, $0x7F;
	vm2 =	vlt.s32 v19, $0x7F;
	v27 =	vadd.s32 s1, v17  }
0x2b: {  	v35 =	vld [tilespmem:s0+$0x0];
	vm3 =	vlt.s32 v20, $0x7F;
	v32 =	vadd.s32 s1, v18;
	v45 =	vadd.s32 s1, v22  }
0x2c: {  	v36 =	vld [tilespmem:s0+$0x10];
	v33 =	vadd.s32 s1, v21;
	v29 =	vmul.f32 v42, v42;
	v56 =	vmul.f32 v39, v39  }
0x2d: {  	v23 =	vnsel vm1, $0x7F, v16;
	v16 =	vadd.s32 v4, v25;
	v19 =	vnsel vm2, $0x7F, v19  }
0x2e: {  	v20 =	vnsel vm3, $0x7F, v20;
	vm2 =	vgt.s32 v26, v5;
	vm1 =	vlt.s32 v16, $0x7F  }
0x2f: {  	vm3 =	vgt.s32 v26, v4;
	v28 =	vnsel vm0, $0x0, v28;
	v24 =	vnsel vm1, $0x7F, v16;
	v16 =	vld.idx.msk [tilespmem:v27+s11+$0x0], vm0  }
0x30: {  	v44 =	vadd.s32 s1, v23;
	v43 =	vmul.f32 v28, v28;
	v38 =	vnsel vm3, $0x0, v35  }
0x31: {  	v55 =	vld [tilespmem:s0+$0x20];
	v46 =	vadd.f32 v29, v41;
	v37 =	vnsel vm2, $0x0, v36;
	v36 =	vimm.f32 $0.0e+00  }
0x32: {  	v57 =	vld [tilespmem:s0+$0xFFFFFFC0];
	v35 =	vimm.f32 $0.0e+00;
	v29 =	vimm.f32 $0.0e+00;
	vm1 =	vgt.s32 v26, v6  }
0x33: {  	v26 =	vadd.s32 s1, v20;
	v54 =	vmul.f32 v38, v38;
	v30 =	vadd.s32 s1, v24;
	v51 =	vld.idx.msk [tilespmem:v32+s11+$0x0], vm7  }
0x34: {  	v52 =	vld.idx.msk [tilespmem:v45+s11+$0x0], vm5;
	v27 =	vadd.s32 s1, v19;
	v16 =	vmul.f32 v16, v28;
	v28 =	vmul.f32 v40, v40  }
0x35: {  	v32 =	vimm.f32 $0.0e+00;
	v45 =	vimm.f32 $0.0e+00;
	v50 =	vld.idx.msk [tilespmem:v44+s11+$0x0], vm6;
	v44 =	vimm.f32 $0.0e+00  }
0x36: {  	s2 =	simm.s32 $0x2;
	s1 =	simm.s32 $0x80;
	v16 =	vadd.f32 v16, v41;
	v48 =	vadd.f32 v28, v41;
	v28 =	vimm.f32 $0.0e+00  }
.LBB2_2:
0x37: {  	p0 =	sne.s32 s2, $0xFF;
	v58 =	vadd.s32 s1, v18;
	v59 =	vadd.s32 s1, v23;
	v60 =	vadd.s32 s1, v17;
	v61 =	vld.idx.msk [tilespmem:v33+s11+$0x0], vm4  }
0x38: {  	v62 =	vadd.s32 s1, v22;
	v33 =	vadd.s32 s1, v21;
	v63 =	vld.idx.msk [tilespmem:v30+s11+$0x0], vm3;
	v30 =	vadd.s32 s1, v24  }
0x39: {  	v8 =	vadd.s32 s1, v20;
	v57 =	vnsel vm7, $0x0, v57;
	v9 =	vld.idx.msk [tilespmem:v27+s11+$0x0], vm2;
	v27 =	vadd.s32 s1, v19  }
0x3a: {  	v55 =	vnsel vm1, $0x0, v55;
	s0 =	sadd.s32 $0x80, s0;
	v10 =	vmul.f32 v57, v57;
	v51 =	vmul.f32 v51, v57;
	v57 =	vld.idx.msk [tilespmem:v26+s11+$0x0], vm1;
	v26 =	vmovc v8  }
0x3b: {  	v41 =	vadd.f32 v56, v41;
	v40 =	vmul.f32 v50, v40;
	v50 =	vmul.f32 v37, v37;
	v8 =	vld [tilespmem:s0+$0x30]  }
0x3c: {  	v36 =	vadd.f32 v51, v36;
	v42 =	vmul.f32 v52, v42;
	v51 =	vmul.f32 v55, v55;
	v56 =	vld.idx.msk [tilespmem:v60+s11+$0x0], vm0  }
0x3d: {  	v53 =	vadd.f32 v10, v53;
	v35 =	vadd.f32 v40, v35;
	v10 =	vmul.f32 v61, v39;
	v52 =	vld [tilespmem:s0+$0xFFFFFFD0]  }
0x3e: {  	v49 =	vadd.f32 v54, v49;
	v34 =	vadd.f32 v42, v34;
	v38 =	vmul.f32 v63, v38;
	v39 =	vld [tilespmem:s0+$0xFFFFFFE0]  }
0x3f: {  	v47 =	vadd.f32 v50, v47;
	v32 =	vadd.f32 v10, v32;
	v9 =	vmul.f32 v9, v37;
	v54 =	vld [tilespmem:s0+$0xFFFFFFF0]  }
0x40: {  	v44 =	vadd.f32 v51, v44;
	v31 =	vadd.f32 v38, v31;
	v37 =	vmul.f32 v57, v55;
	v10 =	vld [tilespmem:s0+$0x0]  }
0x41: {  	v45 =	vadd.f32 v43, v45;
	v8 =	vnsel vm0, $0x0, v8;
	v29 =	vadd.f32 v9, v29;
	v60 =	vld [tilespmem:s0+$0x10]  }
.Ltmp0:
0x42: {  	v43 =	vmul.f32 v8, v8;
	v8 =	vmul.f32 v56, v8;
	v40 =	vnsel vm6, $0x0, v52;
	v55 =	vld [tilespmem:s0+$0x20];
	(pc) =	sbr.rel @p0 .LBB2_2-.Ltmp0, $4  }
0x43: {  	v28 =	vadd.f32 v37, v28;
	v57 =	vld [tilespmem:s0+$0xFFFFFFC0];
	v9 =	vmul.f32 v40, v40;
	v42 =	vnsel vm5, $0x0, v39  }
0x44: {  	v16 =	vadd.f32 v8, v16;
	v51 =	vld.idx.msk [tilespmem:v58+s11+$0x0], vm7;
	v37 =	vmul.f32 v42, v42;
	v39 =	vnsel vm4, $0x0, v54  }
0x45: {  	v50 =	vld.idx.msk [tilespmem:v59+s11+$0x0], vm6;
	v48 =	vadd.f32 v9, v48;
	v56 =	vmul.f32 v39, v39;
	v38 =	vnsel vm3, $0x0, v10  }
0x46: {  	s1 =	sshll.u32 s2, $0x7;
	s2 =	sadd.s32 $0x1, s2;
	v52 =	vld.idx.msk [tilespmem:v62+s11+$0x0], vm5;
	v46 =	vadd.f32 v37, v46;
	v54 =	vmul.f32 v38, v38;
	v37 =	vnsel vm2, $0x0, v60  }
0x47: {  	s0 =	sadd.s32 $0x80, s0  }
0x48: {  	v8 =	vld [tilespmem:s0+$0xFFFFFFD0]  }
0x49: {  	v9 =	vld [tilespmem:s0+$0xFFFFFFC0];
	_ =	sdelay $0x1  }
0x4a: {  	v10 =	vld [tilespmem:s0+$0xFFFFFFE0]  }
0x4b: {  	v57 =	vnsel vm7, $0x0, v57  }
0x4c: {  	v59 =	vld [tilespmem:s0+$0xFFFFFFF0];
	v58 =	vmul.f32 v57, v57  }
0x4d: {  	v8 =	vnsel vm6, $0x0, v8;
	v9 =	vnsel vm7, $0x0, v9  }
0x4e: {  	v53 =	vadd.f32 v58, v53;
	v58 =	vld [tilespmem:s0+$0x0];
	v60 =	vmul.f32 v8, v8;
	v61 =	vmul.f32 v9, v9  }
0x4f: {  	v10 =	vnsel vm5, $0x0, v10  }
0x50: {  	v48 =	vadd.f32 v60, v48;
	v60 =	vld [tilespmem:s0+$0x10];
	v53 =	vadd.f32 v61, v53;
	v61 =	vmul.f32 v10, v10  }
0x51: {  	v41 =	vadd.f32 v56, v41;
	v55 =	vnsel vm1, $0x0, v55;
	v56 =	vnsel vm4, $0x0, v59  }
0x52: {  	v59 =	vld [tilespmem:s0+$0x20];
	v46 =	vadd.f32 v61, v46;
	v48 =	vadd.f32 v48, v53;
	v61 =	vmul.f32 v56, v56  }
0x53: {  	v62 =	vmul.f32 v37, v37;
	v49 =	vadd.f32 v54, v49;
	v58 =	vnsel vm3, $0x0, v58  }
0x54: {  	v53 =	vld [tilespmem:s0+$0x30];
	v41 =	vadd.f32 v61, v41;
	v46 =	vadd.f32 v46, v48;
	v48 =	vmul.f32 v58, v58  }
0x55: {  	v54 =	vmul.f32 v55, v55;
	v47 =	vadd.f32 v62, v47;
	v60 =	vnsel vm2, $0x0, v60  }
0x56: {  	v48 =	vadd.f32 v48, v49;
	v41 =	vadd.f32 v41, v46;
	v63 =	vmul.f32 v60, v60  }
0x57: {  	v44 =	vadd.f32 v54, v44;
	v49 =	vnsel vm1, $0x0, v59  }
0x58: {  	v46 =	vadd.f32 v63, v47;
	v41 =	vadd.f32 v48, v41;
	v48 =	vmul.f32 v49, v49  }
0x59: {  	v43 =	vadd.f32 v43, v45;
	v53 =	vnsel vm0, $0x0, v53  }
0x5a: {  	v54 =	vmul.f32 v53, v53;
	v44 =	vadd.f32 v48, v44;
	v41 =	vadd.f32 v46, v41;
	_ =	sdelay $0x1  }
0x5b: {  	v43 =	vadd.f32 v54, v43;
	v41 =	vadd.f32 v44, v41;
	_ =	sdelay $0x1  }
0x5c: {  	v41 =	vadd.f32 v43, v41;
	_ =	sdelay $0x1  }
0x5d: {  	(xrf2) =	vadd.scan.msk.f32 $0xffff, v41;
	_ =	sdelay $0x9  }
0x5e: {  	v41, _, _ =	vpop (xrf2)  }
0x5f: {  	v41 =	vbroadcast v41, $0xF;
	_ =	sdelay $0x1  }
0x60: {  	v18 =	vadd.s32 s1, v18;
	v59 =	vshra.s32 v41, $0x1;
	v61 =	vmul.f32 $5.000000000e-01, v41  }
0x61: {  	v23 =	vadd.s32 s1, v23;
	v43 =	vsub.s32 $0x5F3759DF, v59  }
0x62: {  	v62 =	vmul.f32 v43, v61  }
0x63: {  	v22 =	vadd.s32 s1, v22  }
0x64: {  	v46 =	vmul.f32 v43, v62  }
0x65: {  	v21 =	vadd.s32 s1, v21;
	v18 =	vld.idx.msk [tilespmem:v18+s11+$0x0], vm7  }
0x66: {  	v24 =	vadd.s32 s1, v24;
	v23 =	vld.idx.msk [tilespmem:v23+s11+$0x0], vm6;
	v46 =	vsub.f32 $1.500000000e+00, v46  }
0x67: {  	v33 =	vld.idx.msk [tilespmem:v33+s11+$0x0], vm4  }
0x68: {  	v17 =	vadd.s32 s1, v17;
	v40 =	vmul.f32 v50, v40;
	v22 =	vld.idx.msk [tilespmem:v22+s11+$0x0], vm5;
	v43 =	vmul.f32 v43, v46  }
0x69: {  	v30 =	vld.idx.msk [tilespmem:v30+s11+$0x0], vm3;
	v19 =	vadd.s32 s1, v19;
	v20 =	vadd.s32 s1, v20;
	v63 =	vmul.f32 v51, v57  }
0x6a: {  	v42 =	vmul.f32 v52, v42;
	v21 =	vld.idx.msk [tilespmem:v21+s11+$0x0], vm4;
	v35 =	vadd.f32 v40, v35;
	v46 =	vmul.f32 v43, v61  }
0x6b: {  	v24 =	vld.idx.msk [tilespmem:v24+s11+$0x0], vm3;
	v9 =	vmul.f32 v18, v9;
	v8 =	vmul.f32 v23, v8;
	v36 =	vadd.f32 v63, v36  }
0x6c: {  	v27 =	vld.idx.msk [tilespmem:v27+s11+$0x0], vm2;
	v18 =	vmul.f32 v33, v39;
	v23 =	vadd.f32 v42, v34;
	v42 =	vmul.f32 v46, v43  }
0x6d: {  	v26 =	vld.idx.msk [tilespmem:v26+s11+$0x0], vm1;
	v10 =	vmul.f32 v22, v10;
	v8 =	vadd.f32 v8, v35;
	v9 =	vadd.f32 v9, v36  }
0x6e: {  	v19 =	vld.idx.msk [tilespmem:v19+s11+$0x0], vm2;
	v22 =	vmul.f32 v30, v38;
	v18 =	vadd.f32 v18, v32;
	v30 =	vsub.f32 $1.500000000e+00, v42  }
0x6f: {  	v21 =	vmul.f32 v21, v56;
	v10 =	vadd.f32 v10, v23;
	v8 =	vadd.f32 v8, v9  }
0x70: {  	v20 =	vld.idx.msk [tilespmem:v20+s11+$0x0], vm1;
	v24 =	vmul.f32 v24, v58;
	v22 =	vadd.f32 v22, v31;
	v23 =	vmul.f32 v30, v43  }
0x71: {  	v18 =	vadd.f32 v21, v18;
	v9 =	vmul.f32 v27, v37;
	v8 =	vadd.f32 v10, v8  }
0x72: {  	v22 =	vadd.f32 v24, v22;
	v10 =	vld.idx.msk [tilespmem:v17+s11+$0x0], vm0;
	v17 =	vmul.f32 v26, v55;
	v21 =	vmul.f32 v23, v61  }
0x73: {  	v19 =	vmul.f32 v19, v60;
	v9 =	vadd.f32 v9, v29;
	v8 =	vadd.f32 v18, v8  }
0x74: {  	v17 =	vadd.f32 v17, v28;
	v18 =	vmul.f32 v21, v23  }
0x75: {  	v20 =	vmul.f32 v20, v49;
	v9 =	vadd.f32 v19, v9;
	v8 =	vadd.f32 v22, v8  }
0x76: {  	v18 =	vsub.f32 $1.500000000e+00, v18  }
0x77: {  	v17 =	vadd.f32 v20, v17;
	v10 =	vmul.f32 v10, v53;
	v8 =	vadd.f32 v9, v8  }
0x78: {  	v9 =	vmul.f32 v18, v23  }
0x79: {  	v10 =	vadd.f32 v10, v16;
	v8 =	vadd.f32 v17, v8  }
0x7a: {  	v9 =	vmul.f32 v9, v41  }
0x7b: {  	v8 =	vadd.f32 v10, v8  }
0x7c: {  	v9 =	vadd.f32 $9.999999930e-09, v9  }
0x7d: {  	(xrf2) =	vadd.scan.msk.f32 $0xffff, v8  }
0x7e: {  	v8 =	vsub.s32 v0, v25;
	v9 =	vmul.f32 v9, v9  }
0x7f: {  	vm0 =	vgt.s32 v8, $0x0  }
0x80: {  	s5 =	simm.s32 $0x0;
	vm5 =	vlt.s32 v25, v15;
	v17 =	vnsel vm0, $0x0, v8;
	(erf) = vrcp.f32 v9  }
0x81: {  	v8 =	vadd.s32 s5, v17;
	_ =	sdelay $0x4  }
0x82: {  	v8 =	vld.idx.msk [tilespmem:v8+s14+$0x0], vm5  }
0x83: {  	v9, _, _ =	vpop (xrf2)  }
0x84: {  	s24 =	simm.s32 $0x8140;
	v9 =	vbroadcast v9, $0xF  }
0x85: {  	v19 =	vld [tilespmem:s24+$0xFFFFFFC0];
	v10 =	vsub.s32 v1, v25;
	v16 =	vpop (erf)  }
0x86: {  	vm0 =	vgt.s32 v10, $0x0;
	v16 =	vmul.f32 v16, v9  }
0x87: {  	vm6 =	vlt.s32 v25, v14;
	v8 =	vnsel vm5, $0x0, v8;
	v18 =	vnsel vm0, $0x0, v10  }
0x88: {  	v9 =	vadd.s32 s5, v18;
	v8 =	vmul.f32 v8, v16  }
0x89: {  	s30 =	simm.s32 $0x10140;
	s4 =	simm.s32 $0x80  }
0x8a: {  	[tilespmem:s30+$0xFFFFFFC0] =	vst v8;
	v8 =	vsub.f32 v19, v8;
	v19 =	vadd.s32 s4, v17;
	_ =	sdelay $0x1  }
0x8b: {  	[tilespmem:s24+$0xFFFFFFC0] =	vst v8  }
0x8c: {  	v8 =	vld.idx.msk [tilespmem:v9+s14+$0x0], vm6;
	_ =	sdelay $0x1  }
0x8d: {  	v20 =	vld.idx.msk [tilespmem:v19+s14+$0x0], vm5  }
0x8e: {  	v10 =	vld [tilespmem:s24+$0xFFFFFFD0];
	v9 =	vsub.s32 v2, v25  }
0x8f: {  	s20 =	simm.s32 $0x81C0;
	vm0 =	vgt.s32 v9, $0x0  }
0x90: {  	vm4 =	vlt.s32 v25, v13;
	v19 =	vnsel vm0, $0x0, v9;
	v9 =	vld [tilespmem:s20+$0xFFFFFFC0];
	v8 =	vnsel vm6, $0x0, v8  }
0x91: {  	v21 =	vadd.s32 s5, v19;
	v8 =	vmul.f32 v8, v16  }
0x92: {  	v20 =	vnsel vm5, $0x0, v20  }
0x93: {  	v22 =	vadd.s32 s4, v18;
	v10 =	vsub.f32 v10, v8;
	v20 =	vmul.f32 v20, v16  }
0x94: {  	[tilespmem:s30+$0xFFFFFFD0] =	vst v8  }
0x95: {  	s23 =	simm.s32 $0x101C0;
	s28 =	simm.s32 $0x100;
	[tilespmem:s24+$0xFFFFFFD0] =	vst v10;
	v8 =	vsub.f32 v9, v20  }
0x96: {  	[tilespmem:s23+$0xFFFFFFC0] =	vst v20;
	v20 =	vadd.s32 s28, v17;
	v9 =	vld.idx.msk [tilespmem:v21+s14+$0x0], vm4  }
0x97: {  	[tilespmem:s20+$0xFFFFFFC0] =	vst v8  }
0x98: {  	v8 =	vld.idx.msk [tilespmem:v22+s14+$0x0], vm6  }
0x99: {  	v21 =	vld [tilespmem:s24+$0xFFFFFFE0]  }
0x9a: {  	v10 =	vld [tilespmem:s20+$0xFFFFFFD0];
	v22 =	vsub.s32 v3, v25  }
0x9b: {  	vm0 =	vgt.s32 v22, $0x0;
	v23 =	vld.idx.msk [tilespmem:v20+s14+$0x0], vm5;
	v9 =	vnsel vm4, $0x0, v9  }
0x9c: {  	vm3 =	vlt.s32 v25, v12;
	v20 =	vnsel vm0, $0x0, v22;
	v9 =	vmul.f32 v9, v16  }
0x9d: {  	s21 =	simm.s32 $0x8240;
	v22 =	vadd.s32 s5, v20;
	v8 =	vnsel vm6, $0x0, v8  }
0x9e: {  	v24 =	vld [tilespmem:s21+$0xFFFFFFC0];
	v26 =	vadd.s32 s4, v19;
	v21 =	vsub.f32 v21, v9;
	v8 =	vmul.f32 v8, v16  }
0x9f: {  	[tilespmem:s30+$0xFFFFFFE0] =	vst v9  }
0xa0: {  	[tilespmem:s24+$0xFFFFFFE0] =	vst v21;
	v9 =	vsub.f32 v10, v8;
	v10 =	vnsel vm5, $0x0, v23  }
0xa1: {  	v21 =	vadd.s32 s28, v18;
	[tilespmem:s23+$0xFFFFFFD0] =	vst v8;
	v10 =	vmul.f32 v10, v16  }
0xa2: {  	s22 =	simm.s32 $0x10240;
	s31 =	simm.s32 $0x180;
	v8 =	vld.idx.msk [tilespmem:v22+s14+$0x0], vm3;
	[tilespmem:s20+$0xFFFFFFD0] =	vst v9  }
0xa3: {  	[tilespmem:s22+$0xFFFFFFC0] =	vst v10;
	v9 =	vsub.f32 v24, v10;
	v10 =	vld.idx.msk [tilespmem:v26+s14+$0x0], vm4;
	v24 =	vadd.s32 s31, v17  }
0xa4: {  	v23 =	vld [tilespmem:s24+$0xFFFFFFF0]  }
0xa5: {  	v26 =	vld [tilespmem:s20+$0xFFFFFFE0];
	[tilespmem:s21+$0xFFFFFFC0] =	vst v9  }
0xa6: {  	v9 =	vld.idx.msk [tilespmem:v21+s14+$0x0], vm6  }
0xa7: {  	v27 =	vadd.s32 s4, v20;
	v21 =	vsub.s32 v4, v25;
	v8 =	vnsel vm3, $0x0, v8  }
0xa8: {  	vm0 =	vgt.s32 v21, $0x0;
	v8 =	vmul.f32 v8, v16;
	v10 =	vnsel vm4, $0x0, v10;
	v24 =	vld.idx.msk [tilespmem:v24+s14+$0x0], vm5  }
0xa9: {  	v22 =	vld [tilespmem:s21+$0xFFFFFFD0];
	v21 =	vnsel vm0, $0x0, v21;
	vm0 =	vlt.s32 v25, v11;
	v10 =	vmul.f32 v10, v16  }
0xaa: {  	s25 =	simm.s32 $0x82C0;
	v23 =	vsub.f32 v23, v8;
	v28 =	vadd.s32 s5, v21;
	[tilespmem:s30+$0xFFFFFFF0] =	vst v8  }
0xab: {  	v8 =	vnsel vm6, $0x0, v9;
	v9 =	vsub.f32 v26, v10;
	[tilespmem:s23+$0xFFFFFFE0] =	vst v10;
	v10 =	vld [tilespmem:s25+$0xFFFFFFC0]  }
0xac: {  	[tilespmem:s24+$0xFFFFFFF0] =	vst v23;
	v23 =	vadd.s32 s28, v19;
	v8 =	vmul.f32 v8, v16  }
0xad: {  	[tilespmem:s20+$0xFFFFFFE0] =	vst v9;
	v24 =	vnsel vm5, $0x0, v24  }
0xae: {  	v26 =	vadd.s32 s31, v18;
	v9 =	vsub.f32 v22, v8;
	v22 =	vld.idx.msk [tilespmem:v27+s14+$0x0], vm3;
	v24 =	vmul.f32 v24, v16  }
0xaf: {  	[tilespmem:s22+$0xFFFFFFD0] =	vst v8;
	v8 =	vld.idx.msk [tilespmem:v28+s14+$0x0], vm0  }
0xb0: {  	s29 =	simm.s32 $0x102C0;
	v29 =	vld [tilespmem:s21+$0xFFFFFFE0];
	[tilespmem:s21+$0xFFFFFFD0] =	vst v9;
	v10 =	vsub.f32 v10, v24  }
0xb1: {  	[tilespmem:s29+$0xFFFFFFC0] =	vst v24;
	v9 =	vld.idx.msk [tilespmem:v23+s14+$0x0], vm4  }
0xb2: {  	s1 =	simm.s32 $0x200;
	v23 =	vld [tilespmem:s20+$0xFFFFFFF0];
	[tilespmem:s25+$0xFFFFFFC0] =	vst v10  }
0xb3: {  	v28 =	vadd.s32 s1, v17;
	v26 =	vld.idx.msk [tilespmem:v26+s14+$0x0], vm6  }
0xb4: {  	v27 =	vsub.s32 v5, v25;
	v10 =	vnsel vm3, $0x0, v22;
	v31 =	vld [tilespmem:$0x1FFF0]  }
0xb5: {  	vm1 =	vgt.s32 v27, $0x0;
	v8 =	vnsel vm0, $0x0, v8;
	v10 =	vmul.f32 v10, v16  }
0xb6: {  	v22 =	vnsel vm1, $0x0, v27;
	v27 =	vld [tilespmem:s24+$0x0];
	v8 =	vmul.f32 v8, v16;
	v9 =	vnsel vm4, $0x0, v9  }
0xb7: {  	v30 =	vadd.s32 s28, v20;
	v24 =	vld [tilespmem:s25+$0xFFFFFFD0];
	v23 =	vsub.f32 v23, v10;
	[tilespmem:s23+$0xFFFFFFF0] =	vst v10;
	v9 =	vmul.f32 v9, v16  }
0xb8: {  	v10 =	vld.idx.msk [tilespmem:v28+s14+$0x0], vm5;
	[tilespmem:s30+$0x0] =	vst v8  }
0xb9: {  	vm1 =	vlt.s32 v25, v31;
	[tilespmem:s20+$0xFFFFFFF0] =	vst v23;
	v26 =	vnsel vm6, $0x0, v26;
	v28 =	vsub.f32 v29, v9  }
0xba: {  	s26 =	simm.s32 $0x8340;
	v23 =	vadd.s32 s5, v22;
	[tilespmem:s22+$0xFFFFFFE0] =	vst v9;
	v9 =	vmul.f32 v26, v16  }
0xbb: {  	v27 =	vsub.f32 v27, v8;
	v26 =	vld [tilespmem:s26+$0xFFFFFFC0];
	v29 =	vadd.s32 s31, v19;
	[tilespmem:s21+$0xFFFFFFE0] =	vst v28  }
0xbc: {  	v31 =	vadd.s32 s4, v21;
	v24 =	vsub.f32 v24, v9;
	[tilespmem:s29+$0xFFFFFFD0] =	vst v9;
	v28 =	vld.idx.msk [tilespmem:v30+s14+$0x0], vm3  }
0xbd: {  	[tilespmem:s24+$0x0] =	vst v27;
	v10 =	vnsel vm5, $0x0, v10;
	v43 =	vld [tilespmem:s25+$0xFFFFFFE0]  }
0xbe: {  	v10 =	vmul.f32 v10, v16;
	[tilespmem:s25+$0xFFFFFFD0] =	vst v24;
	v24 =	vld [tilespmem:s21+$0xFFFFFFF0]  }
0xbf: {  	s0 =	simm.s32 $0x10340;
	v27 =	vadd.s32 s1, v18;
	v9 =	vld.idx.msk [tilespmem:v23+s14+$0x0], vm1  }
0xc0: {  	v29 =	vld.idx.msk [tilespmem:v29+s14+$0x0], vm4;
	[tilespmem:s0+$0xFFFFFFC0] =	vst v10;
	v10 =	vsub.f32 v26, v10  }
0xc1: {  	s17 =	simm.s32 $0x280;
	v8 =	vld.idx.msk [tilespmem:v31+s14+$0x0], vm0;
	v26 =	vnsel vm3, $0x0, v28  }
0xc2: {  	v31 =	vadd.s32 s17, v17;
	[tilespmem:s26+$0xFFFFFFC0] =	vst v10;
	v28 =	vld [tilespmem:s24+$0x10];
	v26 =	vmul.f32 v26, v16  }
0xc3: {  	v44 =	vld [tilespmem:$0x1FFE0]  }
0xc4: {  	v27 =	vld.idx.msk [tilespmem:v27+s14+$0x0], vm6;
	v9 =	vnsel vm1, $0x0, v9;
	v24 =	vsub.f32 v24, v26  }
0xc5: {  	v45 =	vld [tilespmem:s20+$0x0];
	v29 =	vnsel vm4, $0x0, v29;
	v9 =	vmul.f32 v9, v16;
	[tilespmem:s22+$0xFFFFFFF0] =	vst v26  }
0xc6: {  	v23 =	vsub.s32 v6, v25;
	v30 =	vld [tilespmem:s26+$0xFFFFFFD0];
	v26 =	vmul.f32 v29, v16;
	[tilespmem:s21+$0xFFFFFFF0] =	vst v24  }
0xc7: {  	v10 =	vadd.s32 s28, v21;
	v8 =	vnsel vm0, $0x0, v8;
	v24 =	vsub.f32 v28, v9;
	v28 =	vld.idx.msk [tilespmem:v31+s14+$0x0], vm5;
	[tilespmem:s30+$0x10] =	vst v9  }
0xc8: {  	vm2 =	vgt.s32 v23, $0x0;
	v8 =	vmul.f32 v8, v16;
	v31 =	vsub.f32 v43, v26;
	[tilespmem:s29+$0xFFFFFFE0] =	vst v26  }
0xc9: {  	v23 =	vnsel vm2, $0x0, v23;
	vm2 =	vlt.s32 v25, v44;
	[tilespmem:s24+$0x10] =	vst v24;
	v24 =	vnsel vm6, $0x0, v27  }
0xca: {  	s2 =	simm.s32 $0x83C0;
	v46 =	vadd.s32 s5, v23;
	[tilespmem:s25+$0xFFFFFFE0] =	vst v31;
	v31 =	vsub.f32 v45, v8;
	v24 =	vmul.f32 v24, v16  }
0xcb: {  	v48 =	vld [tilespmem:s2+$0xFFFFFFC0];
	[tilespmem:s23+$0x0] =	vst v8  }
0xcc: {  	s18 =	simm.s32 $0x8440;
	v9 =	vld.idx.msk [tilespmem:v10+s14+$0x0], vm0;
	v10 =	vadd.s32 s4, v22;
	[tilespmem:s20+$0x0] =	vst v31;
	v8 =	vsub.f32 v30, v24;
	v28 =	vnsel vm5, $0x0, v28  }
0xcd: {  	v59 =	vld [tilespmem:s18+$0xFFFFFFC0];
	v29 =	vadd.s32 s31, v20;
	[tilespmem:s0+$0xFFFFFFD0] =	vst v24;
	v28 =	vmul.f32 v28, v16  }
0xce: {  	s16 =	simm.s32 $0x103C0;
	v52 =	vld [tilespmem:s21+$0x0];
	[tilespmem:s26+$0xFFFFFFD0] =	vst v8  }
0xcf: {  	v26 =	vld.idx.msk [tilespmem:v46+s14+$0x0], vm2;
	[tilespmem:s16+$0xFFFFFFC0] =	vst v28  }
0xd0: {  	v49 =	vld [tilespmem:$0x1FFD0]  }
0xd1: {  	v47 =	vadd.s32 s1, v19;
	v10 =	vld.idx.msk [tilespmem:v10+s14+$0x0], vm1  }
0xd2: {  	v29 =	vld.idx.msk [tilespmem:v29+s14+$0x0], vm3  }
0xd3: {  	v27 =	vld [tilespmem:s24+$0x20];
	v30 =	vsub.s32 v7, v25  }
0xd4: {  	v51 =	vld [tilespmem:s20+$0x10];
	v31 =	vadd.s32 s17, v18;
	vm7 =	vgt.s32 v30, $0x0;
	v26 =	vnsel vm2, $0x0, v26  }
0xd5: {  	v8 =	vld [tilespmem:s25+$0xFFFFFFF0];
	v24 =	vnsel vm7, $0x0, v30;
	v26 =	vmul.f32 v26, v16;
	vm7 =	vlt.s32 v25, v49  }
0xd6: {  	v30 =	vld.idx.msk [tilespmem:v47+s14+$0x0], vm4;
	v10 =	vnsel vm1, $0x0, v10;
	v25 =	vsub.f32 v48, v28;
	v28 =	vadd.s32 s5, v24;
	s5 =	simm.s32 $0x300  }
0xd7: {  	v29 =	vnsel vm3, $0x0, v29;
	v50 =	vld [tilespmem:s2+$0xFFFFFFD0];
	v10 =	vmul.f32 v10, v16;
	[tilespmem:s30+$0x20] =	vst v26;
	v53 =	vadd.s32 s5, v17  }
0xd8: {  	v27 =	vsub.f32 v27, v26;
	v26 =	vld [tilespmem:s26+$0xFFFFFFE0];
	[tilespmem:s2+$0xFFFFFFC0] =	vst v25;
	v25 =	vmul.f32 v29, v16  }
0xd9: {  	[tilespmem:s23+$0x10] =	vst v10;
	v29 =	vld.idx.msk [tilespmem:v31+s14+$0x0], vm6;
	v31 =	vadd.s32 s31, v21  }
0xda: {  	v54 =	vadd.s32 s4, v23;
	v9 =	vnsel vm0, $0x0, v9;
	v55 =	vld [tilespmem:s24+$0x30];
	[tilespmem:s24+$0x20] =	vst v27;
	v8 =	vsub.f32 v8, v25  }
0xdb: {  	v9 =	vmul.f32 v9, v16;
	[tilespmem:s29+$0xFFFFFFF0] =	vst v25;
	v25 =	vnsel vm4, $0x0, v30;
	v56 =	vld.idx.msk [tilespmem:v28+s14+$0x0], vm7  }
0xdc: {  	v57 =	vadd.s32 s1, v20;
	v25 =	vmul.f32 v25, v16;
	[tilespmem:s25+$0xFFFFFFF0] =	vst v8;
	v8 =	vsub.f32 v51, v10;
	v35 =	vld.idx.msk [tilespmem:v53+s14+$0x0], vm5  }
0xdd: {  	v60 =	vadd.s32 s17, v19;
	[tilespmem:s22+$0x0] =	vst v9;
	v32 =	vld [tilespmem:s20+$0x20];
	v41 =	vadd.s32 s5, v18  }
0xde: {  	v26 =	vsub.f32 v26, v25;
	v10 =	vld.idx.msk [tilespmem:v31+s14+$0x0], vm0;
	[tilespmem:s20+$0x10] =	vst v8;
	v8 =	vadd.s32 s28, v22;
	v28 =	vnsel vm6, $0x0, v29  }
0xdf: {  	v27 =	vadd.s32 s28, v24;
	[tilespmem:s0+$0xFFFFFFE0] =	vst v25;
	v29 =	vsub.f32 v52, v9;
	v58 =	vld.idx.msk [tilespmem:v54+s14+$0x0], vm2;
	v25 =	vmul.f32 v28, v16  }
0xe0: {  	v30 =	vadd.s32 s4, v24;
	v31 =	vld [tilespmem:s25+$0x0];
	[tilespmem:s26+$0xFFFFFFE0] =	vst v26;
	v28 =	vadd.s32 s31, v24  }
0xe1: {  	v37 =	vld.idx.msk [tilespmem:v57+s14+$0x0], vm3;
	[tilespmem:s21+$0x0] =	vst v29;
	v9 =	vsub.f32 v50, v25;
	v61 =	vnsel vm7, $0x0, v56;
	v62 =	vnsel vm5, $0x0, v35  }
0xe2: {  	v38 =	vld [tilespmem:s26+$0xFFFFFFF0];
	v26 =	vadd.s32 s1, v24;
	[tilespmem:s16+$0xFFFFFFD0] =	vst v25;
	v36 =	vmul.f32 v61, v16;
	v63 =	vmul.f32 v62, v16  }
0xe3: {  	s4 =	simm.s32 $0x10440;
	v29 =	vadd.s32 s17, v24;
	v25 =	vadd.s32 s5, v24;
	v35 =	vld.idx.msk [tilespmem:v8+s14+$0x0], vm1;
	v33 =	vnsel vm0, $0x0, v10;
	[tilespmem:s2+$0xFFFFFFD0] =	vst v9  }
0xe4: {  	s6 =	simm.s32 $0x7;
	v34 =	vsub.f32 v55, v36;
	[tilespmem:s4+$0xFFFFFFC0] =	vst v63;
	v42 =	vsub.f32 v59, v63;
	v39 =	vld.idx.msk [tilespmem:v60+s14+$0x0], vm4;
	v40 =	vnsel vm2, $0x0, v58  }
.LBB2_4:
0xe5: {  	s7 =	sshll.u32 s6, $0x7;
	p0 =	sne.s32 s6, $0x7F;
	s6 =	sadd.s32 $0x1, s6;
	v8 =	vld [tilespmem:s18+$0xFFFFFFD0];
	v9 =	vmul.f32 v40, v16;
	[tilespmem:s30+$0x30] =	vst v36  }
0xe6: {  	v37 =	vnsel vm3, $0x0, v37;
	s30 =	smov.u32 s23;
	s23 =	smov.u32 s22;
	s22 =	smov.u32 s29;
	v10 =	vadd.s32 s7, v17;
	v36 =	vadd.s32 s7, v24;
	[tilespmem:s18+$0xFFFFFFC0] =	vst v42;
	v40 =	vld [tilespmem:s21+$0x10]  }
0xe7: {  	v37 =	vmul.f32 v37, v16;
	v42 =	vadd.s32 s1, v21;
	v41 =	vld.idx.msk [tilespmem:v41+s14+$0x0], vm6;
	v32 =	vsub.f32 v32, v9;
	[tilespmem:s24+$0x30] =	vst v34;
	s24 =	smov.u32 s20;
	s20 =	smov.u32 s21;
	s21 =	smov.u32 s25  }
0xe8: {  	v35 =	vnsel vm1, $0x0, v35;
	s25 =	smov.u32 s26;
	s26 =	smov.u32 s2;
	v34 =	vld [tilespmem:s2+$0xFFFFFFE0];
	[tilespmem:s30+$0x20] =	vst v9;
	s2 =	smov.u32 s18  }
0xe9: {  	v9 =	vsub.f32 v38, v37;
	v35 =	vmul.f32 v35, v16;
	v38 =	vadd.s32 s28, v23;
	s28 =	smov.u32 s31;
	s31 =	smov.u32 s1;
	s1 =	smov.u32 s17;
	[tilespmem:s24+$0x20] =	vst v32;
	v43 =	vld [tilespmem:s24+$0x30]  }
0xea: {  	s29 =	smov.u32 s0;
	s17 =	smov.u32 s5;
	s5 =	smov.u32 s7;
	v32 =	vnsel vm4, $0x0, v39;
	[tilespmem:s0+$0xFFFFFFF0] =	vst v37;
	v39 =	vld.idx.msk [tilespmem:v30+s14+$0x0], vm7;
	v30 =	vmovc v27;
	v27 =	vmovc v28;
	v28 =	vmov v26;
	v26 =	vmov v29  }
0xeb: {  	v44 =	vadd.s32 s1, v20;
	v37 =	vmul.f32 v32, v16;
	s0 =	smov.u32 s16;
	s16 =	smov.u32 s4;
	v10 =	vld.idx.msk [tilespmem:v10+s14+$0x0], vm5;
	[tilespmem:s25+$0xFFFFFFF0] =	vst v9;
	v9 =	vsub.f32 v40, v35  }
0xec: {  	v29 =	vmov v25;
	v25 =	vmov v36;
	v40 =	vld.idx.msk [tilespmem:v42+s14+$0x0], vm0;
	v42 =	vadd.s32 s28, v22;
	[tilespmem:s23+$0x10] =	vst v35  }
0xed: {  	v33 =	vmul.f32 v33, v16;
	v35 =	vnsel vm6, $0x0, v41;
	v34 =	vsub.f32 v34, v37;
	[tilespmem:s20+$0x10] =	vst v9;
	v32 =	vld [tilespmem:s20+$0x20]  }
0xee: {  	s18 =	sadd.s32 $0x80, s18;
	v9 =	vmul.f32 v35, v16;
	[tilespmem:s0+$0xFFFFFFE0] =	vst v37;
	v45 =	vld.idx.msk [tilespmem:v38+s14+$0x0], vm2  }
0xef: {  	v47 =	vadd.s32 s17, v19;
	v46 =	vld [tilespmem:s18+$0xFFFFFFC0];
	[tilespmem:s26+$0xFFFFFFE0] =	vst v34;
	v34 =	vsub.f32 v31, v33  }
.Ltmp1:
0xf0: {  	v8 =	vsub.f32 v8, v9;
	v37 =	vld.idx.msk [tilespmem:v44+s14+$0x0], vm3;
	[tilespmem:s22+$0x0] =	vst v33;
	v33 =	vnsel vm7, $0x0, v39;
	(pc) =	sbr.rel @p0 .LBB2_4-.Ltmp1, $4  }
0xf1: {  	v10 =	vnsel vm5, $0x0, v10;
	v31 =	vld [tilespmem:s25+$0x0];
	[tilespmem:s21+$0x0] =	vst v34;
	v36 =	vmul.f32 v33, v16  }
0xf2: {  	v41 =	vadd.s32 s5, v18;
	v10 =	vmul.f32 v10, v16;
	v33 =	vnsel vm0, $0x0, v40;
	[tilespmem:s4+$0xFFFFFFD0] =	vst v9;
	v35 =	vld.idx.msk [tilespmem:v42+s14+$0x0], vm1  }
0xf3: {  	s4 =	sadd.s32 $0x80, s4;
	[tilespmem:s2+$0xFFFFFFD0] =	vst v8;
	v38 =	vld [tilespmem:s26+$0xFFFFFFF0];
	v34 =	vsub.f32 v43, v36  }
0xf4: {  	v40 =	vnsel vm2, $0x0, v45;
	[tilespmem:s4+$0xFFFFFFC0] =	vst v10;
	v42 =	vsub.f32 v46, v10;
	v39 =	vld.idx.msk [tilespmem:v47+s14+$0x0], vm4  }
0xf5: {  	_ =	sdelay $0x3  }
0xf6: {  	[tilespmem:s18+$0xFFFFFFC0] =	vst v42  }
0xf7: {  	v9 =	vld.idx.msk [tilespmem:v41+s14+$0x0], vm6;
	_ =	sdelay $0x2  }
0xf8: {  	v8 =	vld [tilespmem:s18+$0xFFFFFFD0];
	_ =	sdelay $0x1  }
0xf9: {  	v9 =	vnsel vm6, $0x0, v9  }
0xfa: {  	v10 =	vadd.s32 s5, v19;
	v9 =	vmul.f32 v9, v16;
	_ =	sdelay $0x1  }
0xfb: {  	v8 =	vsub.f32 v8, v9  }
0xfc: {  	[tilespmem:s4+$0xFFFFFFD0] =	vst v9  }
0xfd: {  	[tilespmem:s18+$0xFFFFFFD0] =	vst v8  }
0xfe: {  	v8 =	vld.idx.msk [tilespmem:v10+s14+$0x0], vm4  }
0xff: {  	v9 =	vld [tilespmem:s2+$0xFFFFFFE0];
	_ =	sdelay $0x1  }
0x100: {  	v58 =	vld [tilespmem:s18+$0xFFFFFFE0];
	v10 =	vnsel vm4, $0x0, v39  }
0x101: {  	v59 =	vadd.s32 s17, v20;
	v10 =	vmul.f32 v10, v16  }
0x102: {  	v8 =	vnsel vm4, $0x0, v8  }
0x103: {  	v60 =	vadd.s32 s5, v20;
	v9 =	vsub.f32 v9, v10;
	v8 =	vmul.f32 v8, v16  }
0x104: {  	[tilespmem:s16+$0xFFFFFFE0] =	vst v10  }
0x105: {  	[tilespmem:s2+$0xFFFFFFE0] =	vst v9;
	v9 =	vsub.f32 v58, v8  }
0x106: {  	v10 =	vld.idx.msk [tilespmem:v59+s14+$0x0], vm3;
	[tilespmem:s4+$0xFFFFFFE0] =	vst v8  }
0x107: {  	[tilespmem:s18+$0xFFFFFFE0] =	vst v9  }
0x108: {  	v8 =	vld.idx.msk [tilespmem:v60+s14+$0x0], vm3  }
0x109: {  	v61 =	vld [tilespmem:s2+$0xFFFFFFF0];
	v9 =	vnsel vm3, $0x0, v37  }
0x10a: {  	v62 =	vadd.s32 s1, v21;
	v9 =	vmul.f32 v9, v16  }
0x10b: {  	v63 =	vld [tilespmem:s18+$0xFFFFFFF0];
	v10 =	vnsel vm3, $0x0, v10  }
0x10c: {  	v45 =	vadd.s32 s17, v21;
	v10 =	vmul.f32 v10, v16;
	v38 =	vsub.f32 v38, v9  }
0x10d: {  	[tilespmem:s0+$0xFFFFFFF0] =	vst v9;
	v8 =	vnsel vm3, $0x0, v8  }
0x10e: {  	v46 =	vadd.s32 s5, v21;
	v9 =	vsub.f32 v61, v10;
	[tilespmem:s26+$0xFFFFFFF0] =	vst v38;
	v8 =	vmul.f32 v8, v16  }
0x10f: {  	[tilespmem:s16+$0xFFFFFFF0] =	vst v10;
	v10 =	vld.idx.msk [tilespmem:v62+s14+$0x0], vm0  }
0x110: {  	[tilespmem:s2+$0xFFFFFFF0] =	vst v9;
	v9 =	vsub.f32 v63, v8  }
0x111: {  	v47 =	vmul.f32 v40, v16;
	v48 =	vld.idx.msk [tilespmem:v45+s14+$0x0], vm0;
	[tilespmem:s4+$0xFFFFFFF0] =	vst v8  }
0x112: {  	v33 =	vmul.f32 v33, v16;
	v8 =	vld [tilespmem:s26+$0x0];
	[tilespmem:s18+$0xFFFFFFF0] =	vst v9  }
0x113: {  	v49 =	vadd.s32 s31, v22;
	[tilespmem:s23+$0x20] =	vst v47;
	v35 =	vnsel vm1, $0x0, v35;
	v9 =	vsub.f32 v32, v47;
	v50 =	vld.idx.msk [tilespmem:v46+s14+$0x0], vm0  }
0x114: {  	[tilespmem:s29+$0x0] =	vst v33;
	v56 =	vmul.f32 v35, v16;
	v51 =	vld [tilespmem:s2+$0x0];
	v10 =	vnsel vm0, $0x0, v10  }
0x115: {  	v54 =	vld [tilespmem:s21+$0x10];
	v10 =	vmul.f32 v10, v16;
	[tilespmem:s20+$0x20] =	vst v9;
	v9 =	vsub.f32 v31, v33;
	v31 =	vadd.s32 s1, v22  }
0x116: {  	[tilespmem:s22+$0x10] =	vst v56;
	v53 =	vld [tilespmem:s18+$0x0];
	v52 =	vnsel vm0, $0x0, v48  }
0x117: {  	v33 =	vmul.f32 v52, v16;
	v8 =	vsub.f32 v8, v10;
	[tilespmem:s25+$0x0] =	vst v9;
	v9 =	vadd.s32 s17, v22  }
0x118: {  	[tilespmem:s0+$0x0] =	vst v10;
	v32 =	vld.idx.msk [tilespmem:v49+s14+$0x0], vm1;
	v10 =	vnsel vm0, $0x0, v50  }
0x119: {  	v55 =	vadd.s32 s5, v22;
	v41 =	vld [tilespmem:s21+$0x20];
	[tilespmem:s26+$0x0] =	vst v8;
	v8 =	vsub.f32 v51, v33;
	v10 =	vmul.f32 v10, v16  }
0x11a: {  	[tilespmem:s16+$0x0] =	vst v33;
	v31 =	vld.idx.msk [tilespmem:v31+s14+$0x0], vm1  }
0x11b: {  	v57 =	vadd.s32 s28, v23;
	v58 =	vld [tilespmem:s25+$0x10];
	[tilespmem:s2+$0x0] =	vst v8;
	v8 =	vsub.f32 v53, v10  }
0x11c: {  	v9 =	vld.idx.msk [tilespmem:v9+s14+$0x0], vm1;
	[tilespmem:s4+$0x0] =	vst v10  }
0x11d: {  	v59 =	vld [tilespmem:s26+$0x10];
	v10 =	vsub.f32 v54, v56;
	v32 =	vnsel vm1, $0x0, v32;
	[tilespmem:s18+$0x0] =	vst v8  }
0x11e: {  	[tilespmem:s30+$0x30] =	vst v36;
	v60 =	vadd.s32 s31, v23;
	v8 =	vmul.f32 v32, v16;
	v61 =	vld.idx.msk [tilespmem:v55+s14+$0x0], vm1  }
0x11f: {  	[tilespmem:s21+$0x10] =	vst v10;
	v10 =	vnsel vm1, $0x0, v31;
	v31 =	vld [tilespmem:s2+$0x10]  }
0x120: {  	v40 =	vadd.s32 s1, v23;
	[tilespmem:s24+$0x30] =	vst v34;
	v62 =	vld.idx.msk [tilespmem:v57+s14+$0x0], vm2;
	v63 =	vsub.f32 v58, v8;
	v10 =	vmul.f32 v10, v16  }
0x121: {  	[tilespmem:s29+$0x10] =	vst v8;
	v8 =	vnsel vm1, $0x0, v9;
	v9 =	vld [tilespmem:s18+$0x10]  }
0x122: {  	v43 =	vadd.s32 s17, v23;
	v30 =	vld.idx.msk [tilespmem:v30+s14+$0x0], vm7;
	[tilespmem:s25+$0x10] =	vst v63;
	v42 =	vsub.f32 v59, v10;
	v8 =	vmul.f32 v8, v16  }
0x123: {  	[tilespmem:s0+$0x10] =	vst v10;
	v32 =	vld.idx.msk [tilespmem:v60+s14+$0x0], vm2;
	v10 =	vnsel vm1, $0x0, v61  }
0x124: {  	v44 =	vld [tilespmem:s20+$0x30];
	v45 =	vadd.s32 s5, v23;
	[tilespmem:s26+$0x10] =	vst v42;
	v31 =	vsub.f32 v31, v8;
	v10 =	vmul.f32 v10, v16  }
0x125: {  	v34 =	vnsel vm2, $0x0, v62;
	[tilespmem:s16+$0x10] =	vst v8;
	v36 =	vld.idx.msk [tilespmem:v40+s14+$0x0], vm2  }
0x126: {  	v46 =	vld [tilespmem:s25+$0x20];
	v8 =	vmul.f32 v34, v16;
	[tilespmem:s2+$0x10] =	vst v31;
	v9 =	vsub.f32 v9, v10  }
0x127: {  	v31 =	vld.idx.msk [tilespmem:v43+s14+$0x0], vm2;
	[tilespmem:s4+$0x10] =	vst v10  }
0x128: {  	v47 =	vld [tilespmem:s26+$0x20];
	v10 =	vnsel vm7, $0x0, v30;
	v30 =	vsub.f32 v41, v8;
	v32 =	vnsel vm2, $0x0, v32;
	[tilespmem:s18+$0x10] =	vst v9  }
0x129: {  	[tilespmem:s22+$0x20] =	vst v8;
	v9 =	vmul.f32 v10, v16;
	v8 =	vmul.f32 v32, v16;
	v10 =	vld.idx.msk [tilespmem:v45+s14+$0x0], vm2  }
0x12a: {  	v48 =	vld [tilespmem:s2+$0x20];
	[tilespmem:s21+$0x20] =	vst v30;
	v30 =	vnsel vm2, $0x0, v36  }
0x12b: {  	v27 =	vld.idx.msk [tilespmem:v27+s14+$0x0], vm7;
	[tilespmem:s23+$0x30] =	vst v9;
	v34 =	vsub.f32 v46, v8;
	v30 =	vmul.f32 v30, v16  }
0x12c: {  	[tilespmem:s29+$0x20] =	vst v8;
	v8 =	vnsel vm2, $0x0, v31;
	v31 =	vld [tilespmem:s18+$0x20]  }
0x12d: {  	[tilespmem:s25+$0x20] =	vst v34;
	v49 =	vsub.f32 v47, v30;
	v8 =	vmul.f32 v8, v16  }
0x12e: {  	[tilespmem:s0+$0x20] =	vst v30;
	v28 =	vld.idx.msk [tilespmem:v28+s14+$0x0], vm7;
	v10 =	vnsel vm2, $0x0, v10  }
0x12f: {  	v30 =	vld [tilespmem:s21+$0x30];
	[tilespmem:s26+$0x20] =	vst v49;
	v32 =	vsub.f32 v48, v8;
	v10 =	vmul.f32 v10, v16  }
0x130: {  	[tilespmem:s16+$0x20] =	vst v8;
	v26 =	vld.idx.msk [tilespmem:v26+s14+$0x0], vm7  }
0x131: {  	v8 =	vnsel vm7, $0x0, v27;
	v27 =	vld [tilespmem:s25+$0x30];
	[tilespmem:s2+$0x20] =	vst v32;
	v31 =	vsub.f32 v31, v10  }
0x132: {  	v9 =	vsub.f32 v44, v9;
	v8 =	vmul.f32 v8, v16;
	v29 =	vld.idx.msk [tilespmem:v29+s14+$0x0], vm7;
	[tilespmem:s4+$0x20] =	vst v10  }
0x133: {  	v10 =	vnsel vm7, $0x0, v28;
	v28 =	vld [tilespmem:s26+$0x30];
	[tilespmem:s18+$0x20] =	vst v31  }
0x134: {  	[tilespmem:s20+$0x30] =	vst v9;
	v9 =	vsub.f32 v30, v8;
	v10 =	vmul.f32 v10, v16;
	v25 =	vld.idx.msk [tilespmem:v25+s14+$0x0], vm7  }
0x135: {  	[tilespmem:s22+$0x30] =	vst v8;
	v8 =	vnsel vm7, $0x0, v26;
	v26 =	vld [tilespmem:s2+$0x30]  }
0x136: {  	[tilespmem:s21+$0x30] =	vst v9;
	v9 =	vsub.f32 v27, v10;
	v8 =	vmul.f32 v8, v16  }
0x137: {  	[tilespmem:s29+$0x30] =	vst v10;
	v27 =	vld [tilespmem:s18+$0x30];
	v10 =	vnsel vm7, $0x0, v29  }
0x138: {  	[tilespmem:s25+$0x30] =	vst v9;
	v9 =	vsub.f32 v28, v8;
	v10 =	vmul.f32 v10, v16  }
0x139: {  	[tilespmem:s0+$0x30] =	vst v8;
	v8 =	vnsel vm7, $0x0, v25  }
0x13a: {  	[tilespmem:s26+$0x30] =	vst v9;
	v9 =	vsub.f32 v26, v10;
	v8 =	vmul.f32 v8, v16  }
0x13b: {  	[tilespmem:s16+$0x30] =	vst v10  }
0x13c: {  	[tilespmem:s2+$0x30] =	vst v9;
	v9 =	vsub.f32 v27, v8  }
0x13d: {  	s17 =	simm.s32 $0x4000;
	[tilespmem:s4+$0x30] =	vst v8  }
0x13e: {  	v8 =	vadd.s32 s17, v17;
	[tilespmem:s18+$0x30] =	vst v9  }
0x13f: {  	s25 =	simm.s32 $0x0;
	s26 =	simm.s32 $0x10100;
	s2 =	rddreg [dreg:$0x8]  }
0x140: {  	[hbm4b:s2+s25] =	stream.linear.scatter [tilespmem:s26], [sflag:$0x1], $0x4000, $0x38;
	[tilespmem:$0x18100] =	vst v63  }
0x141: {  	s30 =	rddreg [dreg:$0x9]  }
0x142: {  	[hbm4b:s30+s25] =	stream.linear.scatter [tilespmem:s11], [sflag:$0x1], $0x4000, $0x38;
	[tilespmem:$0x18100] =	vst v63  }
0x143: {  	v8 =	vld.idx.msk [tilespmem:v8+s14+$0x0], vm5;
	_ =	sdelay $0x1  }
0x144: {  	s26 =	simm.s32 $0x0  }
0x145: {  	v9 =	vld [tilespmem:s26+$0xC100];
	_ =	sdelay $0x1  }
0x146: {  	v8 =	vnsel vm5, $0x0, v8  }
0x147: {  	v10 =	vadd.s32 s17, v18;
	v8 =	vmul.f32 v8, v16;
	_ =	sdelay $0x1  }
0x148: {  	s31 =	simm.s32 $0x4080;
	v9 =	vsub.f32 v9, v8  }
0x149: {  	[tilespmem:s26+$0x14100] =	vst v8;
	v8 =	vadd.s32 s31, v17  }
0x14a: {  	[tilespmem:s26+$0xC100] =	vst v9  }
0x14b: {  	v9 =	vld.idx.msk [tilespmem:v10+s14+$0x0], vm6;
	_ =	sdelay $0x1  }
0x14c: {  	v10 =	vld [tilespmem:s26+$0xC110]  }
0x14d: {  	v8 =	vld.idx.msk [tilespmem:v8+s14+$0x0], vm5;
	_ =	sdelay $0x1  }
0x14e: {  	s21 =	simm.s32 $0x80;
	v9 =	vnsel vm6, $0x0, v9  }
0x14f: {  	v25 =	vadd.s32 s17, v19;
	v26 =	vld [tilespmem:s21+$0xC100];
	v9 =	vmul.f32 v9, v16;
	_ =	sdelay $0x1  }
0x150: {  	v8 =	vnsel vm5, $0x0, v8;
	v10 =	vsub.f32 v10, v9  }
0x151: {  	[tilespmem:s26+$0x14110] =	vst v9;
	v8 =	vmul.f32 v8, v16;
	v9 =	vadd.s32 s31, v18  }
0x152: {  	s25 =	simm.s32 $0x4100;
	[tilespmem:s26+$0xC110] =	vst v10  }
0x153: {  	v10 =	vld.idx.msk [tilespmem:v25+s14+$0x0], vm4;
	v25 =	vsub.f32 v26, v8;
	v26 =	vadd.s32 s25, v17  }
0x154: {  	[tilespmem:s21+$0x14100] =	vst v8  }
0x155: {  	v8 =	vld [tilespmem:s26+$0xC120];
	[tilespmem:s21+$0xC100] =	vst v25  }
0x156: {  	v9 =	vld.idx.msk [tilespmem:v9+s14+$0x0], vm6;
	_ =	sdelay $0x1  }
0x157: {  	v10 =	vnsel vm4, $0x0, v10;
	v25 =	vld.idx.msk [tilespmem:v26+s14+$0x0], vm5  }
0x158: {  	v27 =	vld [tilespmem:s21+$0xC110];
	v26 =	vadd.s32 s17, v20;
	v10 =	vmul.f32 v10, v16  }
0x159: {  	s20 =	simm.s32 $0x100  }
0x15a: {  	v8 =	vsub.f32 v8, v10;
	v9 =	vnsel vm6, $0x0, v9;
	[tilespmem:s26+$0x14120] =	vst v10;
	v10 =	vld [tilespmem:s20+$0xC100]  }
0x15b: {  	v28 =	vadd.s32 s31, v19;
	v9 =	vmul.f32 v9, v16  }
0x15c: {  	[tilespmem:s26+$0xC120] =	vst v8;
	v25 =	vnsel vm5, $0x0, v25  }
0x15d: {  	v8 =	vld.idx.msk [tilespmem:v26+s14+$0x0], vm3;
	v26 =	vsub.f32 v27, v9;
	v25 =	vmul.f32 v25, v16;
	v27 =	vadd.s32 s25, v18  }
0x15e: {  	[tilespmem:s21+$0x14110] =	vst v9  }
0x15f: {  	s24 =	simm.s32 $0x4180;
	[tilespmem:s21+$0xC110] =	vst v26;
	v9 =	vsub.f32 v10, v25;
	v10 =	vld [tilespmem:s26+$0xC130]  }
0x160: {  	[tilespmem:s20+$0x14100] =	vst v25;
	v25 =	vadd.s32 s24, v17;
	v26 =	vld.idx.msk [tilespmem:v28+s14+$0x0], vm4  }
0x161: {  	[tilespmem:s20+$0xC100] =	vst v9  }
0x162: {  	v8 =	vnsel vm3, $0x0, v8;
	v9 =	vld.idx.msk [tilespmem:v27+s14+$0x0], vm6  }
0x163: {  	v28 =	vld [tilespmem:s21+$0xC120];
	v27 =	vadd.s32 s17, v21;
	v8 =	vmul.f32 v8, v16  }
0x164: {  	v29 =	vld [tilespmem:s20+$0xC110]  }
0x165: {  	v10 =	vsub.f32 v10, v8;
	v26 =	vnsel vm4, $0x0, v26;
	[tilespmem:s26+$0x14130] =	vst v8;
	v8 =	vld.idx.msk [tilespmem:v25+s14+$0x0], vm5  }
0x166: {  	s22 =	simm.s32 $0x180;
	v25 =	vmul.f32 v26, v16;
	v26 =	vadd.s32 s31, v20  }
0x167: {  	v30 =	vld [tilespmem:s22+$0xC100];
	[tilespmem:s26+$0xC130] =	vst v10;
	v9 =	vnsel vm6, $0x0, v9  }
0x168: {  	v10 =	vld.idx.msk [tilespmem:v27+s14+$0x0], vm0;
	v27 =	vsub.f32 v28, v25;
	v9 =	vmul.f32 v9, v16;
	v28 =	vadd.s32 s25, v19  }
0x169: {  	[tilespmem:s21+$0x14120] =	vst v25  }
0x16a: {  	v25 =	vld [tilespmem:s26+$0xC140];
	[tilespmem:s21+$0xC120] =	vst v27;
	v27 =	vsub.f32 v29, v9;
	v8 =	vnsel vm5, $0x0, v8  }
0x16b: {  	[tilespmem:s20+$0x14110] =	vst v9;
	v9 =	vadd.s32 s24, v18;
	v26 =	vld.idx.msk [tilespmem:v26+s14+$0x0], vm3;
	v8 =	vmul.f32 v8, v16  }
0x16c: {  	s28 =	simm.s32 $0x4200;
	[tilespmem:s20+$0xC110] =	vst v27  }
0x16d: {  	v10 =	vnsel vm0, $0x0, v10;
	v27 =	vld.idx.msk [tilespmem:v28+s14+$0x0], vm4;
	v28 =	vsub.f32 v30, v8;
	[tilespmem:s22+$0x14100] =	vst v8;
	v8 =	vadd.s32 s28, v17  }
0x16e: {  	v29 =	vadd.s32 s17, v22;
	v30 =	vld [tilespmem:s21+$0xC130];
	v10 =	vmul.f32 v10, v16  }
0x16f: {  	[tilespmem:s22+$0xC100] =	vst v28  }
0x170: {  	v25 =	vsub.f32 v25, v10;
	v26 =	vnsel vm3, $0x0, v26;
	v9 =	vld.idx.msk [tilespmem:v9+s14+$0x0], vm6  }
0x171: {  	[tilespmem:s26+$0x14140] =	vst v10;
	v10 =	vld [tilespmem:s20+$0xC120];
	v26 =	vmul.f32 v26, v16  }
0x172: {  	v28 =	vadd.s32 s31, v21;
	[tilespmem:s26+$0xC140] =	vst v25;
	v8 =	vld.idx.msk [tilespmem:v8+s14+$0x0], vm5  }
0x173: {  	v27 =	vnsel vm4, $0x0, v27;
	v25 =	vld.idx.msk [tilespmem:v29+s14+$0x0], vm1;
	v29 =	vsub.f32 v30, v26  }
0x174: {  	v30 =	vld [tilespmem:s22+$0xC110];
	v27 =	vmul.f32 v27, v16;
	[tilespmem:s21+$0x14130] =	vst v26  }
0x175: {  	s23 =	simm.s32 $0x200;
	v26 =	vadd.s32 s25, v20;
	[tilespmem:s21+$0xC130] =	vst v29;
	v29 =	vld [tilespmem:s26+$0xC150]  }
0x176: {  	v9 =	vnsel vm6, $0x0, v9;
	v10 =	vsub.f32 v10, v27;
	[tilespmem:s20+$0x14120] =	vst v27;
	v27 =	vld [tilespmem:s23+$0xC100]  }
0x177: {  	v31 =	vadd.s32 s24, v19;
	v28 =	vld.idx.msk [tilespmem:v28+s14+$0x0], vm0;
	v9 =	vmul.f32 v9, v16  }
0x178: {  	v32 =	vld [tilespmem:s21+$0xC140];
	v25 =	vnsel vm1, $0x0, v25  }
0x179: {  	v50 =	vld [tilespmem:s23+$0xC110];
	[tilespmem:s20+$0xC120] =	vst v10;
	v8 =	vnsel vm5, $0x0, v8;
	v10 =	vsub.f32 v30, v9;
	v25 =	vmul.f32 v25, v16  }
0x17a: {  	s29 =	simm.s32 $0x280;
	v30 =	vadd.s32 s17, v23;
	[tilespmem:s22+$0x14110] =	vst v9;
	v9 =	vld.idx.msk [tilespmem:v26+s14+$0x0], vm3;
	v8 =	vmul.f32 v8, v16  }
0x17b: {  	v34 =	vld [tilespmem:s29+$0xC100];
	v26 =	vadd.s32 s28, v18;
	[tilespmem:s22+$0xC110] =	vst v10;
	v10 =	vsub.f32 v29, v25  }
0x17c: {  	v29 =	vld.idx.msk [tilespmem:v31+s14+$0x0], vm4;
	v28 =	vnsel vm0, $0x0, v28;
	[tilespmem:s26+$0x14150] =	vst v25;
	v25 =	vsub.f32 v27, v8  }
0x17d: {  	s0 =	simm.s32 $0x4280;
	v27 =	vld [tilespmem:s20+$0xC130];
	v31 =	vadd.s32 s31, v22;
	v28 =	vmul.f32 v28, v16;
	[tilespmem:s26+$0xC150] =	vst v10  }
0x17e: {  	v10 =	vadd.s32 s0, v17;
	[tilespmem:s23+$0xC100] =	vst v25;
	v25 =	vld [tilespmem:s22+$0xC120]  }
0x17f: {  	[tilespmem:s23+$0x14100] =	vst v8;
	v9 =	vnsel vm3, $0x0, v9;
	v8 =	vld.idx.msk [tilespmem:v30+s14+$0x0], vm2;
	v30 =	vsub.f32 v32, v28  }
0x180: {  	v26 =	vld.idx.msk [tilespmem:v26+s14+$0x0], vm6;
	[tilespmem:s21+$0x14140] =	vst v28;
	v9 =	vmul.f32 v9, v16  }
0x181: {  	v28 =	vadd.s32 s25, v21;
	[tilespmem:s21+$0xC140] =	vst v30;
	v30 =	vld [tilespmem:s26+$0xC160];
	v29 =	vnsel vm4, $0x0, v29  }
0x182: {  	v27 =	vsub.f32 v27, v9;
	v31 =	vld.idx.msk [tilespmem:v31+s14+$0x0], vm1;
	v29 =	vmul.f32 v29, v16  }
0x183: {  	[tilespmem:s20+$0x14130] =	vst v9;
	v9 =	vld.idx.msk [tilespmem:v10+s14+$0x0], vm5;
	v10 =	vadd.s32 s24, v20  }
0x184: {  	v53 =	vld [tilespmem:s22+$0xC130];
	[tilespmem:s20+$0xC130] =	vst v27;
	v8 =	vnsel vm2, $0x0, v8;
	v25 =	vsub.f32 v25, v29  }
0x185: {  	v51 =	vadd.s32 s17, v24;
	v27 =	vld [tilespmem:s21+$0xC150];
	v26 =	vnsel vm6, $0x0, v26;
	[tilespmem:s22+$0x14120] =	vst v29;
	v8 =	vmul.f32 v8, v16  }
0x186: {  	v28 =	vld.idx.msk [tilespmem:v28+s14+$0x0], vm0;
	v29 =	vadd.s32 s28, v19;
	v26 =	vmul.f32 v26, v16;
	[tilespmem:s22+$0xC120] =	vst v25  }
0x187: {  	v55 =	vld [tilespmem:s21+$0xC160];
	v30 =	vsub.f32 v30, v8;
	v31 =	vnsel vm1, $0x0, v31;
	[tilespmem:s26+$0x14160] =	vst v8  }
0x188: {  	v52 =	vadd.s32 s31, v23;
	v8 =	vsub.f32 v50, v26;
	[tilespmem:s23+$0x14110] =	vst v26;
	v10 =	vld.idx.msk [tilespmem:v10+s14+$0x0], vm3;
	v31 =	vmul.f32 v31, v16  }
0x189: {  	v25 =	vld [tilespmem:s20+$0xC140];
	v9 =	vnsel vm5, $0x0, v9;
	[tilespmem:s26+$0xC160] =	vst v30  }
0x18a: {  	v9 =	vmul.f32 v9, v16;
	v30 =	vadd.s32 s0, v18;
	[tilespmem:s23+$0xC110] =	vst v8;
	v26 =	vld.idx.msk [tilespmem:v51+s14+$0x0], vm7;
	v8 =	vsub.f32 v27, v31  }
0x18b: {  	v28 =	vnsel vm0, $0x0, v28;
	v29 =	vld.idx.msk [tilespmem:v29+s14+$0x0], vm4;
	[tilespmem:s21+$0x14150] =	vst v31  }
0x18c: {  	v54 =	vadd.s32 s25, v22;
	v27 =	vld [tilespmem:s26+$0xC170];
	v28 =	vmul.f32 v28, v16;
	v31 =	vsub.f32 v34, v9;
	[tilespmem:s21+$0xC150] =	vst v8  }
0x18d: {  	s1 =	simm.s32 $0x4300;
	[tilespmem:s29+$0x14100] =	vst v9;
	v8 =	vld.idx.msk [tilespmem:v52+s14+$0x0], vm2;
	v10 =	vnsel vm3, $0x0, v10  }
0x18e: {  	v9 =	vadd.s32 s1, v17;
	v25 =	vsub.f32 v25, v28;
	[tilespmem:s29+$0xC100] =	vst v31;
	v31 =	vld [tilespmem:s23+$0xC120];
	v10 =	vmul.f32 v10, v16  }
0x18f: {  	[tilespmem:s20+$0x14140] =	vst v28;
	v28 =	vadd.s32 s24, v21;
	v30 =	vld.idx.msk [tilespmem:v30+s14+$0x0], vm6;
	v26 =	vnsel vm7, $0x0, v26  }
0x190: {  	v57 =	vld [tilespmem:s29+$0xC110];
	[tilespmem:s20+$0xC140] =	vst v25;
	v25 =	vmul.f32 v26, v16;
	v26 =	vnsel vm4, $0x0, v29;
	v29 =	vsub.f32 v53, v10  }
0x191: {  	v56 =	vld.idx.msk [tilespmem:v54+s14+$0x0], vm1;
	[tilespmem:s22+$0x14130] =	vst v10;
	v26 =	vmul.f32 v26, v16  }
0x192: {  	v59 =	vld [tilespmem:s22+$0xC140];
	v10 =	vsub.f32 v27, v25;
	v27 =	vadd.s32 s28, v20;
	[tilespmem:s22+$0xC130] =	vst v29;
	v8 =	vnsel vm2, $0x0, v8  }
0x193: {  	v9 =	vld.idx.msk [tilespmem:v9+s14+$0x0], vm5;
	v29 =	vsub.f32 v31, v26;
	v8 =	vmul.f32 v8, v16;
	[tilespmem:s23+$0x14120] =	vst v26  }
0x194: {  	v58 =	vadd.s32 s31, v24;
	v31 =	vld [tilespmem:s20+$0xC150];
	[tilespmem:s26+$0xC170] =	vst v10;
	v10 =	vnsel vm6, $0x0, v30  }
0x195: {  	s2 =	simm.s32 $0x300;
	v28 =	vld.idx.msk [tilespmem:v28+s14+$0x0], vm0;
	v30 =	vadd.s32 s0, v19;
	v10 =	vmul.f32 v10, v16;
	[tilespmem:s23+$0xC120] =	vst v29;
	v26 =	vsub.f32 v55, v8  }
0x196: {  	v60 =	vnsel vm1, $0x0, v56;
	v29 =	vld [tilespmem:s2+$0xC100];
	[tilespmem:s21+$0x14160] =	vst v8  }
0x197: {  	v8 =	vsub.f32 v57, v10;
	v61 =	vld.idx.msk [tilespmem:v27+s14+$0x0], vm3;
	v27 =	vmul.f32 v60, v16;
	[tilespmem:s21+$0xC160] =	vst v26  }
0x198: {  	v62 =	vadd.s32 s25, v23;
	v33 =	vld [tilespmem:s29+$0xC120];
	v9 =	vnsel vm5, $0x0, v9;
	[tilespmem:s29+$0x14110] =	vst v10  }
0x199: {  	v63 =	vadd.s32 s1, v18;
	v9 =	vmul.f32 v9, v16;
	v10 =	vld.idx.msk [tilespmem:v58+s14+$0x0], vm7;
	[tilespmem:s29+$0xC110] =	vst v8;
	v8 =	vsub.f32 v31, v27  }
0x19a: {  	[tilespmem:s20+$0x14150] =	vst v27;
	v27 =	vnsel vm0, $0x0, v28;
	v30 =	vld.idx.msk [tilespmem:v30+s14+$0x0], vm4  }
0x19b: {  	v28 =	vadd.s32 s24, v22;
	v31 =	vsub.f32 v29, v9;
	v29 =	vld [tilespmem:s23+$0xC130];
	[tilespmem:s20+$0xC150] =	vst v8;
	v8 =	vmul.f32 v27, v16  }
0x19c: {  	s4 =	simm.s32 $0x4380;
	v26 =	vld [tilespmem:s21+$0xC170];
	[tilespmem:s2+$0x14100] =	vst v9  }
0x19d: {  	v36 =	vadd.s32 s4, v17;
	v27 =	vld.idx.msk [tilespmem:v62+s14+$0x0], vm2;
	[tilespmem:s2+$0xC100] =	vst v31;
	v9 =	vnsel vm3, $0x0, v61;
	v34 =	vsub.f32 v59, v8  }
0x19e: {  	s6 =	simm.s32 $0x1000;
	s5 =	simm.s32 $0x87;
	s16 =	simm.s32 $0xE00;
	v35 =	vld.idx.msk [tilespmem:v63+s14+$0x0], vm6;
	v32 =	vmul.f32 v9, v16;
	[tilespmem:s22+$0x14140] =	vst v8;
	v31 =	vnsel vm7, $0x0, v10  }
.LBB2_6:
0x19f: {  	p0 =	sne.s32 s6, $0xFE00;
	v8 =	vadd.s32 s28, v21;
	[tilespmem:s22+$0xC140] =	vst v34;
	v9 =	vld [tilespmem:s20+$0xC160];
	v10 =	vmul.f32 v31, v16  }
0x1a0: {  	v30 =	vnsel vm4, $0x0, v30;
	v29 =	vsub.f32 v29, v32;
	v28 =	vld.idx.msk [tilespmem:v28+s14+$0x0], vm1;
	[tilespmem:s26+$0x14170] =	vst v25;
	s26 =	smov.u32 s21;
	s21 =	smov.u32 s20;
	s20 =	smov.u32 s22  }
0x1a1: {  	v30 =	vmul.f32 v30, v16;
	s22 =	smov.u32 s23;
	v31 =	vld [tilespmem:s2+$0xC110];
	[tilespmem:s23+$0x14130] =	vst v32;
	v26 =	vsub.f32 v26, v10;
	v25 =	vmov v10;
	s23 =	smov.u32 s29;
	s29 =	smov.u32 s2  }
0x1a2: {  	v32 =	vadd.s32 s0, v20;
	v27 =	vnsel vm2, $0x0, v27;
	v10 =	vld.idx.msk [tilespmem:v36+s14+$0x0], vm5;
	[tilespmem:s22+$0xC130] =	vst v29  }
0x1a3: {  	v34 =	vadd.s32 s25, v24;
	s25 =	smov.u32 s24;
	s24 =	smov.u32 s28;
	s28 =	smov.u32 s0;
	v29 =	vsub.f32 v33, v30;
	v27 =	vmul.f32 v27, v16;
	v33 =	vld [tilespmem:s20+$0xC150];
	[tilespmem:s26+$0xC170] =	vst v26  }
0x1a4: {  	s0 =	smov.u32 s1;
	s1 =	smov.u32 s4;
	v26 =	vnsel vm6, $0x0, v35;
	[tilespmem:s23+$0x14120] =	vst v30;
	v8 =	vld.idx.msk [tilespmem:v8+s14+$0x0], vm0  }
0x1a5: {  	s2 =	sshra.s32 s16, $0x2;
	s16 =	smov.u32 s6;
	v26 =	vmul.f32 v26, v16;
	v30 =	vadd.s32 s0, v19;
	v9 =	vsub.f32 v9, v27;
	[tilespmem:s23+$0xC120] =	vst v29;
	v35 =	vld [tilespmem:s22+$0xC140]  }
0x1a6: {  	v28 =	vnsel vm1, $0x0, v28;
	v29 =	vld [tilespmem:s2+$0xC100];
	[tilespmem:s21+$0x14160] =	vst v27  }
0x1a7: {  	v27 =	vsub.f32 v31, v26;
	v28 =	vmul.f32 v28, v16;
	v31 =	vld.idx.msk [tilespmem:v32+s14+$0x0], vm3;
	v32 =	vadd.s32 s25, v23;
	[tilespmem:s21+$0xC160] =	vst v9  }
0x1a8: {  	v9 =	vnsel vm5, $0x0, v10;
	[tilespmem:s29+$0x14110] =	vst v26;
	v10 =	vld.idx.msk [tilespmem:v34+s14+$0x0], vm7  }
0x1a9: {  	v37 =	vadd.s32 s1, v18;
	v9 =	vmul.f32 v9, v16;
	[tilespmem:s29+$0xC110] =	vst v27;
	v27 =	vsub.f32 v33, v28;
	v26 =	vld [tilespmem:s21+$0xC170]  }
.Ltmp2:
0x1aa: {  	v8 =	vnsel vm0, $0x0, v8;
	v30 =	vld.idx.msk [tilespmem:v30+s14+$0x0], vm4;
	[tilespmem:s20+$0x14150] =	vst v28;
	(pc) =	sbr.rel @p0 .LBB2_6-.Ltmp2, $4  }
0x1ab: {  	s5 =	sadd.s32 $0x1, s5;
	v8 =	vmul.f32 v8, v16;
	v28 =	vadd.s32 s24, v22;
	v33 =	vsub.f32 v29, v9;
	v29 =	vld [tilespmem:s23+$0xC130];
	[tilespmem:s20+$0xC150] =	vst v27  }
0x1ac: {  	s4 =	sshll.u32 s5, $0x7;
	[tilespmem:s2+$0x14100] =	vst v9;
	v27 =	vld.idx.msk [tilespmem:v32+s14+$0x0], vm2  }
0x1ad: {  	v36 =	vadd.s32 s4, v17;
	v9 =	vnsel vm3, $0x0, v31;
	v34 =	vsub.f32 v35, v8;
	[tilespmem:s2+$0xC100] =	vst v33;
	v33 =	vld [tilespmem:s29+$0xC120]  }
0x1ae: {  	s6 =	sadd.s32 $0x200, s6;
	v32 =	vmul.f32 v9, v16;
	v31 =	vnsel vm7, $0x0, v10;
	v35 =	vld.idx.msk [tilespmem:v37+s14+$0x0], vm6;
	[tilespmem:s22+$0x14140] =	vst v8  }
0x1af: {  	_ =	sdelay $0x4  }
0x1b0: {  	v8 =	vld.idx.msk [tilespmem:v36+s14+$0x0], vm5;
	_ =	sdelay $0x1  }
0x1b1: {  	s5 =	sshra.s32 s16, $0x2  }
0x1b2: {  	v9 =	vld [tilespmem:s5+$0xC100];
	_ =	sdelay $0x1  }
0x1b3: {  	v8 =	vnsel vm5, $0x0, v8  }
0x1b4: {  	v10 =	vadd.s32 s4, v18;
	v8 =	vmul.f32 v8, v16;
	_ =	sdelay $0x1  }
0x1b5: {  	v9 =	vsub.f32 v9, v8  }
0x1b6: {  	[tilespmem:s5+$0x14100] =	vst v8  }
0x1b7: {  	[tilespmem:s5+$0xC100] =	vst v9  }
0x1b8: {  	v8 =	vld.idx.msk [tilespmem:v10+s14+$0x0], vm6  }
0x1b9: {  	v9 =	vld [tilespmem:s2+$0xC110];
	_ =	sdelay $0x1  }
0x1ba: {  	v17 =	vld [tilespmem:s5+$0xC110];
	v10 =	vnsel vm6, $0x0, v35  }
0x1bb: {  	v60 =	vadd.s32 s1, v19;
	v10 =	vmul.f32 v10, v16  }
0x1bc: {  	v8 =	vnsel vm6, $0x0, v8  }
0x1bd: {  	v61 =	vadd.s32 s4, v19;
	v9 =	vsub.f32 v9, v10;
	v8 =	vmul.f32 v8, v16  }
0x1be: {  	[tilespmem:s2+$0x14110] =	vst v10  }
0x1bf: {  	[tilespmem:s2+$0xC110] =	vst v9;
	v9 =	vsub.f32 v17, v8  }
0x1c0: {  	v10 =	vld.idx.msk [tilespmem:v60+s14+$0x0], vm4;
	[tilespmem:s5+$0x14110] =	vst v8  }
0x1c1: {  	[tilespmem:s5+$0xC110] =	vst v9  }
0x1c2: {  	v8 =	vld.idx.msk [tilespmem:v61+s14+$0x0], vm4  }
0x1c3: {  	v17 =	vld [tilespmem:s2+$0xC120];
	v9 =	vnsel vm4, $0x0, v30  }
0x1c4: {  	v62 =	vadd.s32 s0, v20;
	v9 =	vmul.f32 v9, v16  }
0x1c5: {  	v63 =	vld [tilespmem:s5+$0xC120];
	v10 =	vnsel vm4, $0x0, v10  }
0x1c6: {  	v37 =	vadd.s32 s1, v20;
	v36 =	vsub.f32 v33, v9;
	v10 =	vmul.f32 v10, v16  }
0x1c7: {  	[tilespmem:s29+$0x14120] =	vst v9;
	v8 =	vnsel vm4, $0x0, v8  }
0x1c8: {  	[tilespmem:s29+$0xC120] =	vst v36;
	v9 =	vsub.f32 v17, v10;
	v17 =	vadd.s32 s4, v20;
	v8 =	vmul.f32 v8, v16  }
0x1c9: {  	[tilespmem:s2+$0x14120] =	vst v10;
	v18 =	vld.idx.msk [tilespmem:v62+s14+$0x0], vm3  }
0x1ca: {  	[tilespmem:s2+$0xC120] =	vst v9;
	v9 =	vsub.f32 v63, v8  }
0x1cb: {  	v10 =	vld.idx.msk [tilespmem:v37+s14+$0x0], vm3;
	[tilespmem:s5+$0x14120] =	vst v8  }
0x1cc: {  	v8 =	vld [tilespmem:s29+$0xC130];
	[tilespmem:s5+$0xC120] =	vst v9  }
0x1cd: {  	v9 =	vadd.s32 s28, v21;
	v17 =	vld.idx.msk [tilespmem:v17+s14+$0x0], vm3  }
0x1ce: {  	v38 =	vld [tilespmem:s2+$0xC130];
	[tilespmem:s22+$0xC140] =	vst v34;
	v18 =	vnsel vm3, $0x0, v18  }
0x1cf: {  	v40 =	vadd.s32 s0, v21;
	[tilespmem:s26+$0x14170] =	vst v25;
	v39 =	vsub.f32 v29, v32;
	v18 =	vmul.f32 v18, v16  }
0x1d0: {  	[tilespmem:s23+$0x14130] =	vst v32;
	v41 =	vld [tilespmem:s5+$0xC130];
	v10 =	vnsel vm3, $0x0, v10  }
0x1d1: {  	v42 =	vadd.s32 s1, v21;
	[tilespmem:s23+$0xC130] =	vst v39;
	v8 =	vsub.f32 v8, v18;
	v10 =	vmul.f32 v10, v16  }
0x1d2: {  	[tilespmem:s29+$0x14130] =	vst v18;
	v9 =	vld.idx.msk [tilespmem:v9+s14+$0x0], vm0;
	v17 =	vnsel vm3, $0x0, v17  }
0x1d3: {  	v43 =	vld [tilespmem:s20+$0xC160];
	v44 =	vadd.s32 s4, v21;
	[tilespmem:s29+$0xC130] =	vst v8;
	v8 =	vsub.f32 v38, v10;
	v17 =	vmul.f32 v17, v16  }
0x1d4: {  	[tilespmem:s2+$0x14130] =	vst v10;
	v45 =	vld.idx.msk [tilespmem:v40+s14+$0x0], vm0  }
0x1d5: {  	v46 =	vld [tilespmem:s23+$0xC140];
	v10 =	vmul.f32 v31, v16;
	[tilespmem:s2+$0xC130] =	vst v8;
	v8 =	vsub.f32 v41, v17  }
0x1d6: {  	v20 =	vld.idx.msk [tilespmem:v42+s14+$0x0], vm0;
	[tilespmem:s5+$0x14130] =	vst v17  }
0x1d7: {  	v48 =	vld [tilespmem:s29+$0xC140];
	v47 =	vnsel vm2, $0x0, v27;
	v17 =	vsub.f32 v26, v10;
	v9 =	vnsel vm0, $0x0, v9;
	[tilespmem:s5+$0xC130] =	vst v8  }
0x1d8: {  	v49 =	vadd.s32 s28, v22;
	[tilespmem:s21+$0x14170] =	vst v10;
	v8 =	vmul.f32 v47, v16;
	v9 =	vmul.f32 v9, v16;
	v19 =	vld.idx.msk [tilespmem:v44+s14+$0x0], vm0  }
0x1d9: {  	v50 =	vld [tilespmem:s2+$0xC140];
	[tilespmem:s21+$0xC170] =	vst v17;
	v17 =	vnsel vm0, $0x0, v45  }
0x1da: {  	v53 =	vadd.s32 s0, v22;
	v51 =	vld.idx.msk [tilespmem:v28+s14+$0x0], vm1;
	v17 =	vmul.f32 v17, v16;
	[tilespmem:s20+$0x14160] =	vst v8;
	v52 =	vsub.f32 v46, v9  }
0x1db: {  	v54 =	vld [tilespmem:s5+$0xC140];
	[tilespmem:s23+$0x14140] =	vst v9;
	v9 =	vnsel vm0, $0x0, v20  }
0x1dc: {  	v55 =	vld [tilespmem:s22+$0xC150];
	v56 =	vadd.s32 s1, v22;
	v27 =	vsub.f32 v48, v17;
	v9 =	vmul.f32 v9, v16;
	[tilespmem:s23+$0xC140] =	vst v52  }
0x1dd: {  	[tilespmem:s29+$0x14140] =	vst v17;
	v25 =	vld.idx.msk [tilespmem:v49+s14+$0x0], vm1;
	v17 =	vnsel vm0, $0x0, v19  }
0x1de: {  	v58 =	vadd.s32 s4, v22;
	v39 =	vld [tilespmem:s5+$0xC150];
	[tilespmem:s29+$0xC140] =	vst v27;
	v57 =	vsub.f32 v50, v9;
	v17 =	vmul.f32 v17, v16  }
0x1df: {  	v59 =	vnsel vm1, $0x0, v51;
	[tilespmem:s2+$0x14140] =	vst v9;
	v60 =	vld.idx.msk [tilespmem:v53+s14+$0x0], vm1  }
0x1e0: {  	v61 =	vadd.s32 s24, v23;
	v62 =	vld [tilespmem:s23+$0xC150];
	v9 =	vmul.f32 v59, v16;
	[tilespmem:s2+$0xC140] =	vst v57;
	v63 =	vsub.f32 v54, v17  }
0x1e1: {  	v32 =	vld.idx.msk [tilespmem:v56+s14+$0x0], vm1;
	[tilespmem:s5+$0x14140] =	vst v17  }
0x1e2: {  	v35 =	vadd.s32 s25, v24;
	v33 =	vld [tilespmem:s29+$0xC150];
	v17 =	vsub.f32 v55, v9;
	v25 =	vnsel vm1, $0x0, v25;
	[tilespmem:s5+$0xC140] =	vst v63  }
0x1e3: {  	v34 =	vadd.s32 s28, v23;
	v8 =	vsub.f32 v43, v8;
	[tilespmem:s22+$0x14150] =	vst v9;
	v9 =	vmul.f32 v25, v16;
	v19 =	vld.idx.msk [tilespmem:v58+s14+$0x0], vm1  }
0x1e4: {  	v36 =	vld [tilespmem:s2+$0xC150];
	[tilespmem:s22+$0xC150] =	vst v17;
	v17 =	vnsel vm1, $0x0, v60  }
0x1e5: {  	v38 =	vadd.s32 s0, v23;
	[tilespmem:s20+$0xC160] =	vst v8;
	v8 =	vld.idx.msk [tilespmem:v61+s14+$0x0], vm2;
	v17 =	vmul.f32 v17, v16;
	v37 =	vsub.f32 v62, v9  }
0x1e6: {  	v40 =	vld [tilespmem:s22+$0xC160];
	[tilespmem:s23+$0x14150] =	vst v9;
	v9 =	vnsel vm1, $0x0, v32  }
0x1e7: {  	v42 =	vadd.s32 s1, v23;
	v43 =	vld.idx.msk [tilespmem:v35+s14+$0x0], vm7;
	v41 =	vsub.f32 v33, v17;
	v9 =	vmul.f32 v9, v16;
	[tilespmem:s23+$0xC150] =	vst v37  }
0x1e8: {  	[tilespmem:s29+$0x14150] =	vst v17;
	v18 =	vld.idx.msk [tilespmem:v34+s14+$0x0], vm2;
	v17 =	vnsel vm1, $0x0, v19  }
0x1e9: {  	v45 =	vadd.s32 s4, v23;
	[tilespmem:s29+$0xC150] =	vst v41;
	v44 =	vsub.f32 v36, v9;
	v17 =	vmul.f32 v17, v16  }
0x1ea: {  	[tilespmem:s2+$0x14150] =	vst v9;
	v8 =	vnsel vm2, $0x0, v8;
	v46 =	vld.idx.msk [tilespmem:v38+s14+$0x0], vm2  }
0x1eb: {  	v47 =	vld [tilespmem:s23+$0xC160];
	v8 =	vmul.f32 v8, v16;
	[tilespmem:s2+$0xC150] =	vst v44;
	v20 =	vsub.f32 v39, v17  }
0x1ec: {  	v9 =	vadd.s32 s24, v24;
	v21 =	vld.idx.msk [tilespmem:v42+s14+$0x0], vm2;
	[tilespmem:s5+$0x14150] =	vst v17  }
0x1ed: {  	v48 =	vld [tilespmem:s29+$0xC160];
	v19 =	vnsel vm7, $0x0, v43;
	v17 =	vsub.f32 v40, v8;
	v18 =	vnsel vm2, $0x0, v18;
	[tilespmem:s5+$0xC150] =	vst v20  }
0x1ee: {  	v49 =	vadd.s32 s28, v24;
	v19 =	vmul.f32 v19, v16;
	[tilespmem:s22+$0x14160] =	vst v8;
	v8 =	vmul.f32 v18, v16;
	v20 =	vld.idx.msk [tilespmem:v45+s14+$0x0], vm2  }
0x1ef: {  	v50 =	vld [tilespmem:s2+$0xC160];
	[tilespmem:s22+$0xC160] =	vst v17;
	v17 =	vnsel vm2, $0x0, v46  }
0x1f0: {  	v51 =	vadd.s32 s0, v24;
	v52 =	vld [tilespmem:s5+$0xC160];
	[tilespmem:s20+$0x14170] =	vst v19;
	v17 =	vmul.f32 v17, v16;
	v10 =	vsub.f32 v47, v8  }
0x1f1: {  	v9 =	vld.idx.msk [tilespmem:v9+s14+$0x0], vm7;
	[tilespmem:s23+$0x14160] =	vst v8;
	v8 =	vnsel vm2, $0x0, v21  }
0x1f2: {  	v53 =	vld [tilespmem:s20+$0xC170];
	v54 =	vadd.s32 s1, v24;
	v8 =	vmul.f32 v8, v16;
	[tilespmem:s23+$0xC160] =	vst v10;
	v10 =	vsub.f32 v48, v17  }
0x1f3: {  	[tilespmem:s29+$0x14160] =	vst v17;
	v18 =	vld.idx.msk [tilespmem:v49+s14+$0x0], vm7;
	v17 =	vnsel vm2, $0x0, v20  }
0x1f4: {  	v56 =	vadd.s32 s4, v24;
	v55 =	vld [tilespmem:s22+$0xC170];
	[tilespmem:s29+$0xC160] =	vst v10;
	v10 =	vsub.f32 v50, v8;
	v17 =	vmul.f32 v17, v16  }
0x1f5: {  	[tilespmem:s2+$0x14160] =	vst v8;
	v23 =	vld.idx.msk [tilespmem:v51+s14+$0x0], vm7  }
0x1f6: {  	v8 =	vnsel vm7, $0x0, v9;
	v9 =	vld [tilespmem:s23+$0xC170];
	[tilespmem:s2+$0xC160] =	vst v10;
	v10 =	vsub.f32 v52, v17  }
0x1f7: {  	v57 =	vsub.f32 v53, v19;
	v8 =	vmul.f32 v8, v16;
	v58 =	vld.idx.msk [tilespmem:v54+s14+$0x0], vm7;
	[tilespmem:s5+$0x14160] =	vst v17  }
0x1f8: {  	v59 =	vld [tilespmem:s29+$0xC170];
	v17 =	vnsel vm7, $0x0, v18;
	[tilespmem:s5+$0xC160] =	vst v10  }
0x1f9: {  	[tilespmem:s20+$0xC170] =	vst v57;
	v10 =	vsub.f32 v55, v8;
	v17 =	vmul.f32 v17, v16;
	v60 =	vld.idx.msk [tilespmem:v56+s14+$0x0], vm7  }
0x1fa: {  	v62 =	vld [tilespmem:s2+$0xC170];
	[tilespmem:s22+$0x14170] =	vst v8;
	v61 =	vnsel vm7, $0x0, v23  }
0x1fb: {  	[tilespmem:s22+$0xC170] =	vst v10;
	v9 =	vsub.f32 v9, v17;
	v10 =	vmul.f32 v61, v16  }
0x1fc: {  	v63 =	vld [tilespmem:s5+$0xC170];
	[tilespmem:s23+$0x14170] =	vst v17;
	v8 =	vnsel vm7, $0x0, v58  }
0x1fd: {  	[tilespmem:s23+$0xC170] =	vst v9;
	v9 =	vsub.f32 v59, v10;
	v8 =	vmul.f32 v8, v16  }
0x1fe: {  	[tilespmem:s29+$0x14170] =	vst v10;
	v17 =	vnsel vm7, $0x0, v60  }
0x1ff: {  	[tilespmem:s29+$0xC170] =	vst v9;
	v9 =	vsub.f32 v62, v8;
	v16 =	vmul.f32 v17, v16  }
0x200: {  	[tilespmem:s2+$0x14170] =	vst v8  }
0x201: {  	[tilespmem:s2+$0xC170] =	vst v9;
	v9 =	vsub.f32 v63, v16  }
0x202: {  	[tilespmem:s5+$0x14170] =	vst v16  }
0x203: {  	s30 =	simm.s32 $0x14100;
	[tilespmem:s5+$0xC170] =	vst v9  }
0x204: {  	[hbm4b:s8+s3] =	stream.linear.scatter [tilespmem:s30], [sflag:$0x1], $0x4000, $0x38;
	[tilespmem:$0x18100] =	vst v63  }
0x205: {  	s31 =	simm.s32 $0xC100  }
0x206: {  	[hbm4b:s9+s3] =	stream.linear.scatter [tilespmem:s31], [sflag:$0x1], $0x4000, $0x38;
	[tilespmem:$0x18100] =	vst v63  }
0x207: {  	_ =	swait.ge [sflag:s13], $0x4000  }
0x208: {  	[sflag:s13] =	ssyncset.done $0x0  }
0x209: {  	[sflag:s13] =	ssyncadd.s32 $0xFFFFC000  }
0x20a: {  	_ =	swait.ge [sflag:s13], $0x4000  }
0x20b: {  	[sflag:s13] =	ssyncset.done $0x0  }
0x20c: {  	s19 =	sadd.s32 $0x1, s19;
	[sflag:s13] =	ssyncadd.s32 $0xFFFFC000  }
0x20d: {  	p0 =	sne.s32 s19, s10;
	_ =	swait.ge [sflag:s13], $0x4000  }
.Ltmp3:
0x20e: {  	[sflag:s13] =	ssyncset.done $0x0;
	(pc) =	sbr.rel @p0 .LBB2_1-.Ltmp3, $4  }
0x20f: {  	[sflag:s13] =	ssyncadd.s32 $0xFFFFC000  }
0x210: {  	_ =	swait.ge [sflag:s13], $0x4000  }
0x211: {  	[sflag:s13] =	ssyncset.done $0x0  }
0x212: {  	[sflag:s13] =	ssyncadd.s32 $0xFFFFC000  }
0x213: {  	_ =	sfence.sel $0x180000  }
0x214: {  	[bflag:$0x0] =	sbarrier.arrive $0xFFFF  }
0x215: {  	_ =	strace $0x90000047  }
0x216: {  	s0 =	stileid.u32;
	[bflag:$0x2] =	sbarrier.arrive $0xFFFF  }
0x217: {  	p0 =	sne.s32 s0, $0x0;
	s0 =	rddreg [dreg:$0x5]  }
0x218: {  	s0 =	sadd.s32 @!p0 $0x100000, s0  }
0x219: {  	[sflag:s0] =	ssyncadd.tile.s32 @!p0 $0x1;
	_ =	shalt  }
.Lfunc_end2:
_tile_overlayer_lowered:
.L_overlay_start_2:
0x21a: {  	(tag) =	ssettag $0x2  }
0x21b: {  	s0 =	rddreg [dreg:$0x0];
	s2 =	stileid.u32  }
0x21c: {  	s1 =	rddreg [dreg:$0x1];
	p0 =	sne.s32 s2, $0x0  }
0x21d: {  	s3 =	rddreg [dreg:$0x2];
	[bflag:$0x3] =	sbarrier.arrive $0xFFFF;
	s2 =	simm.s32 @!p0 $0x1C03  }
0x21e: {  	[timem:s3], [sflag:s2] =	dma.local @!p0 [hbm:s0], s1  }
0x21f: {  	s0 =	simm.s32 @!p0 $0x3  }
0x220: {  	_ =	swait.ge @!p0 [sflag:s0], s1  }
0x221: {  	s1 =	ssub.s32 @!p0 $0x0, s1;
	[sflag:s0] =	ssyncset.done @!p0 $0x0  }
0x222: {  	[sflag:s0] =	ssyncadd.s32 @!p0 s1  }
0x223: {  	[bflag:$0x3] =	sbarrier.arrive $0xFFFF  }
0x224: {  	_ =	shalt  }

</sc_bundles>
